<compile_context>
chip_gen: v7x
topology: tpu7x:2x2x1
jax: 0.10.2.dev20260603
libtpu: 0.0.44.dev20260713+nightly
codegen_flags: <defaults>
</compile_context>

<pallas_src>
import functools

import jax
import jax.numpy as jnp
from jax import lax
from jax.experimental import pallas as pl
from jax.experimental.pallas import tpu as pltpu
from jax.experimental.pallas import tpu_sc as plsc

_F = 64
_TAB_PAD = 256
_BM = 512
_CAP = 2048
_TCAP = 64


def _sc_sweep(table_t, tail_t, dest):
    B = dest.shape[0]
    V = table_t.shape[1]
    try:
        info = plsc.get_sparse_core_info()
        nc, ns = info.num_cores, info.num_subcores
    except Exception:
        nc, ns = 2, 16
    nw = nc * ns
    ng = V // 256
    baseq, rem = divmod(ng, nw)
    mesh = plsc.VectorSubcoreMesh(core_axis_name="c", subcore_axis_name="s")

    @functools.partial(
        pl.kernel,
        mesh=mesh,
        compiler_params=pltpu.CompilerParams(needs_layout_passes=False),
        out_type=jax.ShapeDtypeStruct((B + 16, 128), jnp.float32),
        scratch_types=[
            pltpu.VMEM((B,), jnp.int32),
            pltpu.VMEM((_CAP,), jnp.int32),
            pltpu.VMEM((_CAP,), jnp.int32),
            pltpu.VMEM((_TCAP,), jnp.int32),
            pltpu.VMEM((_TCAP,), jnp.int32),
            pltpu.VMEM((_F, 1024), jnp.float32),
            pltpu.VMEM((_F, V - ng * 256) if V % 256 else (_F, 128),
                       jnp.float32),
            pltpu.VMEM((32, 128), jnp.float32),
            pltpu.SemaphoreType.DMA,
            pltpu.SemaphoreType.DMA,
            pltpu.SemaphoreType.DMA,
            pltpu.SemaphoreType.DMA,
            pltpu.SemaphoreType.DMA,
            pltpu.SemaphoreType.DMA,
        ],
    )
    def sweep_k(dest_hbm, table_hbm, tail_hbm, out_hbm,
                dest_v, dlist, plist, md, mp, slab, tail_v, rows,
                sem_sl0, sem_sl1, sem_sl2, sem_sl3, sem_fl0, sem_fl1):
        wid = lax.axis_index("s") * nc + lax.axis_index("c")
        ntile = baseq + jnp.where(wid < rem, 1, 0)
        tstart = wid * baseq + jnp.minimum(wid, rem)
        c0 = tstart * 256
        is_last = wid == nw - 1
        cend = jnp.where(is_last, V, (tstart + ntile) * 256)
        iota16 = lax.broadcasted_iota(jnp.int32, (16,), 0)

        pltpu.sync_copy(dest_hbm, dest_v)
        pltpu.sync_copy(tail_hbm, tail_v)

        slab_sems = (sem_sl0, sem_sl1, sem_sl2, sem_sl3)

        def fire(t):
            ct = tstart + t
            h = lax.rem(t, 4)
            col0 = pl.multiple_of(ct * 256, 256)
            dsth = pl.multiple_of(h * 256, 256)
            for hh in range(4):
                @pl.when(h == hh)
                def _(hh=hh):
                    pltpu.make_async_copy(
                        table_hbm.at[:, pl.ds(col0, 256)],
                        slab.at[:, pl.ds(dsth, 256)], slab_sems[hh]).start()

        def wait_tile(t):
            h = lax.rem(t, 4)
            for hh in range(4):
                @pl.when(h == hh)
                def _(hh=hh):
                    pltpu.make_async_copy(
                        table_hbm.at[:, pl.ds(0, 256)],
                        slab.at[:, pl.ds(0, 256)], slab_sems[hh]).wait()

        def process(ct, h, carry, use_tail):

            def scan(j, cnt):
                j16 = pl.multiple_of(j * 16, 16)
                d = dlist[pl.ds(j16, 16)]
                p = plist[pl.ds(j16, 16)]
                m = ((iota16 + j * 16) < nitems) & (
                    lax.shift_right_logical(d, 8) == ct)
                s = plsc.cumsum(m.astype(jnp.int32))
                idx = jnp.minimum(cnt + s - 1, _TCAP - 1)
                plsc.store_scatter(md, [idx], d, mask=m)
                plsc.store_scatter(mp, [idx], p, mask=m)
                return cnt + s[15]
            cnt = lax.fori_loop(0, (nitems + 15) // 16, scan, 0)

            def ext(c, ec):
                slot, fpar, out_fl, pos16 = ec
                q16 = pl.multiple_of(lax.div(c, 16) * 16, 16)
                lane = jnp.full((16,), lax.rem(c, 16), jnp.int32)
                d16 = md[pl.ds(q16, 16)]
                p16 = mp[pl.ds(q16, 16)]
                r = d16.at[lane].get(mode="promise_in_bounds")
                pos = p16.at[lane].get(mode="promise_in_bounds")
                rowslot = jnp.full((16,), fpar * 16 + slot, jnp.int32)
                if use_tail:
                    lanecol = r & 127
                    src = tail_v
                else:
                    lanecol = h * 256 + (r & 255)
                    src = slab
                for k in range(4):
                    colk = plsc.load_gather(src, [iota16 + k * 16, lanecol])
                    plsc.store_scatter(rows, [rowslot, iota16 + k * 16], colk)
                pos16 = jnp.where(iota16 == slot, pos, pos16)

                def flush(args):
                    fpar, out_fl, pos16 = args
                    off = pl.multiple_of(fpar * 16, 16)

                    @pl.when(fpar == 0)
                    def _():
                        pltpu.make_async_copy(
                            rows.at[pl.ds(off, 16), :],
                            out_hbm.at[pos16], sem_fl0).start()

                    @pl.when(fpar == 1)
                    def _():
                        pltpu.make_async_copy(
                            rows.at[pl.ds(off, 16), :],
                            out_hbm.at[pos16], sem_fl1).start()

                    @pl.when((out_fl >= 1) & (fpar == 1))
                    def _():
                        pltpu.make_async_copy(
                            out_hbm.at[pl.ds(0, 16), :],
                            rows.at[pl.ds(0, 16), :], sem_fl0).wait()

                    @pl.when((out_fl >= 1) & (fpar == 0))
                    def _():
                        pltpu.make_async_copy(
                            out_hbm.at[pl.ds(0, 16), :],
                            rows.at[pl.ds(0, 16), :], sem_fl1).wait()
                    return (jnp.int32(0), jnp.int32(1) - fpar,
                            jnp.int32(1), B + iota16)

                def noflush(args):
                    fpar, out_fl, pos16 = args
                    return slot + jnp.int32(1), fpar, out_fl, pos16

                return lax.cond(slot + 1 == 16, flush, noflush,
                                (fpar, out_fl, pos16))

            return lax.fori_loop(0, cnt, ext, carry)

        fire(0)
        fire(1)
        fire(2)

        def p1(i, ptr):
            d = dest_v[pl.ds(pl.multiple_of(i * 16, 16), 16)]
            m = (d >= c0) & (d < cend)
            s = plsc.cumsum(m.astype(jnp.int32))
            idx = jnp.minimum(ptr + s - 1, _CAP - 1)
            plsc.store_scatter(dlist, [idx], d, mask=m)
            plsc.store_scatter(plist, [idx], iota16 + i * 16, mask=m)
            return ptr + s[15]
        nitems = jnp.minimum(lax.fori_loop(0, B // 16, p1, 0), _CAP)



        def tloop(t, carry):
            @pl.when(t + 3 < ntile)
            def _():
                fire(t + 3)
            wait_tile(t)
            return process(tstart + t, lax.rem(t, 4), carry, False)

        carry0 = (jnp.int32(0), jnp.int32(0), jnp.int32(0), B + iota16)
        carry1 = lax.fori_loop(0, ntile, tloop, carry0)
        slot, fpar, out_fl, pos16 = lax.cond(
            is_last,
            lambda c: process(jnp.int32(ng), jnp.int32(0), c, True),
            lambda c: c,
            carry1)

        off = pl.multiple_of(fpar * 16, 16)

        @pl.when(fpar == 0)
        def _():
            pltpu.make_async_copy(
                rows.at[pl.ds(off, 16), :], out_hbm.at[pos16], sem_fl0).start()
            pltpu.make_async_copy(
                out_hbm.at[pl.ds(0, 16), :],
                rows.at[pl.ds(0, 16), :], sem_fl0).wait()

        @pl.when(fpar == 1)
        def _():
            pltpu.make_async_copy(
                rows.at[pl.ds(off, 16), :], out_hbm.at[pos16], sem_fl1).start()
            pltpu.make_async_copy(
                out_hbm.at[pl.ds(0, 16), :],
                rows.at[pl.ds(0, 16), :], sem_fl1).wait()

        @pl.when((out_fl >= 1) & (fpar == 1))
        def _():
            pltpu.make_async_copy(
                out_hbm.at[pl.ds(0, 16), :],
                rows.at[pl.ds(0, 16), :], sem_fl0).wait()

        @pl.when((out_fl >= 1) & (fpar == 0))
        def _():
            pltpu.make_async_copy(
                out_hbm.at[pl.ds(0, 16), :],
                rows.at[pl.ds(0, 16), :], sem_fl1).wait()

    return sweep_k(dest, table_t, tail_t)


def _dense_body(idx_ref, cols_ref, tab_ref, w_ref, b_ref, out_ref):
    oh = jnp.zeros((_BM, _TAB_PAD), jnp.float32)
    iota = lax.broadcasted_iota(jnp.int32, (_BM, _TAB_PAD), 1)
    for k in range(6):
        oh = oh + (idx_ref[:, k : k + 1] == iota).astype(jnp.float32)
    user = jnp.dot(oh, tab_ref[...], preferred_element_type=jnp.float32,
                   precision=lax.Precision.DEFAULT)
    vec = user * cols_ref[:, :_F] * w_ref[0:1, :]
    s = jnp.sum(vec, axis=1, keepdims=True) + b_ref[0, 0]
    out_ref[...] = jnp.where(s >= 0, s, 0.01 * s)


def kernel(dayofweek, time, sex, age, month, day, destination,
           emb_dayofweek, emb_time, emb_sex, emb_age, emb_month, emb_day,
           item_table, W, b):
    B = destination.shape[0]
    dest = destination.astype(jnp.int32)

    table_t = item_table.T
    ntf = table_t.shape[1] // 256
    tail_t = table_t[:, ntf * 256 :]
    cols = _sc_sweep(table_t, tail_t, dest)

    tab = jnp.concatenate(
        [emb_dayofweek, emb_time, emb_sex, emb_age, emb_month, emb_day], axis=0)
    tab = jnp.pad(tab, ((0, _TAB_PAD - tab.shape[0]), (0, 0)))
    offs = (0, 7, 31, 33, 133, 145)
    feats = (dayofweek, time, sex, age, month, day)
    idx_cols = [f.astype(jnp.int32) + o for f, o in zip(feats, offs)]
    idx_cols += [jnp.zeros((B,), jnp.int32)] * 2
    idx_all = jnp.stack(idx_cols, axis=1)
    w_pad = jnp.pad(W, ((0, 7), (0, 0)))
    b2 = b.reshape(1, 1)

    nblk = B // _BM
    out = pl.pallas_call(
        _dense_body,
        grid=(nblk,),
        in_specs=[
            pl.BlockSpec((_BM, 8), lambda i: (i, 0)),
            pl.BlockSpec((_BM, 128), lambda i: (i, 0)),
            pl.BlockSpec((_TAB_PAD, _F), lambda i: (0, 0)),
            pl.BlockSpec((8, _F), lambda i: (0, 0)),
            pl.BlockSpec(memory_space=pltpu.SMEM),
        ],
        out_specs=pl.BlockSpec((_BM, 1), lambda i: (i, 0)),
        out_shape=jax.ShapeDtypeStruct((B, 1), jnp.float32),
    )(idx_all, cols, tab, w_pad, b2)
    return out.reshape(-1)

# --- scband reference (transcript-rebuilt; emitter-appended) ---
"""Pipeline reference for scband-gmf-10393820857077 (READ-ONLY COPY).

The authoritative reference and input builder live on the scoring server;
editing this copy changes nothing except your own understanding.
"""

import jax, jax.numpy as jnp
import numpy as np

B = 16384
F = 64
NUM_DEST = 1000000

def setup_inputs(seed: int = 0) -> dict:
    key = jax.random.key(seed)
    ks = jax.random.split(key, 16)
    inp = {}
    inp["dayofweek"] = jax.random.randint(ks[0], (B,), 0, 7)
    inp["time"] = jax.random.randint(ks[1], (B,), 0, 24)
    inp["sex"] = jax.random.randint(ks[2], (B,), 0, 2)
    inp["age"] = jax.random.randint(ks[3], (B,), 0, 100)
    inp["month"] = jax.random.randint(ks[4], (B,), 0, 12)
    inp["day"] = jax.random.randint(ks[5], (B,), 0, 31)
    inp["destination"] = jax.random.randint(ks[6], (B,), 0, NUM_DEST)
    # learned parameters: user-feature embedding tables (Create_userId, GMF mode)
    inp["emb_dayofweek"] = jax.random.normal(ks[7], (7, F), dtype=jnp.float32) * 0.1
    inp["emb_time"] = jax.random.normal(ks[8], (24, F), dtype=jnp.float32) * 0.1
    inp["emb_sex"] = jax.random.normal(ks[9], (2, F), dtype=jnp.float32) * 0.1
    inp["emb_age"] = jax.random.normal(ks[10], (100, F), dtype=jnp.float32) * 0.1
    inp["emb_month"] = jax.random.normal(ks[11], (12, F), dtype=jnp.float32) * 0.1
    inp["emb_day"] = jax.random.normal(ks[12], (31, F), dtype=jnp.float32) * 0.1
    # item embedding table, init normal(0, 0.1) as in module
    inp["item_table"] = jax.random.normal(ks[13], (NUM_DEST, F), dtype=jnp.float32) * 0.1
    # predict layer
    inp["W"] = jax.random.normal(ks[14], (1, F), dtype=jnp.float32) * (1.0 / np.sqrt(F))
    inp["b"] = jnp.zeros((1,), dtype=jnp.float32)
    return inp

def _leaky_relu(x, slope=0.01):
    return jnp.where(x >= 0, x, slope * x)

def reference(dayofweek, time, sex, age, month, day, destination,
              emb_dayofweek, emb_time, emb_sex, emb_age, emb_month, emb_day,
              item_table, W, b):
    # Create_userId: embed each user categorical feature and combine into a user vector
    user_vec = (jnp.take(emb_dayofweek, dayofweek, axis=0)
                + jnp.take(emb_time, time, axis=0)
                + jnp.take(emb_sex, sex, axis=0)
                + jnp.take(emb_age, age, axis=0)
                + jnp.take(emb_month, month, axis=0)
                + jnp.take(emb_day, day, axis=0))
    dest_emb = jnp.take(item_table, destination, axis=0)
    vector = user_vec * dest_emb  # GMF elementwise product
    out = vector @ W.T + b  # [B, 1]
    out = _leaky_relu(out)
    return out.reshape(-1)

if __name__ == "__main__":
    import jax
    _d = setup_inputs()
    print(jax.jit(kernel)(*tuple(_d.values())))

</pallas_src>

<mosaic_0001>
#map = affine_map<(d0, d1) -> (0)>
#map1 = affine_map<(d0, d1) -> (0, 0)>
module attributes {stable_mosaic.version = 14 : i64} {
  func.func @sweep_k(%arg0: i32, %arg1: i32, %arg2: memref<16384xi32, #tpu.memory_space<hbm>>, %arg3: memref<64x1000000xf32, #tpu.memory_space<hbm>>, %arg4: memref<64x64xf32, #tpu.memory_space<hbm>>, %arg5: memref<16400x128xf32, #tpu.memory_space<hbm>>, %arg6: memref<16384xi32, #tpu.memory_space<vmem>>, %arg7: memref<2048xi32, #tpu.memory_space<vmem>>, %arg8: memref<2048xi32, #tpu.memory_space<vmem>>, %arg9: memref<64xi32, #tpu.memory_space<vmem>>, %arg10: memref<64xi32, #tpu.memory_space<vmem>>, %arg11: memref<64x1024xf32, #tpu.memory_space<vmem>>, %arg12: memref<64x64xf32, #tpu.memory_space<vmem>>, %arg13: memref<32x128xf32, #tpu.memory_space<vmem>>, %arg14: memref<!tpu.dma_semaphore, #tpu.memory_space<semaphore_mem>>, %arg15: memref<!tpu.dma_semaphore, #tpu.memory_space<semaphore_mem>>, %arg16: memref<!tpu.dma_semaphore, #tpu.memory_space<semaphore_mem>>, %arg17: memref<!tpu.dma_semaphore, #tpu.memory_space<semaphore_mem>>, %arg18: memref<!tpu.dma_semaphore, #tpu.memory_space<semaphore_mem>>, %arg19: memref<!tpu.dma_semaphore, #tpu.memory_space<semaphore_mem>>) attributes {dimension_semantics = [#tpu.dimension_semantics<core_parallel>, #tpu.dimension_semantics<subcore_parallel>], iteration_bounds = array<i64: 2, 16>, scalar_prefetch = 0 : i64, scratch_operands = 14 : i64, tpu.core_type = #tpu.core_type<sc_vector_subcore>, window_params = [{transform_indices = #map}, {transform_indices = #map1}, {transform_indices = #map1}, {transform_indices = #map1}]} {
    %mul3A = arith.constant 2 : i32
    %mul3A_0 = arith.muli %arg1, %mul3A : i32
    %add3A = arith.addi %mul3A_0, %arg0 : i32
    %lt3A = arith.constant 2 : i32
    %lt3A_1 = arith.cmpi slt, %add3A, %lt3A : i32
    %jit3A = arith.constant 1 : i32
    %jit3A_2 = arith.constant 0 : i32
    %select_n3A = arith.select %lt3A_1, %jit3A, %jit3A_2 : i32
    %add3A_3 = arith.constant 122 : i32
    %add3A_4 = arith.addi %add3A_3, %select_n3A : i32
    %mul3A_5 = arith.constant 122 : i32
    %mul3A_6 = arith.muli %add3A, %mul3A_5 : i32
    %min3A = arith.constant 2 : i32
    %min3A_7 = arith.minsi %add3A, %min3A : i32
    %add3A_8 = arith.addi %mul3A_6, %min3A_7 : i32
    %mul3A_9 = arith.constant 256 : i32
    %mul3A_10 = arith.muli %add3A_8, %mul3A_9 : i32
    %eq3A = arith.constant 31 : i32
    %eq3A_11 = arith.cmpi eq, %add3A, %eq3A : i32
    %add3A_12 = arith.addi %add3A_8, %add3A_4 : i32
    %mul3A_13 = arith.constant 256 : i32
    %mul3A_14 = arith.muli %add3A_12, %mul3A_13 : i32
    %jit3A_15 = arith.constant 1000000 : i32
    %select_n3A_16 = arith.select %eq3A_11, %jit3A_15, %mul3A_14 : i32
    %iota3A = tpu.iota {dimensions = array<i32: 0>} : vector<16xi32>
    "tpu.region"() ({
      %run_scoped3A = tpu.sem_alloc : memref<!tpu.dma_semaphore, #tpu.memory_space<semaphore_mem>>
      tpu.enqueue_dma source(%arg2 : memref<16384xi32, #tpu.memory_space<hbm>>) target(%arg6 : memref<16384xi32, #tpu.memory_space<vmem>>) target_semaphore(%run_scoped3A : memref<!tpu.dma_semaphore, #tpu.memory_space<semaphore_mem>>)
      tpu.wait_dma2 semaphore(%run_scoped3A : memref<!tpu.dma_semaphore, #tpu.memory_space<semaphore_mem>>) src(%arg2 : memref<16384xi32, #tpu.memory_space<hbm>>) dst(%arg6 : memref<16384xi32, #tpu.memory_space<vmem>>)
      tpu.yield
    }) : () -> ()
    "tpu.region"() ({
      %run_scoped3A = tpu.sem_alloc : memref<!tpu.dma_semaphore, #tpu.memory_space<semaphore_mem>>
      tpu.enqueue_dma source(%arg4 : memref<64x64xf32, #tpu.memory_space<hbm>>) target(%arg12 : memref<64x64xf32, #tpu.memory_space<vmem>>) target_semaphore(%run_scoped3A : memref<!tpu.dma_semaphore, #tpu.memory_space<semaphore_mem>>)
      tpu.wait_dma2 semaphore(%run_scoped3A : memref<!tpu.dma_semaphore, #tpu.memory_space<semaphore_mem>>) src(%arg4 : memref<64x64xf32, #tpu.memory_space<hbm>>) dst(%arg12 : memref<64x64xf32, #tpu.memory_space<vmem>>)
      tpu.yield
    }) : () -> ()
    %add3A_17 = arith.constant 0 : i32
    %add3A_18 = arith.addi %add3A_8, %add3A_17 : i32
    %rem3A = arith.constant 0 : i32
    %rem3A_19 = arith.constant 4 : i32
    %rem3A_20 = arith.remsi %rem3A, %rem3A_19 : i32
    %mul3A_21 = arith.constant 256 : i32
    %mul3A_22 = arith.muli %add3A_18, %mul3A_21 : i32
    %multiple_of3A = tpu.assume_multiple %mul3A_22, 256 : i32
    %mul3A_23 = arith.constant 256 : i32
    %mul3A_24 = arith.muli %rem3A_20, %mul3A_23 : i32
    %multiple_of3A_25 = tpu.assume_multiple %mul3A_24, 256 : i32
    %eq3A_26 = arith.constant 0 : i32
    %eq3A_27 = arith.cmpi eq, %rem3A_20, %eq3A_26 : i32
    %convert_element_type3A = arith.extui %eq3A_27 : i1 to i32
    %cond3A = arith.constant 0 : i32
    %cond3A_28 = arith.cmpi ne, %convert_element_type3A, %cond3A : i32
    scf.if %cond3A_28 {
      %dma_start3A = arith.constant 0 : i32
      %dma_start3A_161 = tpu.memref_slice %arg11[%dma_start3A, %multiple_of3A_25] : memref<64x1024xf32, #tpu.memory_space<vmem>> -> memref<64x256xf32, #tpu.memory_space<vmem>>
      %dma_start3A_162 = arith.constant 0 : i32
      %dma_start3A_163 = tpu.memref_slice %arg3[%dma_start3A_162, %multiple_of3A] : memref<64x1000000xf32, #tpu.memory_space<hbm>> -> memref<64x256xf32, #tpu.memory_space<hbm>>
      %dma_start3A_164 = arith.constant 0 : i32
      %dma_start3A_165 = tpu.memref_slice %arg11[%dma_start3A_164, %multiple_of3A_25] : memref<64x1024xf32, #tpu.memory_space<vmem>> -> memref<64x256xf32, #tpu.memory_space<vmem>>
      %dma_start3A_166 = arith.constant 0 : i32
      %dma_start3A_167 = tpu.memref_slice %arg3[%dma_start3A_166, %multiple_of3A] : memref<64x1000000xf32, #tpu.memory_space<hbm>> -> memref<64x256xf32, #tpu.memory_space<hbm>>
      tpu.enqueue_dma source(%dma_start3A_167 : memref<64x256xf32, #tpu.memory_space<hbm>>) target(%dma_start3A_165 : memref<64x256xf32, #tpu.memory_space<vmem>>) target_semaphore(%arg14 : memref<!tpu.dma_semaphore, #tpu.memory_space<semaphore_mem>>)
    } else {
    }
    %eq3A_29 = arith.constant 1 : i32
    %eq3A_30 = arith.cmpi eq, %rem3A_20, %eq3A_29 : i32
    %convert_element_type3A_31 = arith.extui %eq3A_30 : i1 to i32
    %cond3A_32 = arith.constant 0 : i32
    %cond3A_33 = arith.cmpi ne, %convert_element_type3A_31, %cond3A_32 : i32
    scf.if %cond3A_33 {
      %dma_start3A = arith.constant 0 : i32
      %dma_start3A_161 = tpu.memref_slice %arg11[%dma_start3A, %multiple_of3A_25] : memref<64x1024xf32, #tpu.memory_space<vmem>> -> memref<64x256xf32, #tpu.memory_space<vmem>>
      %dma_start3A_162 = arith.constant 0 : i32
      %dma_start3A_163 = tpu.memref_slice %arg3[%dma_start3A_162, %multiple_of3A] : memref<64x1000000xf32, #tpu.memory_space<hbm>> -> memref<64x256xf32, #tpu.memory_space<hbm>>
      %dma_start3A_164 = arith.constant 0 : i32
      %dma_start3A_165 = tpu.memref_slice %arg11[%dma_start3A_164, %multiple_of3A_25] : memref<64x1024xf32, #tpu.memory_space<vmem>> -> memref<64x256xf32, #tpu.memory_space<vmem>>
      %dma_start3A_166 = arith.constant 0 : i32
      %dma_start3A_167 = tpu.memref_slice %arg3[%dma_start3A_166, %multiple_of3A] : memref<64x1000000xf32, #tpu.memory_space<hbm>> -> memref<64x256xf32, #tpu.memory_space<hbm>>
      tpu.enqueue_dma source(%dma_start3A_167 : memref<64x256xf32, #tpu.memory_space<hbm>>) target(%dma_start3A_165 : memref<64x256xf32, #tpu.memory_space<vmem>>) target_semaphore(%arg15 : memref<!tpu.dma_semaphore, #tpu.memory_space<semaphore_mem>>)
    } else {
    }
    %eq3A_34 = arith.constant 2 : i32
    %eq3A_35 = arith.cmpi eq, %rem3A_20, %eq3A_34 : i32
    %convert_element_type3A_36 = arith.extui %eq3A_35 : i1 to i32
    %cond3A_37 = arith.constant 0 : i32
    %cond3A_38 = arith.cmpi ne, %convert_element_type3A_36, %cond3A_37 : i32
    scf.if %cond3A_38 {
      %dma_start3A = arith.constant 0 : i32
      %dma_start3A_161 = tpu.memref_slice %arg11[%dma_start3A, %multiple_of3A_25] : memref<64x1024xf32, #tpu.memory_space<vmem>> -> memref<64x256xf32, #tpu.memory_space<vmem>>
      %dma_start3A_162 = arith.constant 0 : i32
      %dma_start3A_163 = tpu.memref_slice %arg3[%dma_start3A_162, %multiple_of3A] : memref<64x1000000xf32, #tpu.memory_space<hbm>> -> memref<64x256xf32, #tpu.memory_space<hbm>>
      %dma_start3A_164 = arith.constant 0 : i32
      %dma_start3A_165 = tpu.memref_slice %arg11[%dma_start3A_164, %multiple_of3A_25] : memref<64x1024xf32, #tpu.memory_space<vmem>> -> memref<64x256xf32, #tpu.memory_space<vmem>>
      %dma_start3A_166 = arith.constant 0 : i32
      %dma_start3A_167 = tpu.memref_slice %arg3[%dma_start3A_166, %multiple_of3A] : memref<64x1000000xf32, #tpu.memory_space<hbm>> -> memref<64x256xf32, #tpu.memory_space<hbm>>
      tpu.enqueue_dma source(%dma_start3A_167 : memref<64x256xf32, #tpu.memory_space<hbm>>) target(%dma_start3A_165 : memref<64x256xf32, #tpu.memory_space<vmem>>) target_semaphore(%arg16 : memref<!tpu.dma_semaphore, #tpu.memory_space<semaphore_mem>>)
    } else {
    }
    %eq3A_39 = arith.constant 3 : i32
    %eq3A_40 = arith.cmpi eq, %rem3A_20, %eq3A_39 : i32
    %convert_element_type3A_41 = arith.extui %eq3A_40 : i1 to i32
    %cond3A_42 = arith.constant 0 : i32
    %cond3A_43 = arith.cmpi ne, %convert_element_type3A_41, %cond3A_42 : i32
    scf.if %cond3A_43 {
      %dma_start3A = arith.constant 0 : i32
      %dma_start3A_161 = tpu.memref_slice %arg11[%dma_start3A, %multiple_of3A_25] : memref<64x1024xf32, #tpu.memory_space<vmem>> -> memref<64x256xf32, #tpu.memory_space<vmem>>
      %dma_start3A_162 = arith.constant 0 : i32
      %dma_start3A_163 = tpu.memref_slice %arg3[%dma_start3A_162, %multiple_of3A] : memref<64x1000000xf32, #tpu.memory_space<hbm>> -> memref<64x256xf32, #tpu.memory_space<hbm>>
      %dma_start3A_164 = arith.constant 0 : i32
      %dma_start3A_165 = tpu.memref_slice %arg11[%dma_start3A_164, %multiple_of3A_25] : memref<64x1024xf32, #tpu.memory_space<vmem>> -> memref<64x256xf32, #tpu.memory_space<vmem>>
      %dma_start3A_166 = arith.constant 0 : i32
      %dma_start3A_167 = tpu.memref_slice %arg3[%dma_start3A_166, %multiple_of3A] : memref<64x1000000xf32, #tpu.memory_space<hbm>> -> memref<64x256xf32, #tpu.memory_space<hbm>>
      tpu.enqueue_dma source(%dma_start3A_167 : memref<64x256xf32, #tpu.memory_space<hbm>>) target(%dma_start3A_165 : memref<64x256xf32, #tpu.memory_space<vmem>>) target_semaphore(%arg17 : memref<!tpu.dma_semaphore, #tpu.memory_space<semaphore_mem>>)
    } else {
    }
    %add3A_44 = arith.constant 1 : i32
    %add3A_45 = arith.addi %add3A_8, %add3A_44 : i32
    %rem3A_46 = arith.constant 1 : i32
    %rem3A_47 = arith.constant 4 : i32
    %rem3A_48 = arith.remsi %rem3A_46, %rem3A_47 : i32
    %mul3A_49 = arith.constant 256 : i32
    %mul3A_50 = arith.muli %add3A_45, %mul3A_49 : i32
    %multiple_of3A_51 = tpu.assume_multiple %mul3A_50, 256 : i32
    %mul3A_52 = arith.constant 256 : i32
    %mul3A_53 = arith.muli %rem3A_48, %mul3A_52 : i32
    %multiple_of3A_54 = tpu.assume_multiple %mul3A_53, 256 : i32
    %eq3A_55 = arith.constant 0 : i32
    %eq3A_56 = arith.cmpi eq, %rem3A_48, %eq3A_55 : i32
    %convert_element_type3A_57 = arith.extui %eq3A_56 : i1 to i32
    %cond3A_58 = arith.constant 0 : i32
    %cond3A_59 = arith.cmpi ne, %convert_element_type3A_57, %cond3A_58 : i32
    scf.if %cond3A_59 {
      %dma_start3A = arith.constant 0 : i32
      %dma_start3A_161 = tpu.memref_slice %arg11[%dma_start3A, %multiple_of3A_54] : memref<64x1024xf32, #tpu.memory_space<vmem>> -> memref<64x256xf32, #tpu.memory_space<vmem>>
      %dma_start3A_162 = arith.constant 0 : i32
      %dma_start3A_163 = tpu.memref_slice %arg3[%dma_start3A_162, %multiple_of3A_51] : memref<64x1000000xf32, #tpu.memory_space<hbm>> -> memref<64x256xf32, #tpu.memory_space<hbm>>
      %dma_start3A_164 = arith.constant 0 : i32
      %dma_start3A_165 = tpu.memref_slice %arg11[%dma_start3A_164, %multiple_of3A_54] : memref<64x1024xf32, #tpu.memory_space<vmem>> -> memref<64x256xf32, #tpu.memory_space<vmem>>
      %dma_start3A_166 = arith.constant 0 : i32
      %dma_start3A_167 = tpu.memref_slice %arg3[%dma_start3A_166, %multiple_of3A_51] : memref<64x1000000xf32, #tpu.memory_space<hbm>> -> memref<64x256xf32, #tpu.memory_space<hbm>>
      tpu.enqueue_dma source(%dma_start3A_167 : memref<64x256xf32, #tpu.memory_space<hbm>>) target(%dma_start3A_165 : memref<64x256xf32, #tpu.memory_space<vmem>>) target_semaphore(%arg14 : memref<!tpu.dma_semaphore, #tpu.memory_space<semaphore_mem>>)
    } else {
    }
    %eq3A_60 = arith.constant 1 : i32
    %eq3A_61 = arith.cmpi eq, %rem3A_48, %eq3A_60 : i32
    %convert_element_type3A_62 = arith.extui %eq3A_61 : i1 to i32
    %cond3A_63 = arith.constant 0 : i32
    %cond3A_64 = arith.cmpi ne, %convert_element_type3A_62, %cond3A_63 : i32
    scf.if %cond3A_64 {
      %dma_start3A = arith.constant 0 : i32
      %dma_start3A_161 = tpu.memref_slice %arg11[%dma_start3A, %multiple_of3A_54] : memref<64x1024xf32, #tpu.memory_space<vmem>> -> memref<64x256xf32, #tpu.memory_space<vmem>>
      %dma_start3A_162 = arith.constant 0 : i32
      %dma_start3A_163 = tpu.memref_slice %arg3[%dma_start3A_162, %multiple_of3A_51] : memref<64x1000000xf32, #tpu.memory_space<hbm>> -> memref<64x256xf32, #tpu.memory_space<hbm>>
      %dma_start3A_164 = arith.constant 0 : i32
      %dma_start3A_165 = tpu.memref_slice %arg11[%dma_start3A_164, %multiple_of3A_54] : memref<64x1024xf32, #tpu.memory_space<vmem>> -> memref<64x256xf32, #tpu.memory_space<vmem>>
      %dma_start3A_166 = arith.constant 0 : i32
      %dma_start3A_167 = tpu.memref_slice %arg3[%dma_start3A_166, %multiple_of3A_51] : memref<64x1000000xf32, #tpu.memory_space<hbm>> -> memref<64x256xf32, #tpu.memory_space<hbm>>
      tpu.enqueue_dma source(%dma_start3A_167 : memref<64x256xf32, #tpu.memory_space<hbm>>) target(%dma_start3A_165 : memref<64x256xf32, #tpu.memory_space<vmem>>) target_semaphore(%arg15 : memref<!tpu.dma_semaphore, #tpu.memory_space<semaphore_mem>>)
    } else {
    }
    %eq3A_65 = arith.constant 2 : i32
    %eq3A_66 = arith.cmpi eq, %rem3A_48, %eq3A_65 : i32
    %convert_element_type3A_67 = arith.extui %eq3A_66 : i1 to i32
    %cond3A_68 = arith.constant 0 : i32
    %cond3A_69 = arith.cmpi ne, %convert_element_type3A_67, %cond3A_68 : i32
    scf.if %cond3A_69 {
      %dma_start3A = arith.constant 0 : i32
      %dma_start3A_161 = tpu.memref_slice %arg11[%dma_start3A, %multiple_of3A_54] : memref<64x1024xf32, #tpu.memory_space<vmem>> -> memref<64x256xf32, #tpu.memory_space<vmem>>
      %dma_start3A_162 = arith.constant 0 : i32
      %dma_start3A_163 = tpu.memref_slice %arg3[%dma_start3A_162, %multiple_of3A_51] : memref<64x1000000xf32, #tpu.memory_space<hbm>> -> memref<64x256xf32, #tpu.memory_space<hbm>>
      %dma_start3A_164 = arith.constant 0 : i32
      %dma_start3A_165 = tpu.memref_slice %arg11[%dma_start3A_164, %multiple_of3A_54] : memref<64x1024xf32, #tpu.memory_space<vmem>> -> memref<64x256xf32, #tpu.memory_space<vmem>>
      %dma_start3A_166 = arith.constant 0 : i32
      %dma_start3A_167 = tpu.memref_slice %arg3[%dma_start3A_166, %multiple_of3A_51] : memref<64x1000000xf32, #tpu.memory_space<hbm>> -> memref<64x256xf32, #tpu.memory_space<hbm>>
      tpu.enqueue_dma source(%dma_start3A_167 : memref<64x256xf32, #tpu.memory_space<hbm>>) target(%dma_start3A_165 : memref<64x256xf32, #tpu.memory_space<vmem>>) target_semaphore(%arg16 : memref<!tpu.dma_semaphore, #tpu.memory_space<semaphore_mem>>)
    } else {
    }
    %eq3A_70 = arith.constant 3 : i32
    %eq3A_71 = arith.cmpi eq, %rem3A_48, %eq3A_70 : i32
    %convert_element_type3A_72 = arith.extui %eq3A_71 : i1 to i32
    %cond3A_73 = arith.constant 0 : i32
    %cond3A_74 = arith.cmpi ne, %convert_element_type3A_72, %cond3A_73 : i32
    scf.if %cond3A_74 {
      %dma_start3A = arith.constant 0 : i32
      %dma_start3A_161 = tpu.memref_slice %arg11[%dma_start3A, %multiple_of3A_54] : memref<64x1024xf32, #tpu.memory_space<vmem>> -> memref<64x256xf32, #tpu.memory_space<vmem>>
      %dma_start3A_162 = arith.constant 0 : i32
      %dma_start3A_163 = tpu.memref_slice %arg3[%dma_start3A_162, %multiple_of3A_51] : memref<64x1000000xf32, #tpu.memory_space<hbm>> -> memref<64x256xf32, #tpu.memory_space<hbm>>
      %dma_start3A_164 = arith.constant 0 : i32
      %dma_start3A_165 = tpu.memref_slice %arg11[%dma_start3A_164, %multiple_of3A_54] : memref<64x1024xf32, #tpu.memory_space<vmem>> -> memref<64x256xf32, #tpu.memory_space<vmem>>
      %dma_start3A_166 = arith.constant 0 : i32
      %dma_start3A_167 = tpu.memref_slice %arg3[%dma_start3A_166, %multiple_of3A_51] : memref<64x1000000xf32, #tpu.memory_space<hbm>> -> memref<64x256xf32, #tpu.memory_space<hbm>>
      tpu.enqueue_dma source(%dma_start3A_167 : memref<64x256xf32, #tpu.memory_space<hbm>>) target(%dma_start3A_165 : memref<64x256xf32, #tpu.memory_space<vmem>>) target_semaphore(%arg17 : memref<!tpu.dma_semaphore, #tpu.memory_space<semaphore_mem>>)
    } else {
    }
    %add3A_75 = arith.constant 2 : i32
    %add3A_76 = arith.addi %add3A_8, %add3A_75 : i32
    %rem3A_77 = arith.constant 2 : i32
    %rem3A_78 = arith.constant 4 : i32
    %rem3A_79 = arith.remsi %rem3A_77, %rem3A_78 : i32
    %mul3A_80 = arith.constant 256 : i32
    %mul3A_81 = arith.muli %add3A_76, %mul3A_80 : i32
    %multiple_of3A_82 = tpu.assume_multiple %mul3A_81, 256 : i32
    %mul3A_83 = arith.constant 256 : i32
    %mul3A_84 = arith.muli %rem3A_79, %mul3A_83 : i32
    %multiple_of3A_85 = tpu.assume_multiple %mul3A_84, 256 : i32
    %eq3A_86 = arith.constant 0 : i32
    %eq3A_87 = arith.cmpi eq, %rem3A_79, %eq3A_86 : i32
    %convert_element_type3A_88 = arith.extui %eq3A_87 : i1 to i32
    %cond3A_89 = arith.constant 0 : i32
    %cond3A_90 = arith.cmpi ne, %convert_element_type3A_88, %cond3A_89 : i32
    scf.if %cond3A_90 {
      %dma_start3A = arith.constant 0 : i32
      %dma_start3A_161 = tpu.memref_slice %arg11[%dma_start3A, %multiple_of3A_85] : memref<64x1024xf32, #tpu.memory_space<vmem>> -> memref<64x256xf32, #tpu.memory_space<vmem>>
      %dma_start3A_162 = arith.constant 0 : i32
      %dma_start3A_163 = tpu.memref_slice %arg3[%dma_start3A_162, %multiple_of3A_82] : memref<64x1000000xf32, #tpu.memory_space<hbm>> -> memref<64x256xf32, #tpu.memory_space<hbm>>
      %dma_start3A_164 = arith.constant 0 : i32
      %dma_start3A_165 = tpu.memref_slice %arg11[%dma_start3A_164, %multiple_of3A_85] : memref<64x1024xf32, #tpu.memory_space<vmem>> -> memref<64x256xf32, #tpu.memory_space<vmem>>
      %dma_start3A_166 = arith.constant 0 : i32
      %dma_start3A_167 = tpu.memref_slice %arg3[%dma_start3A_166, %multiple_of3A_82] : memref<64x1000000xf32, #tpu.memory_space<hbm>> -> memref<64x256xf32, #tpu.memory_space<hbm>>
      tpu.enqueue_dma source(%dma_start3A_167 : memref<64x256xf32, #tpu.memory_space<hbm>>) target(%dma_start3A_165 : memref<64x256xf32, #tpu.memory_space<vmem>>) target_semaphore(%arg14 : memref<!tpu.dma_semaphore, #tpu.memory_space<semaphore_mem>>)
    } else {
    }
    %eq3A_91 = arith.constant 1 : i32
    %eq3A_92 = arith.cmpi eq, %rem3A_79, %eq3A_91 : i32
    %convert_element_type3A_93 = arith.extui %eq3A_92 : i1 to i32
    %cond3A_94 = arith.constant 0 : i32
    %cond3A_95 = arith.cmpi ne, %convert_element_type3A_93, %cond3A_94 : i32
    scf.if %cond3A_95 {
      %dma_start3A = arith.constant 0 : i32
      %dma_start3A_161 = tpu.memref_slice %arg11[%dma_start3A, %multiple_of3A_85] : memref<64x1024xf32, #tpu.memory_space<vmem>> -> memref<64x256xf32, #tpu.memory_space<vmem>>
      %dma_start3A_162 = arith.constant 0 : i32
      %dma_start3A_163 = tpu.memref_slice %arg3[%dma_start3A_162, %multiple_of3A_82] : memref<64x1000000xf32, #tpu.memory_space<hbm>> -> memref<64x256xf32, #tpu.memory_space<hbm>>
      %dma_start3A_164 = arith.constant 0 : i32
      %dma_start3A_165 = tpu.memref_slice %arg11[%dma_start3A_164, %multiple_of3A_85] : memref<64x1024xf32, #tpu.memory_space<vmem>> -> memref<64x256xf32, #tpu.memory_space<vmem>>
      %dma_start3A_166 = arith.constant 0 : i32
      %dma_start3A_167 = tpu.memref_slice %arg3[%dma_start3A_166, %multiple_of3A_82] : memref<64x1000000xf32, #tpu.memory_space<hbm>> -> memref<64x256xf32, #tpu.memory_space<hbm>>
      tpu.enqueue_dma source(%dma_start3A_167 : memref<64x256xf32, #tpu.memory_space<hbm>>) target(%dma_start3A_165 : memref<64x256xf32, #tpu.memory_space<vmem>>) target_semaphore(%arg15 : memref<!tpu.dma_semaphore, #tpu.memory_space<semaphore_mem>>)
    } else {
    }
    %eq3A_96 = arith.constant 2 : i32
    %eq3A_97 = arith.cmpi eq, %rem3A_79, %eq3A_96 : i32
    %convert_element_type3A_98 = arith.extui %eq3A_97 : i1 to i32
    %cond3A_99 = arith.constant 0 : i32
    %cond3A_100 = arith.cmpi ne, %convert_element_type3A_98, %cond3A_99 : i32
    scf.if %cond3A_100 {
      %dma_start3A = arith.constant 0 : i32
      %dma_start3A_161 = tpu.memref_slice %arg11[%dma_start3A, %multiple_of3A_85] : memref<64x1024xf32, #tpu.memory_space<vmem>> -> memref<64x256xf32, #tpu.memory_space<vmem>>
      %dma_start3A_162 = arith.constant 0 : i32
      %dma_start3A_163 = tpu.memref_slice %arg3[%dma_start3A_162, %multiple_of3A_82] : memref<64x1000000xf32, #tpu.memory_space<hbm>> -> memref<64x256xf32, #tpu.memory_space<hbm>>
      %dma_start3A_164 = arith.constant 0 : i32
      %dma_start3A_165 = tpu.memref_slice %arg11[%dma_start3A_164, %multiple_of3A_85] : memref<64x1024xf32, #tpu.memory_space<vmem>> -> memref<64x256xf32, #tpu.memory_space<vmem>>
      %dma_start3A_166 = arith.constant 0 : i32
      %dma_start3A_167 = tpu.memref_slice %arg3[%dma_start3A_166, %multiple_of3A_82] : memref<64x1000000xf32, #tpu.memory_space<hbm>> -> memref<64x256xf32, #tpu.memory_space<hbm>>
      tpu.enqueue_dma source(%dma_start3A_167 : memref<64x256xf32, #tpu.memory_space<hbm>>) target(%dma_start3A_165 : memref<64x256xf32, #tpu.memory_space<vmem>>) target_semaphore(%arg16 : memref<!tpu.dma_semaphore, #tpu.memory_space<semaphore_mem>>)
    } else {
    }
    %eq3A_101 = arith.constant 3 : i32
    %eq3A_102 = arith.cmpi eq, %rem3A_79, %eq3A_101 : i32
    %convert_element_type3A_103 = arith.extui %eq3A_102 : i1 to i32
    %cond3A_104 = arith.constant 0 : i32
    %cond3A_105 = arith.cmpi ne, %convert_element_type3A_103, %cond3A_104 : i32
    scf.if %cond3A_105 {
      %dma_start3A = arith.constant 0 : i32
      %dma_start3A_161 = tpu.memref_slice %arg11[%dma_start3A, %multiple_of3A_85] : memref<64x1024xf32, #tpu.memory_space<vmem>> -> memref<64x256xf32, #tpu.memory_space<vmem>>
      %dma_start3A_162 = arith.constant 0 : i32
      %dma_start3A_163 = tpu.memref_slice %arg3[%dma_start3A_162, %multiple_of3A_82] : memref<64x1000000xf32, #tpu.memory_space<hbm>> -> memref<64x256xf32, #tpu.memory_space<hbm>>
      %dma_start3A_164 = arith.constant 0 : i32
      %dma_start3A_165 = tpu.memref_slice %arg11[%dma_start3A_164, %multiple_of3A_85] : memref<64x1024xf32, #tpu.memory_space<vmem>> -> memref<64x256xf32, #tpu.memory_space<vmem>>
      %dma_start3A_166 = arith.constant 0 : i32
      %dma_start3A_167 = tpu.memref_slice %arg3[%dma_start3A_166, %multiple_of3A_82] : memref<64x1000000xf32, #tpu.memory_space<hbm>> -> memref<64x256xf32, #tpu.memory_space<hbm>>
      tpu.enqueue_dma source(%dma_start3A_167 : memref<64x256xf32, #tpu.memory_space<hbm>>) target(%dma_start3A_165 : memref<64x256xf32, #tpu.memory_space<vmem>>) target_semaphore(%arg17 : memref<!tpu.dma_semaphore, #tpu.memory_space<semaphore_mem>>)
    } else {
    }
    %scan3A = arith.constant 0 : i32
    %scan3A_106 = arith.constant 0 : i32
    %scan3A_107 = arith.constant 1024 : i32
    %scan3A_108 = arith.addi %scan3A_106, %scan3A_107 : i32
    %scan3A_109 = arith.constant 1 : i32
    %scan3A_110 = scf.for %scan3A_161 = %scan3A_106 to %scan3A_108 step %scan3A_109 iter_args(%scan3A_162 = %scan3A) -> (i32)  : i32 {
      %mul3A_163 = arith.constant 16 : i32
      %mul3A_164 = arith.muli %scan3A_161, %mul3A_163 : i32
      %multiple_of3A_165 = tpu.assume_multiple %mul3A_164, 16 : i32
      %get3A = arith.index_cast %multiple_of3A_165 : i32 to index
      %get3A_166 = tpu.vector_load %arg6[%get3A] {strides = array<i32>} : memref<16384xi32, #tpu.memory_space<vmem>>, vector<16xi32>,
      %ge3A_167 = vector.broadcast %mul3A_10 : i32 to vector<16xi32>
      %ge3A_168 = arith.cmpi sge, %get3A_166, %ge3A_167 : vector<16xi32>
      %lt3A_169 = vector.broadcast %select_n3A_16 : i32 to vector<16xi32>
      %lt3A_170 = arith.cmpi slt, %get3A_166, %lt3A_169 : vector<16xi32>
      %and3A_171 = arith.andi %ge3A_168, %lt3A_170 : vector<16xi1>
      %convert_element_type3A_172 = arith.extui %and3A_171 : vector<16xi1> to vector<16xi32>
      %broadcast_in_dim3A = arith.constant true
      %broadcast_in_dim3A_173 = vector.broadcast %broadcast_in_dim3A : i1 to vector<16xi1>
      %masked_cumsum3A = tpu.scan <sum>, %convert_element_type3A_172 masked %broadcast_in_dim3A_173 : vector<16xi32>, vector<16xi1> -> vector<16xi32>
      %add3A_174 = vector.broadcast %scan3A_162 : i32 to vector<16xi32>
      %add3A_175 = arith.addi %add3A_174, %masked_cumsum3A : vector<16xi32>
      %sub3A = arith.constant 1 : i32
      %sub3A_176 = vector.broadcast %sub3A : i32 to vector<16xi32>
      %sub3A_177 = arith.subi %add3A_175, %sub3A_176 : vector<16xi32>
      %min3A_178 = arith.constant 2047 : i32
      %min3A_179 = vector.broadcast %min3A_178 : i32 to vector<16xi32>
      %min3A_180 = arith.minsi %sub3A_177, %min3A_179 : vector<16xi32>
      tpu.vector_store_idx %arg7[%min3A_180], %get3A_166 masked %and3A_171 : memref<2048xi32, #tpu.memory_space<vmem>>[vector<16xi32>], vector<16xi32>, vector<16xi1>
      %mul3A_181 = arith.constant 16 : i32
      %mul3A_182 = arith.muli %scan3A_161, %mul3A_181 : i32
      %add3A_183 = vector.broadcast %mul3A_182 : i32 to vector<16xi32>
      %add3A_184 = arith.addi %iota3A, %add3A_183 : vector<16xi32>
      tpu.vector_store_idx %arg8[%min3A_180], %add3A_184 masked %and3A_171 : memref<2048xi32, #tpu.memory_space<vmem>>[vector<16xi32>], vector<16xi32>, vector<16xi1>
      %slice3A = vector.extract_strided_slice %masked_cumsum3A {offsets = [15], sizes = [1], strides = [1]} : vector<16xi32> to vector<1xi32>
      %squeeze3A = vector.extract %slice3A[0] : i32 from vector<1xi32>
      %add3A_185 = arith.addi %scan3A_162, %squeeze3A : i32
      scf.yield %add3A_185 : i32
    }
    %scan3A_111 = arith.constant 1024 : i32
    %min3A_112 = arith.constant 2048 : i32
    %min3A_113 = arith.minsi %scan3A_110, %min3A_112 : i32
    %add3A_114 = arith.constant 16384 : i32
    %add3A_115 = vector.broadcast %add3A_114 : i32 to vector<16xi32>
    %add3A_116 = arith.addi %add3A_115, %iota3A : vector<16xi32>
    %while3A = arith.constant 0 : i32
    %while3A_117 = arith.constant 0 : i32
    %while3A_118 = arith.constant 0 : i32
    %while3A_119 = arith.constant 0 : i32
    %while3A_120 = arith.subi %add3A_4, %while3A : i32
    %while3A_121 = arith.addi %while3A, %while3A_120 : i32
    %while3A_122 = arith.constant 1 : i32
    %while3A_123 = arith.divsi %while3A_120, %while3A_122 : i32
    %while3A_124 = arith.muli %while3A_123, %while3A_122 : i32
    %while3A_125 = arith.addi %while3A, %while3A_124 : i32
    %while3A_126 = arith.constant 1 : i32
    %while3A_127:4 = scf.for %while3A_161 = %while3A to %while3A_125 step %while3A_126 iter_args(%while3A_162 = %while3A_117, %while3A_163 = %while3A_118, %while3A_164 = %while3A_119, %while3A_165 = %add3A_116) -> (i32, i32, i32, vector<16xi32>)  : i32 {
      %add3A_166 = arith.constant 3 : i32
      %add3A_167 = arith.addi %while3A_161, %add3A_166 : i32
      %lt3A_168 = arith.cmpi slt, %add3A_167, %add3A_4 : i32
      %convert_element_type3A_169 = arith.extui %lt3A_168 : i1 to i32
      %cond3A_170 = arith.constant 0 : i32
      %cond3A_171 = arith.cmpi ne, %convert_element_type3A_169, %cond3A_170 : i32
      scf.if %cond3A_171 {
        %add3A_242 = arith.constant 3 : i32
        %add3A_243 = arith.addi %while3A_161, %add3A_242 : i32
        %add3A_244 = arith.addi %add3A_8, %add3A_243 : i32
        %rem3A_245 = arith.constant 4 : i32
        %rem3A_246 = arith.remsi %add3A_243, %rem3A_245 : i32
        %mul3A_247 = arith.constant 256 : i32
        %mul3A_248 = arith.muli %add3A_244, %mul3A_247 : i32
        %multiple_of3A_249 = tpu.assume_multiple %mul3A_248, 256 : i32
        %mul3A_250 = arith.constant 256 : i32
        %mul3A_251 = arith.muli %rem3A_246, %mul3A_250 : i32
        %multiple_of3A_252 = tpu.assume_multiple %mul3A_251, 256 : i32
        %eq3A_253 = arith.constant 0 : i32
        %eq3A_254 = arith.cmpi eq, %rem3A_246, %eq3A_253 : i32
        %convert_element_type3A_255 = arith.extui %eq3A_254 : i1 to i32
        %cond3A_256 = arith.constant 0 : i32
        %cond3A_257 = arith.cmpi ne, %convert_element_type3A_255, %cond3A_256 : i32
        scf.if %cond3A_257 {
          %dma_start3A = arith.constant 0 : i32
          %dma_start3A_273 = tpu.memref_slice %arg11[%dma_start3A, %multiple_of3A_252] : memref<64x1024xf32, #tpu.memory_space<vmem>> -> memref<64x256xf32, #tpu.memory_space<vmem>>
          %dma_start3A_274 = arith.constant 0 : i32
          %dma_start3A_275 = tpu.memref_slice %arg3[%dma_start3A_274, %multiple_of3A_249] : memref<64x1000000xf32, #tpu.memory_space<hbm>> -> memref<64x256xf32, #tpu.memory_space<hbm>>
          %dma_start3A_276 = arith.constant 0 : i32
          %dma_start3A_277 = tpu.memref_slice %arg11[%dma_start3A_276, %multiple_of3A_252] : memref<64x1024xf32, #tpu.memory_space<vmem>> -> memref<64x256xf32, #tpu.memory_space<vmem>>
          %dma_start3A_278 = arith.constant 0 : i32
          %dma_start3A_279 = tpu.memref_slice %arg3[%dma_start3A_278, %multiple_of3A_249] : memref<64x1000000xf32, #tpu.memory_space<hbm>> -> memref<64x256xf32, #tpu.memory_space<hbm>>
          tpu.enqueue_dma source(%dma_start3A_279 : memref<64x256xf32, #tpu.memory_space<hbm>>) target(%dma_start3A_277 : memref<64x256xf32, #tpu.memory_space<vmem>>) target_semaphore(%arg14 : memref<!tpu.dma_semaphore, #tpu.memory_space<semaphore_mem>>)
        } else {
        }
        %eq3A_258 = arith.constant 1 : i32
        %eq3A_259 = arith.cmpi eq, %rem3A_246, %eq3A_258 : i32
        %convert_element_type3A_260 = arith.extui %eq3A_259 : i1 to i32
        %cond3A_261 = arith.constant 0 : i32
        %cond3A_262 = arith.cmpi ne, %convert_element_type3A_260, %cond3A_261 : i32
        scf.if %cond3A_262 {
          %dma_start3A = arith.constant 0 : i32
          %dma_start3A_273 = tpu.memref_slice %arg11[%dma_start3A, %multiple_of3A_252] : memref<64x1024xf32, #tpu.memory_space<vmem>> -> memref<64x256xf32, #tpu.memory_space<vmem>>
          %dma_start3A_274 = arith.constant 0 : i32
          %dma_start3A_275 = tpu.memref_slice %arg3[%dma_start3A_274, %multiple_of3A_249] : memref<64x1000000xf32, #tpu.memory_space<hbm>> -> memref<64x256xf32, #tpu.memory_space<hbm>>
          %dma_start3A_276 = arith.constant 0 : i32
          %dma_start3A_277 = tpu.memref_slice %arg11[%dma_start3A_276, %multiple_of3A_252] : memref<64x1024xf32, #tpu.memory_space<vmem>> -> memref<64x256xf32, #tpu.memory_space<vmem>>
          %dma_start3A_278 = arith.constant 0 : i32
          %dma_start3A_279 = tpu.memref_slice %arg3[%dma_start3A_278, %multiple_of3A_249] : memref<64x1000000xf32, #tpu.memory_space<hbm>> -> memref<64x256xf32, #tpu.memory_space<hbm>>
          tpu.enqueue_dma source(%dma_start3A_279 : memref<64x256xf32, #tpu.memory_space<hbm>>) target(%dma_start3A_277 : memref<64x256xf32, #tpu.memory_space<vmem>>) target_semaphore(%arg15 : memref<!tpu.dma_semaphore, #tpu.memory_space<semaphore_mem>>)
        } else {
        }
        %eq3A_263 = arith.constant 2 : i32
        %eq3A_264 = arith.cmpi eq, %rem3A_246, %eq3A_263 : i32
        %convert_element_type3A_265 = arith.extui %eq3A_264 : i1 to i32
        %cond3A_266 = arith.constant 0 : i32
        %cond3A_267 = arith.cmpi ne, %convert_element_type3A_265, %cond3A_266 : i32
        scf.if %cond3A_267 {
          %dma_start3A = arith.constant 0 : i32
          %dma_start3A_273 = tpu.memref_slice %arg11[%dma_start3A, %multiple_of3A_252] : memref<64x1024xf32, #tpu.memory_space<vmem>> -> memref<64x256xf32, #tpu.memory_space<vmem>>
          %dma_start3A_274 = arith.constant 0 : i32
          %dma_start3A_275 = tpu.memref_slice %arg3[%dma_start3A_274, %multiple_of3A_249] : memref<64x1000000xf32, #tpu.memory_space<hbm>> -> memref<64x256xf32, #tpu.memory_space<hbm>>
          %dma_start3A_276 = arith.constant 0 : i32
          %dma_start3A_277 = tpu.memref_slice %arg11[%dma_start3A_276, %multiple_of3A_252] : memref<64x1024xf32, #tpu.memory_space<vmem>> -> memref<64x256xf32, #tpu.memory_space<vmem>>
          %dma_start3A_278 = arith.constant 0 : i32
          %dma_start3A_279 = tpu.memref_slice %arg3[%dma_start3A_278, %multiple_of3A_249] : memref<64x1000000xf32, #tpu.memory_space<hbm>> -> memref<64x256xf32, #tpu.memory_space<hbm>>
          tpu.enqueue_dma source(%dma_start3A_279 : memref<64x256xf32, #tpu.memory_space<hbm>>) target(%dma_start3A_277 : memref<64x256xf32, #tpu.memory_space<vmem>>) target_semaphore(%arg16 : memref<!tpu.dma_semaphore, #tpu.memory_space<semaphore_mem>>)
        } else {
        }
        %eq3A_268 = arith.constant 3 : i32
        %eq3A_269 = arith.cmpi eq, %rem3A_246, %eq3A_268 : i32
        %convert_element_type3A_270 = arith.extui %eq3A_269 : i1 to i32
        %cond3A_271 = arith.constant 0 : i32
        %cond3A_272 = arith.cmpi ne, %convert_element_type3A_270, %cond3A_271 : i32
        scf.if %cond3A_272 {
          %dma_start3A = arith.constant 0 : i32
          %dma_start3A_273 = tpu.memref_slice %arg11[%dma_start3A, %multiple_of3A_252] : memref<64x1024xf32, #tpu.memory_space<vmem>> -> memref<64x256xf32, #tpu.memory_space<vmem>>
          %dma_start3A_274 = arith.constant 0 : i32
          %dma_start3A_275 = tpu.memref_slice %arg3[%dma_start3A_274, %multiple_of3A_249] : memref<64x1000000xf32, #tpu.memory_space<hbm>> -> memref<64x256xf32, #tpu.memory_space<hbm>>
          %dma_start3A_276 = arith.constant 0 : i32
          %dma_start3A_277 = tpu.memref_slice %arg11[%dma_start3A_276, %multiple_of3A_252] : memref<64x1024xf32, #tpu.memory_space<vmem>> -> memref<64x256xf32, #tpu.memory_space<vmem>>
          %dma_start3A_278 = arith.constant 0 : i32
          %dma_start3A_279 = tpu.memref_slice %arg3[%dma_start3A_278, %multiple_of3A_249] : memref<64x1000000xf32, #tpu.memory_space<hbm>> -> memref<64x256xf32, #tpu.memory_space<hbm>>
          tpu.enqueue_dma source(%dma_start3A_279 : memref<64x256xf32, #tpu.memory_space<hbm>>) target(%dma_start3A_277 : memref<64x256xf32, #tpu.memory_space<vmem>>) target_semaphore(%arg17 : memref<!tpu.dma_semaphore, #tpu.memory_space<semaphore_mem>>)
        } else {
        }
      } else {
      }
      %rem3A_172 = arith.constant 4 : i32
      %rem3A_173 = arith.remsi %while3A_161, %rem3A_172 : i32
      %eq3A_174 = arith.constant 0 : i32
      %eq3A_175 = arith.cmpi eq, %rem3A_173, %eq3A_174 : i32
      %convert_element_type3A_176 = arith.extui %eq3A_175 : i1 to i32
      %cond3A_177 = arith.constant 0 : i32
      %cond3A_178 = arith.cmpi ne, %convert_element_type3A_176, %cond3A_177 : i32
      scf.if %cond3A_178 {
        %dma_wait3A = arith.constant 0 : i32
        %dma_wait3A_242 = arith.constant 0 : i32
        %dma_wait3A_243 = tpu.memref_slice %arg11[%dma_wait3A, %dma_wait3A_242] : memref<64x1024xf32, #tpu.memory_space<vmem>> -> memref<64x256xf32, #tpu.memory_space<vmem>>
        %dma_wait3A_244 = arith.constant 0 : i32
        %dma_wait3A_245 = arith.constant 0 : i32
        %dma_wait3A_246 = tpu.memref_slice %arg3[%dma_wait3A_244, %dma_wait3A_245] : memref<64x1000000xf32, #tpu.memory_space<hbm>> -> memref<64x256xf32, #tpu.memory_space<hbm>>
        %dma_wait3A_247 = arith.constant 0 : i32
        %dma_wait3A_248 = arith.constant 0 : i32
        %dma_wait3A_249 = tpu.memref_slice %arg11[%dma_wait3A_247, %dma_wait3A_248] : memref<64x1024xf32, #tpu.memory_space<vmem>> -> memref<64x256xf32, #tpu.memory_space<vmem>>
        %dma_wait3A_250 = arith.constant 0 : i32
        %dma_wait3A_251 = arith.constant 0 : i32
        %dma_wait3A_252 = tpu.memref_slice %arg3[%dma_wait3A_250, %dma_wait3A_251] : memref<64x1000000xf32, #tpu.memory_space<hbm>> -> memref<64x256xf32, #tpu.memory_space<hbm>>
        tpu.wait_dma2 semaphore(%arg14 : memref<!tpu.dma_semaphore, #tpu.memory_space<semaphore_mem>>) src(%dma_wait3A_252 : memref<64x256xf32, #tpu.memory_space<hbm>>) dst(%dma_wait3A_249 : memref<64x256xf32, #tpu.memory_space<vmem>>)
      } else {
      }
      %eq3A_179 = arith.constant 1 : i32
      %eq3A_180 = arith.cmpi eq, %rem3A_173, %eq3A_179 : i32
      %convert_element_type3A_181 = arith.extui %eq3A_180 : i1 to i32
      %cond3A_182 = arith.constant 0 : i32
      %cond3A_183 = arith.cmpi ne, %convert_element_type3A_181, %cond3A_182 : i32
      scf.if %cond3A_183 {
        %dma_wait3A = arith.constant 0 : i32
        %dma_wait3A_242 = arith.constant 0 : i32
        %dma_wait3A_243 = tpu.memref_slice %arg11[%dma_wait3A, %dma_wait3A_242] : memref<64x1024xf32, #tpu.memory_space<vmem>> -> memref<64x256xf32, #tpu.memory_space<vmem>>
        %dma_wait3A_244 = arith.constant 0 : i32
        %dma_wait3A_245 = arith.constant 0 : i32
        %dma_wait3A_246 = tpu.memref_slice %arg3[%dma_wait3A_244, %dma_wait3A_245] : memref<64x1000000xf32, #tpu.memory_space<hbm>> -> memref<64x256xf32, #tpu.memory_space<hbm>>
        %dma_wait3A_247 = arith.constant 0 : i32
        %dma_wait3A_248 = arith.constant 0 : i32
        %dma_wait3A_249 = tpu.memref_slice %arg11[%dma_wait3A_247, %dma_wait3A_248] : memref<64x1024xf32, #tpu.memory_space<vmem>> -> memref<64x256xf32, #tpu.memory_space<vmem>>
        %dma_wait3A_250 = arith.constant 0 : i32
        %dma_wait3A_251 = arith.constant 0 : i32
        %dma_wait3A_252 = tpu.memref_slice %arg3[%dma_wait3A_250, %dma_wait3A_251] : memref<64x1000000xf32, #tpu.memory_space<hbm>> -> memref<64x256xf32, #tpu.memory_space<hbm>>
        tpu.wait_dma2 semaphore(%arg15 : memref<!tpu.dma_semaphore, #tpu.memory_space<semaphore_mem>>) src(%dma_wait3A_252 : memref<64x256xf32, #tpu.memory_space<hbm>>) dst(%dma_wait3A_249 : memref<64x256xf32, #tpu.memory_space<vmem>>)
      } else {
      }
      %eq3A_184 = arith.constant 2 : i32
      %eq3A_185 = arith.cmpi eq, %rem3A_173, %eq3A_184 : i32
      %convert_element_type3A_186 = arith.extui %eq3A_185 : i1 to i32
      %cond3A_187 = arith.constant 0 : i32
      %cond3A_188 = arith.cmpi ne, %convert_element_type3A_186, %cond3A_187 : i32
      scf.if %cond3A_188 {
        %dma_wait3A = arith.constant 0 : i32
        %dma_wait3A_242 = arith.constant 0 : i32
        %dma_wait3A_243 = tpu.memref_slice %arg11[%dma_wait3A, %dma_wait3A_242] : memref<64x1024xf32, #tpu.memory_space<vmem>> -> memref<64x256xf32, #tpu.memory_space<vmem>>
        %dma_wait3A_244 = arith.constant 0 : i32
        %dma_wait3A_245 = arith.constant 0 : i32
        %dma_wait3A_246 = tpu.memref_slice %arg3[%dma_wait3A_244, %dma_wait3A_245] : memref<64x1000000xf32, #tpu.memory_space<hbm>> -> memref<64x256xf32, #tpu.memory_space<hbm>>
        %dma_wait3A_247 = arith.constant 0 : i32
        %dma_wait3A_248 = arith.constant 0 : i32
        %dma_wait3A_249 = tpu.memref_slice %arg11[%dma_wait3A_247, %dma_wait3A_248] : memref<64x1024xf32, #tpu.memory_space<vmem>> -> memref<64x256xf32, #tpu.memory_space<vmem>>
        %dma_wait3A_250 = arith.constant 0 : i32
        %dma_wait3A_251 = arith.constant 0 : i32
        %dma_wait3A_252 = tpu.memref_slice %arg3[%dma_wait3A_250, %dma_wait3A_251] : memref<64x1000000xf32, #tpu.memory_space<hbm>> -> memref<64x256xf32, #tpu.memory_space<hbm>>
        tpu.wait_dma2 semaphore(%arg16 : memref<!tpu.dma_semaphore, #tpu.memory_space<semaphore_mem>>) src(%dma_wait3A_252 : memref<64x256xf32, #tpu.memory_space<hbm>>) dst(%dma_wait3A_249 : memref<64x256xf32, #tpu.memory_space<vmem>>)
      } else {
      }
      %eq3A_189 = arith.constant 3 : i32
      %eq3A_190 = arith.cmpi eq, %rem3A_173, %eq3A_189 : i32
      %convert_element_type3A_191 = arith.extui %eq3A_190 : i1 to i32
      %cond3A_192 = arith.constant 0 : i32
      %cond3A_193 = arith.cmpi ne, %convert_element_type3A_191, %cond3A_192 : i32
      scf.if %cond3A_193 {
        %dma_wait3A = arith.constant 0 : i32
        %dma_wait3A_242 = arith.constant 0 : i32
        %dma_wait3A_243 = tpu.memref_slice %arg11[%dma_wait3A, %dma_wait3A_242] : memref<64x1024xf32, #tpu.memory_space<vmem>> -> memref<64x256xf32, #tpu.memory_space<vmem>>
        %dma_wait3A_244 = arith.constant 0 : i32
        %dma_wait3A_245 = arith.constant 0 : i32
        %dma_wait3A_246 = tpu.memref_slice %arg3[%dma_wait3A_244, %dma_wait3A_245] : memref<64x1000000xf32, #tpu.memory_space<hbm>> -> memref<64x256xf32, #tpu.memory_space<hbm>>
        %dma_wait3A_247 = arith.constant 0 : i32
        %dma_wait3A_248 = arith.constant 0 : i32
        %dma_wait3A_249 = tpu.memref_slice %arg11[%dma_wait3A_247, %dma_wait3A_248] : memref<64x1024xf32, #tpu.memory_space<vmem>> -> memref<64x256xf32, #tpu.memory_space<vmem>>
        %dma_wait3A_250 = arith.constant 0 : i32
        %dma_wait3A_251 = arith.constant 0 : i32
        %dma_wait3A_252 = tpu.memref_slice %arg3[%dma_wait3A_250, %dma_wait3A_251] : memref<64x1000000xf32, #tpu.memory_space<hbm>> -> memref<64x256xf32, #tpu.memory_space<hbm>>
        tpu.wait_dma2 semaphore(%arg17 : memref<!tpu.dma_semaphore, #tpu.memory_space<semaphore_mem>>) src(%dma_wait3A_252 : memref<64x256xf32, #tpu.memory_space<hbm>>) dst(%dma_wait3A_249 : memref<64x256xf32, #tpu.memory_space<vmem>>)
      } else {
      }
      %add3A_194 = arith.addi %add3A_8, %while3A_161 : i32
      %rem3A_195 = arith.constant 4 : i32
      %rem3A_196 = arith.remsi %while3A_161, %rem3A_195 : i32
      %add3A_197 = arith.constant 15 : i32
      %add3A_198 = arith.addi %min3A_113, %add3A_197 : i32
      %jit3A_199 = arith.constant 16 : i32
      %div3A = arith.divsi %add3A_198, %jit3A_199 : i32
      %sign3A = arith.constant 0 : i32
      %sign3A_200 = arith.cmpi sgt, %add3A_198, %sign3A : i32
      %sign3A_201 = arith.extui %sign3A_200 : i1 to i32
      %sign3A_202 = arith.constant 0 : i32
      %sign3A_203 = arith.cmpi slt, %add3A_198, %sign3A_202 : i32
      %sign3A_204 = arith.extui %sign3A_203 : i1 to i32
      %sign3A_205 = arith.subi %sign3A_201, %sign3A_204 : i32
      %sign3A_206 = arith.constant 0 : i32
      %sign3A_207 = arith.cmpi sgt, %jit3A_199, %sign3A_206 : i32
      %sign3A_208 = arith.extui %sign3A_207 : i1 to i32
      %sign3A_209 = arith.constant 0 : i32
      %sign3A_210 = arith.cmpi slt, %jit3A_199, %sign3A_209 : i32
      %sign3A_211 = arith.extui %sign3A_210 : i1 to i32
      %sign3A_212 = arith.subi %sign3A_208, %sign3A_211 : i32
      %ne3A = arith.cmpi ne, %sign3A_205, %sign3A_212 : i32
      %rem3A_213 = arith.remsi %add3A_198, %jit3A_199 : i32
      %ne3A_214 = arith.constant 0 : i32
      %ne3A_215 = arith.cmpi ne, %rem3A_213, %ne3A_214 : i32
      %and3A_216 = arith.andi %ne3A, %ne3A_215 : i1
      %sub3A = arith.constant 1 : i32
      %sub3A_217 = arith.subi %div3A, %sub3A : i32
      %select_n3A_218 = arith.select %and3A_216, %sub3A_217, %div3A : i32
      %while3A_219 = arith.constant 0 : i32
      %while3A_220 = arith.constant 0 : i32
      %while3A_221 = arith.subi %select_n3A_218, %while3A_219 : i32
      %while3A_222 = arith.addi %while3A_219, %while3A_221 : i32
      %while3A_223 = arith.constant 1 : i32
      %while3A_224 = arith.divsi %while3A_221, %while3A_223 : i32
      %while3A_225 = arith.muli %while3A_224, %while3A_223 : i32
      %while3A_226 = arith.addi %while3A_219, %while3A_225 : i32
      %while3A_227 = arith.constant 1 : i32
      %while3A_228 = scf.for %while3A_242 = %while3A_219 to %while3A_226 step %while3A_227 iter_args(%while3A_243 = %while3A_220) -> (i32)  : i32 {
        %mul3A_244 = arith.constant 16 : i32
        %mul3A_245 = arith.muli %while3A_242, %mul3A_244 : i32
        %multiple_of3A_246 = tpu.assume_multiple %mul3A_245, 16 : i32
        %get3A = arith.index_cast %multiple_of3A_246 : i32 to index
        %get3A_247 = tpu.vector_load %arg7[%get3A] {strides = array<i32>} : memref<2048xi32, #tpu.memory_space<vmem>>, vector<16xi32>,
        %get3A_248 = arith.index_cast %multiple_of3A_246 : i32 to index
        %get3A_249 = tpu.vector_load %arg8[%get3A_248] {strides = array<i32>} : memref<2048xi32, #tpu.memory_space<vmem>>, vector<16xi32>,
        %mul3A_250 = arith.constant 16 : i32
        %mul3A_251 = arith.muli %while3A_242, %mul3A_250 : i32
        %add3A_252 = vector.broadcast %mul3A_251 : i32 to vector<16xi32>
        %add3A_253 = arith.addi %iota3A, %add3A_252 : vector<16xi32>
        %lt3A_254 = vector.broadcast %min3A_113 : i32 to vector<16xi32>
        %lt3A_255 = arith.cmpi slt, %add3A_253, %lt3A_254 : vector<16xi32>
        %shift_right_logical3A = arith.constant 8 : i32
        %shift_right_logical3A_256 = vector.broadcast %shift_right_logical3A : i32 to vector<16xi32>
        %shift_right_logical3A_257 = arith.shrui %get3A_247, %shift_right_logical3A_256 : vector<16xi32>
        %eq3A_258 = vector.broadcast %add3A_194 : i32 to vector<16xi32>
        %eq3A_259 = arith.cmpi eq, %shift_right_logical3A_257, %eq3A_258 : vector<16xi32>
        %and3A_260 = arith.andi %lt3A_255, %eq3A_259 : vector<16xi1>
        %convert_element_type3A_261 = arith.extui %and3A_260 : vector<16xi1> to vector<16xi32>
        %broadcast_in_dim3A = arith.constant true
        %broadcast_in_dim3A_262 = vector.broadcast %broadcast_in_dim3A : i1 to vector<16xi1>
        %masked_cumsum3A = tpu.scan <sum>, %convert_element_type3A_261 masked %broadcast_in_dim3A_262 : vector<16xi32>, vector<16xi1> -> vector<16xi32>
        %add3A_263 = vector.broadcast %while3A_243 : i32 to vector<16xi32>
        %add3A_264 = arith.addi %add3A_263, %masked_cumsum3A : vector<16xi32>
        %sub3A_265 = arith.constant 1 : i32
        %sub3A_266 = vector.broadcast %sub3A_265 : i32 to vector<16xi32>
        %sub3A_267 = arith.subi %add3A_264, %sub3A_266 : vector<16xi32>
        %min3A_268 = arith.constant 63 : i32
        %min3A_269 = vector.broadcast %min3A_268 : i32 to vector<16xi32>
        %min3A_270 = arith.minsi %sub3A_267, %min3A_269 : vector<16xi32>
        tpu.vector_store_idx %arg9[%min3A_270], %get3A_247 masked %and3A_260 : memref<64xi32, #tpu.memory_space<vmem>>[vector<16xi32>], vector<16xi32>, vector<16xi1>
        tpu.vector_store_idx %arg10[%min3A_270], %get3A_249 masked %and3A_260 : memref<64xi32, #tpu.memory_space<vmem>>[vector<16xi32>], vector<16xi32>, vector<16xi1>
        %slice3A = vector.extract_strided_slice %masked_cumsum3A {offsets = [15], sizes = [1], strides = [1]} : vector<16xi32> to vector<1xi32>
        %squeeze3A = vector.extract %slice3A[0] : i32 from vector<1xi32>
        %add3A_271 = arith.addi %while3A_243, %squeeze3A : i32
        scf.yield %add3A_271 : i32
      }
      %while3A_229 = arith.constant 1 : i32
      %while3A_230 = scf.for %while3A_242 = %while3A_226 to %while3A_222 step %while3A_229 iter_args(%while3A_243 = %while3A_228) -> (i32)  : i32 {
        %mul3A_244 = arith.constant 16 : i32
        %mul3A_245 = arith.muli %while3A_242, %mul3A_244 : i32
        %multiple_of3A_246 = tpu.assume_multiple %mul3A_245, 16 : i32
        %get3A = arith.index_cast %multiple_of3A_246 : i32 to index
        %get3A_247 = tpu.vector_load %arg7[%get3A] {strides = array<i32>} : memref<2048xi32, #tpu.memory_space<vmem>>, vector<16xi32>,
        %get3A_248 = arith.index_cast %multiple_of3A_246 : i32 to index
        %get3A_249 = tpu.vector_load %arg8[%get3A_248] {strides = array<i32>} : memref<2048xi32, #tpu.memory_space<vmem>>, vector<16xi32>,
        %mul3A_250 = arith.constant 16 : i32
        %mul3A_251 = arith.muli %while3A_242, %mul3A_250 : i32
        %add3A_252 = vector.broadcast %mul3A_251 : i32 to vector<16xi32>
        %add3A_253 = arith.addi %iota3A, %add3A_252 : vector<16xi32>
        %lt3A_254 = vector.broadcast %min3A_113 : i32 to vector<16xi32>
        %lt3A_255 = arith.cmpi slt, %add3A_253, %lt3A_254 : vector<16xi32>
        %shift_right_logical3A = arith.constant 8 : i32
        %shift_right_logical3A_256 = vector.broadcast %shift_right_logical3A : i32 to vector<16xi32>
        %shift_right_logical3A_257 = arith.shrui %get3A_247, %shift_right_logical3A_256 : vector<16xi32>
        %eq3A_258 = vector.broadcast %add3A_194 : i32 to vector<16xi32>
        %eq3A_259 = arith.cmpi eq, %shift_right_logical3A_257, %eq3A_258 : vector<16xi32>
        %and3A_260 = arith.andi %lt3A_255, %eq3A_259 : vector<16xi1>
        %convert_element_type3A_261 = arith.extui %and3A_260 : vector<16xi1> to vector<16xi32>
        %broadcast_in_dim3A = arith.constant true
        %broadcast_in_dim3A_262 = vector.broadcast %broadcast_in_dim3A : i1 to vector<16xi1>
        %masked_cumsum3A = tpu.scan <sum>, %convert_element_type3A_261 masked %broadcast_in_dim3A_262 : vector<16xi32>, vector<16xi1> -> vector<16xi32>
        %add3A_263 = vector.broadcast %while3A_243 : i32 to vector<16xi32>
        %add3A_264 = arith.addi %add3A_263, %masked_cumsum3A : vector<16xi32>
        %sub3A_265 = arith.constant 1 : i32
        %sub3A_266 = vector.broadcast %sub3A_265 : i32 to vector<16xi32>
        %sub3A_267 = arith.subi %add3A_264, %sub3A_266 : vector<16xi32>
        %min3A_268 = arith.constant 63 : i32
        %min3A_269 = vector.broadcast %min3A_268 : i32 to vector<16xi32>
        %min3A_270 = arith.minsi %sub3A_267, %min3A_269 : vector<16xi32>
        tpu.vector_store_idx %arg9[%min3A_270], %get3A_247 masked %and3A_260 : memref<64xi32, #tpu.memory_space<vmem>>[vector<16xi32>], vector<16xi32>, vector<16xi1>
        tpu.vector_store_idx %arg10[%min3A_270], %get3A_249 masked %and3A_260 : memref<64xi32, #tpu.memory_space<vmem>>[vector<16xi32>], vector<16xi32>, vector<16xi1>
        %slice3A = vector.extract_strided_slice %masked_cumsum3A {offsets = [15], sizes = [1], strides = [1]} : vector<16xi32> to vector<1xi32>
        %squeeze3A = vector.extract %slice3A[0] : i32 from vector<1xi32>
        %add3A_271 = arith.addi %while3A_243, %squeeze3A : i32
        scf.yield %add3A_271 : i32
      }
      %while3A_231 = arith.constant 0 : i32
      %while3A_232 = arith.subi %while3A_230, %while3A_231 : i32
      %while3A_233 = arith.addi %while3A_231, %while3A_232 : i32
      %while3A_234 = arith.constant 1 : i32
      %while3A_235 = arith.divsi %while3A_232, %while3A_234 : i32
      %while3A_236 = arith.muli %while3A_235, %while3A_234 : i32
      %while3A_237 = arith.addi %while3A_231, %while3A_236 : i32
      %while3A_238 = arith.constant 1 : i32
      %while3A_239:4 = scf.for %while3A_242 = %while3A_231 to %while3A_237 step %while3A_238 iter_args(%while3A_243 = %while3A_162, %while3A_244 = %while3A_163, %while3A_245 = %while3A_164, %while3A_246 = %while3A_165) -> (i32, i32, i32, vector<16xi32>)  : i32 {
        %div3A_247 = arith.constant 16 : i32
        %div3A_248 = arith.divsi %while3A_242, %div3A_247 : i32
        %mul3A_249 = arith.constant 16 : i32
        %mul3A_250 = arith.muli %div3A_248, %mul3A_249 : i32
        %multiple_of3A_251 = tpu.assume_multiple %mul3A_250, 16 : i32
        %rem3A_252 = arith.constant 16 : i32
        %rem3A_253 = arith.remsi %while3A_242, %rem3A_252 : i32
        %broadcast_in_dim3A = vector.broadcast %rem3A_253 : i32 to vector<16xi32>
        %get3A = arith.index_cast %multiple_of3A_251 : i32 to index
        %get3A_254 = tpu.vector_load %arg9[%get3A] {strides = array<i32>} : memref<64xi32, #tpu.memory_space<vmem>>, vector<16xi32>,
        %get3A_255 = arith.index_cast %multiple_of3A_251 : i32 to index
        %get3A_256 = tpu.vector_load %arg10[%get3A_255] {strides = array<i32>} : memref<64xi32, #tpu.memory_space<vmem>>, vector<16xi32>,
        %lt3A_257 = arith.constant 0 : i32
        %lt3A_258 = vector.broadcast %lt3A_257 : i32 to vector<16xi32>
        %lt3A_259 = arith.cmpi slt, %broadcast_in_dim3A, %lt3A_258 : vector<16xi32>
        %add3A_260 = arith.constant 16 : i32
        %add3A_261 = vector.broadcast %add3A_260 : i32 to vector<16xi32>
        %add3A_262 = arith.addi %broadcast_in_dim3A, %add3A_261 : vector<16xi32>
        %select_n3A_263 = arith.select %lt3A_259, %add3A_262, %broadcast_in_dim3A : vector<16xi1>, vector<16xi32>
        %broadcast_in_dim3A_264 = vector.shape_cast %select_n3A_263 : vector<16xi32> to vector<16x1xi32>
        %gather3A = vector.shape_cast %broadcast_in_dim3A_264 : vector<16x1xi32> to vector<16xi32>
        %gather3A_265 = tpu.dynamic_gather %get3A_254[%gather3A] in [0] : vector<16xi32>, vector<16xi32> -> vector<16xi32>
        %lt3A_266 = arith.constant 0 : i32
        %lt3A_267 = vector.broadcast %lt3A_266 : i32 to vector<16xi32>
        %lt3A_268 = arith.cmpi slt, %broadcast_in_dim3A, %lt3A_267 : vector<16xi32>
        %add3A_269 = arith.constant 16 : i32
        %add3A_270 = vector.broadcast %add3A_269 : i32 to vector<16xi32>
        %add3A_271 = arith.addi %broadcast_in_dim3A, %add3A_270 : vector<16xi32>
        %select_n3A_272 = arith.select %lt3A_268, %add3A_271, %broadcast_in_dim3A : vector<16xi1>, vector<16xi32>
        %broadcast_in_dim3A_273 = vector.shape_cast %select_n3A_272 : vector<16xi32> to vector<16x1xi32>
        %gather3A_274 = vector.shape_cast %broadcast_in_dim3A_273 : vector<16x1xi32> to vector<16xi32>
        %gather3A_275 = tpu.dynamic_gather %get3A_256[%gather3A_274] in [0] : vector<16xi32>, vector<16xi32> -> vector<16xi32>
        %mul3A_276 = arith.constant 16 : i32
        %mul3A_277 = arith.muli %while3A_244, %mul3A_276 : i32
        %add3A_278 = arith.addi %mul3A_277, %while3A_243 : i32
        %broadcast_in_dim3A_279 = vector.broadcast %add3A_278 : i32 to vector<16xi32>
        %mul3A_280 = arith.constant 256 : i32
        %mul3A_281 = arith.muli %rem3A_196, %mul3A_280 : i32
        %and3A_282 = arith.constant 255 : i32
        %and3A_283 = vector.broadcast %and3A_282 : i32 to vector<16xi32>
        %and3A_284 = arith.andi %gather3A_265, %and3A_283 : vector<16xi32>
        %add3A_285 = vector.broadcast %mul3A_281 : i32 to vector<16xi32>
        %add3A_286 = arith.addi %add3A_285, %and3A_284 : vector<16xi32>
        %add3A_287 = arith.constant 0 : i32
        %add3A_288 = vector.broadcast %add3A_287 : i32 to vector<16xi32>
        %add3A_289 = arith.addi %iota3A, %add3A_288 : vector<16xi32>
        %gather3A_290 = tpu.vector_load_idx %arg11[%add3A_289, %add3A_286] : memref<64x1024xf32, #tpu.memory_space<vmem>>[vector<16xi32>, vector<16xi32>], vector<16xf32>,
        %add3A_291 = arith.constant 0 : i32
        %add3A_292 = vector.broadcast %add3A_291 : i32 to vector<16xi32>
        %add3A_293 = arith.addi %iota3A, %add3A_292 : vector<16xi32>
        tpu.vector_store_idx %arg13[%broadcast_in_dim3A_279, %add3A_293], %gather3A_290 : memref<32x128xf32, #tpu.memory_space<vmem>>[vector<16xi32>, vector<16xi32>], vector<16xf32>,
        %add3A_294 = arith.constant 16 : i32
        %add3A_295 = vector.broadcast %add3A_294 : i32 to vector<16xi32>
        %add3A_296 = arith.addi %iota3A, %add3A_295 : vector<16xi32>
        %gather3A_297 = tpu.vector_load_idx %arg11[%add3A_296, %add3A_286] : memref<64x1024xf32, #tpu.memory_space<vmem>>[vector<16xi32>, vector<16xi32>], vector<16xf32>,
        %add3A_298 = arith.constant 16 : i32
        %add3A_299 = vector.broadcast %add3A_298 : i32 to vector<16xi32>
        %add3A_300 = arith.addi %iota3A, %add3A_299 : vector<16xi32>
        tpu.vector_store_idx %arg13[%broadcast_in_dim3A_279, %add3A_300], %gather3A_297 : memref<32x128xf32, #tpu.memory_space<vmem>>[vector<16xi32>, vector<16xi32>], vector<16xf32>,
        %add3A_301 = arith.constant 32 : i32
        %add3A_302 = vector.broadcast %add3A_301 : i32 to vector<16xi32>
        %add3A_303 = arith.addi %iota3A, %add3A_302 : vector<16xi32>
        %gather3A_304 = tpu.vector_load_idx %arg11[%add3A_303, %add3A_286] : memref<64x1024xf32, #tpu.memory_space<vmem>>[vector<16xi32>, vector<16xi32>], vector<16xf32>,
        %add3A_305 = arith.constant 32 : i32
        %add3A_306 = vector.broadcast %add3A_305 : i32 to vector<16xi32>
        %add3A_307 = arith.addi %iota3A, %add3A_306 : vector<16xi32>
        tpu.vector_store_idx %arg13[%broadcast_in_dim3A_279, %add3A_307], %gather3A_304 : memref<32x128xf32, #tpu.memory_space<vmem>>[vector<16xi32>, vector<16xi32>], vector<16xf32>,
        %add3A_308 = arith.constant 48 : i32
        %add3A_309 = vector.broadcast %add3A_308 : i32 to vector<16xi32>
        %add3A_310 = arith.addi %iota3A, %add3A_309 : vector<16xi32>
        %gather3A_311 = tpu.vector_load_idx %arg11[%add3A_310, %add3A_286] : memref<64x1024xf32, #tpu.memory_space<vmem>>[vector<16xi32>, vector<16xi32>], vector<16xf32>,
        %add3A_312 = arith.constant 48 : i32
        %add3A_313 = vector.broadcast %add3A_312 : i32 to vector<16xi32>
        %add3A_314 = arith.addi %iota3A, %add3A_313 : vector<16xi32>
        tpu.vector_store_idx %arg13[%broadcast_in_dim3A_279, %add3A_314], %gather3A_311 : memref<32x128xf32, #tpu.memory_space<vmem>>[vector<16xi32>, vector<16xi32>], vector<16xf32>,
        %eq3A_315 = vector.broadcast %while3A_243 : i32 to vector<16xi32>
        %eq3A_316 = arith.cmpi eq, %iota3A, %eq3A_315 : vector<16xi32>
        %select_n3A_317 = arith.select %eq3A_316, %gather3A_275, %while3A_246 : vector<16xi1>, vector<16xi32>
        %add3A_318 = arith.constant 1 : i32
        %add3A_319 = arith.addi %while3A_243, %add3A_318 : i32
        %eq3A_320 = arith.constant 16 : i32
        %eq3A_321 = arith.cmpi eq, %add3A_319, %eq3A_320 : i32
        %convert_element_type3A_322 = arith.extui %eq3A_321 : i1 to i32
        %cond3A_323 = arith.constant 0 : i32
        %cond3A_324 = arith.cmpi ne, %convert_element_type3A_322, %cond3A_323 : i32
        %cond3A_325:4 = scf.if %cond3A_324 -> (i32, i32, i32, vector<16xi32>) {
          %mul3A_326 = arith.constant 16 : i32
          %mul3A_327 = arith.muli %while3A_244, %mul3A_326 : i32
          %multiple_of3A_328 = tpu.assume_multiple %mul3A_327, 16 : i32
          %eq3A_329 = arith.constant 0 : i32
          %eq3A_330 = arith.cmpi eq, %while3A_244, %eq3A_329 : i32
          %convert_element_type3A_331 = arith.extui %eq3A_330 : i1 to i32
          %cond3A_332 = arith.constant 0 : i32
          %cond3A_333 = arith.cmpi ne, %convert_element_type3A_331, %cond3A_332 : i32
          scf.if %cond3A_333 {
            %dma_start3A = arith.constant 0 : i32
            %dma_start3A_362 = tpu.memref_slice %arg13[%multiple_of3A_328, %dma_start3A] : memref<32x128xf32, #tpu.memory_space<vmem>> -> memref<16x128xf32, #tpu.memory_space<vmem>>
            %dma_start3A_363 = arith.constant 0 : i32
            %dma_start3A_364 = arith.constant 0 : i32
            %dma_start3A_365 = tpu.memref_slice %arg5[%dma_start3A_363, %dma_start3A_364] : memref<16400x128xf32, #tpu.memory_space<hbm>> -> memref<16400x128xf32, #tpu.memory_space<hbm>>
            tpu.enqueue_indirect_dma source(%dma_start3A_362 : memref<16x128xf32, #tpu.memory_space<vmem>>) target(%dma_start3A_365 : memref<16400x128xf32, #tpu.memory_space<hbm>>) offsets(%select_n3A_317 : vector<16xi32>) semaphore(%arg18 : memref<!tpu.dma_semaphore, #tpu.memory_space<semaphore_mem>>)
          } else {
          }
          %eq3A_334 = arith.constant 1 : i32
          %eq3A_335 = arith.cmpi eq, %while3A_244, %eq3A_334 : i32
          %convert_element_type3A_336 = arith.extui %eq3A_335 : i1 to i32
          %cond3A_337 = arith.constant 0 : i32
          %cond3A_338 = arith.cmpi ne, %convert_element_type3A_336, %cond3A_337 : i32
          scf.if %cond3A_338 {
            %dma_start3A = arith.constant 0 : i32
            %dma_start3A_362 = tpu.memref_slice %arg13[%multiple_of3A_328, %dma_start3A] : memref<32x128xf32, #tpu.memory_space<vmem>> -> memref<16x128xf32, #tpu.memory_space<vmem>>
            %dma_start3A_363 = arith.constant 0 : i32
            %dma_start3A_364 = arith.constant 0 : i32
            %dma_start3A_365 = tpu.memref_slice %arg5[%dma_start3A_363, %dma_start3A_364] : memref<16400x128xf32, #tpu.memory_space<hbm>> -> memref<16400x128xf32, #tpu.memory_space<hbm>>
            tpu.enqueue_indirect_dma source(%dma_start3A_362 : memref<16x128xf32, #tpu.memory_space<vmem>>) target(%dma_start3A_365 : memref<16400x128xf32, #tpu.memory_space<hbm>>) offsets(%select_n3A_317 : vector<16xi32>) semaphore(%arg19 : memref<!tpu.dma_semaphore, #tpu.memory_space<semaphore_mem>>)
          } else {
          }
          %ge3A_339 = arith.constant 1 : i32
          %ge3A_340 = arith.cmpi sge, %while3A_245, %ge3A_339 : i32
          %eq3A_341 = arith.constant 1 : i32
          %eq3A_342 = arith.cmpi eq, %while3A_244, %eq3A_341 : i32
          %and3A_343 = arith.andi %ge3A_340, %eq3A_342 : i1
          %convert_element_type3A_344 = arith.extui %and3A_343 : i1 to i32
          %cond3A_345 = arith.constant 0 : i32
          %cond3A_346 = arith.cmpi ne, %convert_element_type3A_344, %cond3A_345 : i32
          scf.if %cond3A_346 {
            %dma_wait3A = arith.constant 0 : i32
            %dma_wait3A_362 = arith.constant 0 : i32
            %dma_wait3A_363 = tpu.memref_slice %arg13[%dma_wait3A, %dma_wait3A_362] : memref<32x128xf32, #tpu.memory_space<vmem>> -> memref<16x128xf32, #tpu.memory_space<vmem>>
            %dma_wait3A_364 = arith.constant 0 : i32
            %dma_wait3A_365 = arith.constant 0 : i32
            %dma_wait3A_366 = tpu.memref_slice %arg5[%dma_wait3A_364, %dma_wait3A_365] : memref<16400x128xf32, #tpu.memory_space<hbm>> -> memref<16x128xf32, #tpu.memory_space<hbm>>
            %dma_wait3A_367 = arith.constant 0 : i32
            %dma_wait3A_368 = arith.constant 0 : i32
            %dma_wait3A_369 = tpu.memref_slice %arg13[%dma_wait3A_367, %dma_wait3A_368] : memref<32x128xf32, #tpu.memory_space<vmem>> -> memref<16x128xf32, #tpu.memory_space<vmem>>
            %dma_wait3A_370 = arith.constant 0 : i32
            %dma_wait3A_371 = arith.constant 0 : i32
            %dma_wait3A_372 = tpu.memref_slice %arg5[%dma_wait3A_370, %dma_wait3A_371] : memref<16400x128xf32, #tpu.memory_space<hbm>> -> memref<16x128xf32, #tpu.memory_space<hbm>>
            tpu.wait_dma2 semaphore(%arg18 : memref<!tpu.dma_semaphore, #tpu.memory_space<semaphore_mem>>) src(%dma_wait3A_372 : memref<16x128xf32, #tpu.memory_space<hbm>>) dst(%dma_wait3A_369 : memref<16x128xf32, #tpu.memory_space<vmem>>)
          } else {
          }
          %ge3A_347 = arith.constant 1 : i32
          %ge3A_348 = arith.cmpi sge, %while3A_245, %ge3A_347 : i32
          %eq3A_349 = arith.constant 0 : i32
          %eq3A_350 = arith.cmpi eq, %while3A_244, %eq3A_349 : i32
          %and3A_351 = arith.andi %ge3A_348, %eq3A_350 : i1
          %convert_element_type3A_352 = arith.extui %and3A_351 : i1 to i32
          %cond3A_353 = arith.constant 0 : i32
          %cond3A_354 = arith.cmpi ne, %convert_element_type3A_352, %cond3A_353 : i32
          scf.if %cond3A_354 {
            %dma_wait3A = arith.constant 0 : i32
            %dma_wait3A_362 = arith.constant 0 : i32
            %dma_wait3A_363 = tpu.memref_slice %arg13[%dma_wait3A, %dma_wait3A_362] : memref<32x128xf32, #tpu.memory_space<vmem>> -> memref<16x128xf32, #tpu.memory_space<vmem>>
            %dma_wait3A_364 = arith.constant 0 : i32
            %dma_wait3A_365 = arith.constant 0 : i32
            %dma_wait3A_366 = tpu.memref_slice %arg5[%dma_wait3A_364, %dma_wait3A_365] : memref<16400x128xf32, #tpu.memory_space<hbm>> -> memref<16x128xf32, #tpu.memory_space<hbm>>
            %dma_wait3A_367 = arith.constant 0 : i32
            %dma_wait3A_368 = arith.constant 0 : i32
            %dma_wait3A_369 = tpu.memref_slice %arg13[%dma_wait3A_367, %dma_wait3A_368] : memref<32x128xf32, #tpu.memory_space<vmem>> -> memref<16x128xf32, #tpu.memory_space<vmem>>
            %dma_wait3A_370 = arith.constant 0 : i32
            %dma_wait3A_371 = arith.constant 0 : i32
            %dma_wait3A_372 = tpu.memref_slice %arg5[%dma_wait3A_370, %dma_wait3A_371] : memref<16400x128xf32, #tpu.memory_space<hbm>> -> memref<16x128xf32, #tpu.memory_space<hbm>>
            tpu.wait_dma2 semaphore(%arg19 : memref<!tpu.dma_semaphore, #tpu.memory_space<semaphore_mem>>) src(%dma_wait3A_372 : memref<16x128xf32, #tpu.memory_space<hbm>>) dst(%dma_wait3A_369 : memref<16x128xf32, #tpu.memory_space<vmem>>)
          } else {
          }
          %sub3A_355 = arith.constant 1 : i32
          %sub3A_356 = arith.subi %sub3A_355, %while3A_244 : i32
          %add3A_357 = arith.constant 16384 : i32
          %add3A_358 = vector.broadcast %add3A_357 : i32 to vector<16xi32>
          %add3A_359 = arith.addi %add3A_358, %iota3A : vector<16xi32>
          %cond3A_360 = arith.constant 0 : i32
          %cond3A_361 = arith.constant 1 : i32
          scf.yield %cond3A_360, %sub3A_356, %cond3A_361, %add3A_359 : i32, i32, i32, vector<16xi32>
        } else {
          %add3A_326 = arith.constant 1 : i32
          %add3A_327 = arith.addi %while3A_243, %add3A_326 : i32
          scf.yield %add3A_327, %while3A_244, %while3A_245, %select_n3A_317 : i32, i32, i32, vector<16xi32>
        }
        scf.yield %cond3A_325#0, %cond3A_325#1, %cond3A_325#2, %cond3A_325#3 : i32, i32, i32, vector<16xi32>
      }
      %while3A_240 = arith.constant 1 : i32
      %while3A_241:4 = scf.for %while3A_242 = %while3A_237 to %while3A_233 step %while3A_240 iter_args(%while3A_243 = %while3A_239#0, %while3A_244 = %while3A_239#1, %while3A_245 = %while3A_239#2, %while3A_246 = %while3A_239#3) -> (i32, i32, i32, vector<16xi32>)  : i32 {
        %div3A_247 = arith.constant 16 : i32
        %div3A_248 = arith.divsi %while3A_242, %div3A_247 : i32
        %mul3A_249 = arith.constant 16 : i32
        %mul3A_250 = arith.muli %div3A_248, %mul3A_249 : i32
        %multiple_of3A_251 = tpu.assume_multiple %mul3A_250, 16 : i32
        %rem3A_252 = arith.constant 16 : i32
        %rem3A_253 = arith.remsi %while3A_242, %rem3A_252 : i32
        %broadcast_in_dim3A = vector.broadcast %rem3A_253 : i32 to vector<16xi32>
        %get3A = arith.index_cast %multiple_of3A_251 : i32 to index
        %get3A_254 = tpu.vector_load %arg9[%get3A] {strides = array<i32>} : memref<64xi32, #tpu.memory_space<vmem>>, vector<16xi32>,
        %get3A_255 = arith.index_cast %multiple_of3A_251 : i32 to index
        %get3A_256 = tpu.vector_load %arg10[%get3A_255] {strides = array<i32>} : memref<64xi32, #tpu.memory_space<vmem>>, vector<16xi32>,
        %lt3A_257 = arith.constant 0 : i32
        %lt3A_258 = vector.broadcast %lt3A_257 : i32 to vector<16xi32>
        %lt3A_259 = arith.cmpi slt, %broadcast_in_dim3A, %lt3A_258 : vector<16xi32>
        %add3A_260 = arith.constant 16 : i32
        %add3A_261 = vector.broadcast %add3A_260 : i32 to vector<16xi32>
        %add3A_262 = arith.addi %broadcast_in_dim3A, %add3A_261 : vector<16xi32>
        %select_n3A_263 = arith.select %lt3A_259, %add3A_262, %broadcast_in_dim3A : vector<16xi1>, vector<16xi32>
        %broadcast_in_dim3A_264 = vector.shape_cast %select_n3A_263 : vector<16xi32> to vector<16x1xi32>
        %gather3A = vector.shape_cast %broadcast_in_dim3A_264 : vector<16x1xi32> to vector<16xi32>
        %gather3A_265 = tpu.dynamic_gather %get3A_254[%gather3A] in [0] : vector<16xi32>, vector<16xi32> -> vector<16xi32>
        %lt3A_266 = arith.constant 0 : i32
        %lt3A_267 = vector.broadcast %lt3A_266 : i32 to vector<16xi32>
        %lt3A_268 = arith.cmpi slt, %broadcast_in_dim3A, %lt3A_267 : vector<16xi32>
        %add3A_269 = arith.constant 16 : i32
        %add3A_270 = vector.broadcast %add3A_269 : i32 to vector<16xi32>
        %add3A_271 = arith.addi %broadcast_in_dim3A, %add3A_270 : vector<16xi32>
        %select_n3A_272 = arith.select %lt3A_268, %add3A_271, %broadcast_in_dim3A : vector<16xi1>, vector<16xi32>
        %broadcast_in_dim3A_273 = vector.shape_cast %select_n3A_272 : vector<16xi32> to vector<16x1xi32>
        %gather3A_274 = vector.shape_cast %broadcast_in_dim3A_273 : vector<16x1xi32> to vector<16xi32>
        %gather3A_275 = tpu.dynamic_gather %get3A_256[%gather3A_274] in [0] : vector<16xi32>, vector<16xi32> -> vector<16xi32>
        %mul3A_276 = arith.constant 16 : i32
        %mul3A_277 = arith.muli %while3A_244, %mul3A_276 : i32
        %add3A_278 = arith.addi %mul3A_277, %while3A_243 : i32
        %broadcast_in_dim3A_279 = vector.broadcast %add3A_278 : i32 to vector<16xi32>
        %mul3A_280 = arith.constant 256 : i32
        %mul3A_281 = arith.muli %rem3A_196, %mul3A_280 : i32
        %and3A_282 = arith.constant 255 : i32
        %and3A_283 = vector.broadcast %and3A_282 : i32 to vector<16xi32>
        %and3A_284 = arith.andi %gather3A_265, %and3A_283 : vector<16xi32>
        %add3A_285 = vector.broadcast %mul3A_281 : i32 to vector<16xi32>
        %add3A_286 = arith.addi %add3A_285, %and3A_284 : vector<16xi32>
        %add3A_287 = arith.constant 0 : i32
        %add3A_288 = vector.broadcast %add3A_287 : i32 to vector<16xi32>
        %add3A_289 = arith.addi %iota3A, %add3A_288 : vector<16xi32>
        %gather3A_290 = tpu.vector_load_idx %arg11[%add3A_289, %add3A_286] : memref<64x1024xf32, #tpu.memory_space<vmem>>[vector<16xi32>, vector<16xi32>], vector<16xf32>,
        %add3A_291 = arith.constant 0 : i32
        %add3A_292 = vector.broadcast %add3A_291 : i32 to vector<16xi32>
        %add3A_293 = arith.addi %iota3A, %add3A_292 : vector<16xi32>
        tpu.vector_store_idx %arg13[%broadcast_in_dim3A_279, %add3A_293], %gather3A_290 : memref<32x128xf32, #tpu.memory_space<vmem>>[vector<16xi32>, vector<16xi32>], vector<16xf32>,
        %add3A_294 = arith.constant 16 : i32
        %add3A_295 = vector.broadcast %add3A_294 : i32 to vector<16xi32>
        %add3A_296 = arith.addi %iota3A, %add3A_295 : vector<16xi32>
        %gather3A_297 = tpu.vector_load_idx %arg11[%add3A_296, %add3A_286] : memref<64x1024xf32, #tpu.memory_space<vmem>>[vector<16xi32>, vector<16xi32>], vector<16xf32>,
        %add3A_298 = arith.constant 16 : i32
        %add3A_299 = vector.broadcast %add3A_298 : i32 to vector<16xi32>
        %add3A_300 = arith.addi %iota3A, %add3A_299 : vector<16xi32>
        tpu.vector_store_idx %arg13[%broadcast_in_dim3A_279, %add3A_300], %gather3A_297 : memref<32x128xf32, #tpu.memory_space<vmem>>[vector<16xi32>, vector<16xi32>], vector<16xf32>,
        %add3A_301 = arith.constant 32 : i32
        %add3A_302 = vector.broadcast %add3A_301 : i32 to vector<16xi32>
        %add3A_303 = arith.addi %iota3A, %add3A_302 : vector<16xi32>
        %gather3A_304 = tpu.vector_load_idx %arg11[%add3A_303, %add3A_286] : memref<64x1024xf32, #tpu.memory_space<vmem>>[vector<16xi32>, vector<16xi32>], vector<16xf32>,
        %add3A_305 = arith.constant 32 : i32
        %add3A_306 = vector.broadcast %add3A_305 : i32 to vector<16xi32>
        %add3A_307 = arith.addi %iota3A, %add3A_306 : vector<16xi32>
        tpu.vector_store_idx %arg13[%broadcast_in_dim3A_279, %add3A_307], %gather3A_304 : memref<32x128xf32, #tpu.memory_space<vmem>>[vector<16xi32>, vector<16xi32>], vector<16xf32>,
        %add3A_308 = arith.constant 48 : i32
        %add3A_309 = vector.broadcast %add3A_308 : i32 to vector<16xi32>
        %add3A_310 = arith.addi %iota3A, %add3A_309 : vector<16xi32>
        %gather3A_311 = tpu.vector_load_idx %arg11[%add3A_310, %add3A_286] : memref<64x1024xf32, #tpu.memory_space<vmem>>[vector<16xi32>, vector<16xi32>], vector<16xf32>,
        %add3A_312 = arith.constant 48 : i32
        %add3A_313 = vector.broadcast %add3A_312 : i32 to vector<16xi32>
        %add3A_314 = arith.addi %iota3A, %add3A_313 : vector<16xi32>
        tpu.vector_store_idx %arg13[%broadcast_in_dim3A_279, %add3A_314], %gather3A_311 : memref<32x128xf32, #tpu.memory_space<vmem>>[vector<16xi32>, vector<16xi32>], vector<16xf32>,
        %eq3A_315 = vector.broadcast %while3A_243 : i32 to vector<16xi32>
        %eq3A_316 = arith.cmpi eq, %iota3A, %eq3A_315 : vector<16xi32>
        %select_n3A_317 = arith.select %eq3A_316, %gather3A_275, %while3A_246 : vector<16xi1>, vector<16xi32>
        %add3A_318 = arith.constant 1 : i32
        %add3A_319 = arith.addi %while3A_243, %add3A_318 : i32
        %eq3A_320 = arith.constant 16 : i32
        %eq3A_321 = arith.cmpi eq, %add3A_319, %eq3A_320 : i32
        %convert_element_type3A_322 = arith.extui %eq3A_321 : i1 to i32
        %cond3A_323 = arith.constant 0 : i32
        %cond3A_324 = arith.cmpi ne, %convert_element_type3A_322, %cond3A_323 : i32
        %cond3A_325:4 = scf.if %cond3A_324 -> (i32, i32, i32, vector<16xi32>) {
          %mul3A_326 = arith.constant 16 : i32
          %mul3A_327 = arith.muli %while3A_244, %mul3A_326 : i32
          %multiple_of3A_328 = tpu.assume_multiple %mul3A_327, 16 : i32
          %eq3A_329 = arith.constant 0 : i32
          %eq3A_330 = arith.cmpi eq, %while3A_244, %eq3A_329 : i32
          %convert_element_type3A_331 = arith.extui %eq3A_330 : i1 to i32
          %cond3A_332 = arith.constant 0 : i32
          %cond3A_333 = arith.cmpi ne, %convert_element_type3A_331, %cond3A_332 : i32
          scf.if %cond3A_333 {
            %dma_start3A = arith.constant 0 : i32
            %dma_start3A_362 = tpu.memref_slice %arg13[%multiple_of3A_328, %dma_start3A] : memref<32x128xf32, #tpu.memory_space<vmem>> -> memref<16x128xf32, #tpu.memory_space<vmem>>
            %dma_start3A_363 = arith.constant 0 : i32
            %dma_start3A_364 = arith.constant 0 : i32
            %dma_start3A_365 = tpu.memref_slice %arg5[%dma_start3A_363, %dma_start3A_364] : memref<16400x128xf32, #tpu.memory_space<hbm>> -> memref<16400x128xf32, #tpu.memory_space<hbm>>
            tpu.enqueue_indirect_dma source(%dma_start3A_362 : memref<16x128xf32, #tpu.memory_space<vmem>>) target(%dma_start3A_365 : memref<16400x128xf32, #tpu.memory_space<hbm>>) offsets(%select_n3A_317 : vector<16xi32>) semaphore(%arg18 : memref<!tpu.dma_semaphore, #tpu.memory_space<semaphore_mem>>)
          } else {
          }
          %eq3A_334 = arith.constant 1 : i32
          %eq3A_335 = arith.cmpi eq, %while3A_244, %eq3A_334 : i32
          %convert_element_type3A_336 = arith.extui %eq3A_335 : i1 to i32
          %cond3A_337 = arith.constant 0 : i32
          %cond3A_338 = arith.cmpi ne, %convert_element_type3A_336, %cond3A_337 : i32
          scf.if %cond3A_338 {
            %dma_start3A = arith.constant 0 : i32
            %dma_start3A_362 = tpu.memref_slice %arg13[%multiple_of3A_328, %dma_start3A] : memref<32x128xf32, #tpu.memory_space<vmem>> -> memref<16x128xf32, #tpu.memory_space<vmem>>
            %dma_start3A_363 = arith.constant 0 : i32
            %dma_start3A_364 = arith.constant 0 : i32
            %dma_start3A_365 = tpu.memref_slice %arg5[%dma_start3A_363, %dma_start3A_364] : memref<16400x128xf32, #tpu.memory_space<hbm>> -> memref<16400x128xf32, #tpu.memory_space<hbm>>
            tpu.enqueue_indirect_dma source(%dma_start3A_362 : memref<16x128xf32, #tpu.memory_space<vmem>>) target(%dma_start3A_365 : memref<16400x128xf32, #tpu.memory_space<hbm>>) offsets(%select_n3A_317 : vector<16xi32>) semaphore(%arg19 : memref<!tpu.dma_semaphore, #tpu.memory_space<semaphore_mem>>)
          } else {
          }
          %ge3A_339 = arith.constant 1 : i32
          %ge3A_340 = arith.cmpi sge, %while3A_245, %ge3A_339 : i32
          %eq3A_341 = arith.constant 1 : i32
          %eq3A_342 = arith.cmpi eq, %while3A_244, %eq3A_341 : i32
          %and3A_343 = arith.andi %ge3A_340, %eq3A_342 : i1
          %convert_element_type3A_344 = arith.extui %and3A_343 : i1 to i32
          %cond3A_345 = arith.constant 0 : i32
          %cond3A_346 = arith.cmpi ne, %convert_element_type3A_344, %cond3A_345 : i32
          scf.if %cond3A_346 {
            %dma_wait3A = arith.constant 0 : i32
            %dma_wait3A_362 = arith.constant 0 : i32
            %dma_wait3A_363 = tpu.memref_slice %arg13[%dma_wait3A, %dma_wait3A_362] : memref<32x128xf32, #tpu.memory_space<vmem>> -> memref<16x128xf32, #tpu.memory_space<vmem>>
            %dma_wait3A_364 = arith.constant 0 : i32
            %dma_wait3A_365 = arith.constant 0 : i32
            %dma_wait3A_366 = tpu.memref_slice %arg5[%dma_wait3A_364, %dma_wait3A_365] : memref<16400x128xf32, #tpu.memory_space<hbm>> -> memref<16x128xf32, #tpu.memory_space<hbm>>
            %dma_wait3A_367 = arith.constant 0 : i32
            %dma_wait3A_368 = arith.constant 0 : i32
            %dma_wait3A_369 = tpu.memref_slice %arg13[%dma_wait3A_367, %dma_wait3A_368] : memref<32x128xf32, #tpu.memory_space<vmem>> -> memref<16x128xf32, #tpu.memory_space<vmem>>
            %dma_wait3A_370 = arith.constant 0 : i32
            %dma_wait3A_371 = arith.constant 0 : i32
            %dma_wait3A_372 = tpu.memref_slice %arg5[%dma_wait3A_370, %dma_wait3A_371] : memref<16400x128xf32, #tpu.memory_space<hbm>> -> memref<16x128xf32, #tpu.memory_space<hbm>>
            tpu.wait_dma2 semaphore(%arg18 : memref<!tpu.dma_semaphore, #tpu.memory_space<semaphore_mem>>) src(%dma_wait3A_372 : memref<16x128xf32, #tpu.memory_space<hbm>>) dst(%dma_wait3A_369 : memref<16x128xf32, #tpu.memory_space<vmem>>)
          } else {
          }
          %ge3A_347 = arith.constant 1 : i32
          %ge3A_348 = arith.cmpi sge, %while3A_245, %ge3A_347 : i32
          %eq3A_349 = arith.constant 0 : i32
          %eq3A_350 = arith.cmpi eq, %while3A_244, %eq3A_349 : i32
          %and3A_351 = arith.andi %ge3A_348, %eq3A_350 : i1
          %convert_element_type3A_352 = arith.extui %and3A_351 : i1 to i32
          %cond3A_353 = arith.constant 0 : i32
          %cond3A_354 = arith.cmpi ne, %convert_element_type3A_352, %cond3A_353 : i32
          scf.if %cond3A_354 {
            %dma_wait3A = arith.constant 0 : i32
            %dma_wait3A_362 = arith.constant 0 : i32
            %dma_wait3A_363 = tpu.memref_slice %arg13[%dma_wait3A, %dma_wait3A_362] : memref<32x128xf32, #tpu.memory_space<vmem>> -> memref<16x128xf32, #tpu.memory_space<vmem>>
            %dma_wait3A_364 = arith.constant 0 : i32
            %dma_wait3A_365 = arith.constant 0 : i32
            %dma_wait3A_366 = tpu.memref_slice %arg5[%dma_wait3A_364, %dma_wait3A_365] : memref<16400x128xf32, #tpu.memory_space<hbm>> -> memref<16x128xf32, #tpu.memory_space<hbm>>
            %dma_wait3A_367 = arith.constant 0 : i32
            %dma_wait3A_368 = arith.constant 0 : i32
            %dma_wait3A_369 = tpu.memref_slice %arg13[%dma_wait3A_367, %dma_wait3A_368] : memref<32x128xf32, #tpu.memory_space<vmem>> -> memref<16x128xf32, #tpu.memory_space<vmem>>
            %dma_wait3A_370 = arith.constant 0 : i32
            %dma_wait3A_371 = arith.constant 0 : i32
            %dma_wait3A_372 = tpu.memref_slice %arg5[%dma_wait3A_370, %dma_wait3A_371] : memref<16400x128xf32, #tpu.memory_space<hbm>> -> memref<16x128xf32, #tpu.memory_space<hbm>>
            tpu.wait_dma2 semaphore(%arg19 : memref<!tpu.dma_semaphore, #tpu.memory_space<semaphore_mem>>) src(%dma_wait3A_372 : memref<16x128xf32, #tpu.memory_space<hbm>>) dst(%dma_wait3A_369 : memref<16x128xf32, #tpu.memory_space<vmem>>)
          } else {
          }
          %sub3A_355 = arith.constant 1 : i32
          %sub3A_356 = arith.subi %sub3A_355, %while3A_244 : i32
          %add3A_357 = arith.constant 16384 : i32
          %add3A_358 = vector.broadcast %add3A_357 : i32 to vector<16xi32>
          %add3A_359 = arith.addi %add3A_358, %iota3A : vector<16xi32>
          %cond3A_360 = arith.constant 0 : i32
          %cond3A_361 = arith.constant 1 : i32
          scf.yield %cond3A_360, %sub3A_356, %cond3A_361, %add3A_359 : i32, i32, i32, vector<16xi32>
        } else {
          %add3A_326 = arith.constant 1 : i32
          %add3A_327 = arith.addi %while3A_243, %add3A_326 : i32
          scf.yield %add3A_327, %while3A_244, %while3A_245, %select_n3A_317 : i32, i32, i32, vector<16xi32>
        }
        scf.yield %cond3A_325#0, %cond3A_325#1, %cond3A_325#2, %cond3A_325#3 : i32, i32, i32, vector<16xi32>
      }
      scf.yield %while3A_241#0, %while3A_241#1, %while3A_241#2, %while3A_241#3 : i32, i32, i32, vector<16xi32>
    }
    %while3A_128 = arith.constant 1 : i32
    %while3A_129:4 = scf.for %while3A_161 = %while3A_125 to %while3A_121 step %while3A_128 iter_args(%while3A_162 = %while3A_127#0, %while3A_163 = %while3A_127#1, %while3A_164 = %while3A_127#2, %while3A_165 = %while3A_127#3) -> (i32, i32, i32, vector<16xi32>)  : i32 {
      %add3A_166 = arith.constant 3 : i32
      %add3A_167 = arith.addi %while3A_161, %add3A_166 : i32
      %lt3A_168 = arith.cmpi slt, %add3A_167, %add3A_4 : i32
      %convert_element_type3A_169 = arith.extui %lt3A_168 : i1 to i32
      %cond3A_170 = arith.constant 0 : i32
      %cond3A_171 = arith.cmpi ne, %convert_element_type3A_169, %cond3A_170 : i32
      scf.if %cond3A_171 {
        %add3A_242 = arith.constant 3 : i32
        %add3A_243 = arith.addi %while3A_161, %add3A_242 : i32
        %add3A_244 = arith.addi %add3A_8, %add3A_243 : i32
        %rem3A_245 = arith.constant 4 : i32
        %rem3A_246 = arith.remsi %add3A_243, %rem3A_245 : i32
        %mul3A_247 = arith.constant 256 : i32
        %mul3A_248 = arith.muli %add3A_244, %mul3A_247 : i32
        %multiple_of3A_249 = tpu.assume_multiple %mul3A_248, 256 : i32
        %mul3A_250 = arith.constant 256 : i32
        %mul3A_251 = arith.muli %rem3A_246, %mul3A_250 : i32
        %multiple_of3A_252 = tpu.assume_multiple %mul3A_251, 256 : i32
        %eq3A_253 = arith.constant 0 : i32
        %eq3A_254 = arith.cmpi eq, %rem3A_246, %eq3A_253 : i32
        %convert_element_type3A_255 = arith.extui %eq3A_254 : i1 to i32
        %cond3A_256 = arith.constant 0 : i32
        %cond3A_257 = arith.cmpi ne, %convert_element_type3A_255, %cond3A_256 : i32
        scf.if %cond3A_257 {
          %dma_start3A = arith.constant 0 : i32
          %dma_start3A_273 = tpu.memref_slice %arg11[%dma_start3A, %multiple_of3A_252] : memref<64x1024xf32, #tpu.memory_space<vmem>> -> memref<64x256xf32, #tpu.memory_space<vmem>>
          %dma_start3A_274 = arith.constant 0 : i32
          %dma_start3A_275 = tpu.memref_slice %arg3[%dma_start3A_274, %multiple_of3A_249] : memref<64x1000000xf32, #tpu.memory_space<hbm>> -> memref<64x256xf32, #tpu.memory_space<hbm>>
          %dma_start3A_276 = arith.constant 0 : i32
          %dma_start3A_277 = tpu.memref_slice %arg11[%dma_start3A_276, %multiple_of3A_252] : memref<64x1024xf32, #tpu.memory_space<vmem>> -> memref<64x256xf32, #tpu.memory_space<vmem>>
          %dma_start3A_278 = arith.constant 0 : i32
          %dma_start3A_279 = tpu.memref_slice %arg3[%dma_start3A_278, %multiple_of3A_249] : memref<64x1000000xf32, #tpu.memory_space<hbm>> -> memref<64x256xf32, #tpu.memory_space<hbm>>
          tpu.enqueue_dma source(%dma_start3A_279 : memref<64x256xf32, #tpu.memory_space<hbm>>) target(%dma_start3A_277 : memref<64x256xf32, #tpu.memory_space<vmem>>) target_semaphore(%arg14 : memref<!tpu.dma_semaphore, #tpu.memory_space<semaphore_mem>>)
        } else {
        }
        %eq3A_258 = arith.constant 1 : i32
        %eq3A_259 = arith.cmpi eq, %rem3A_246, %eq3A_258 : i32
        %convert_element_type3A_260 = arith.extui %eq3A_259 : i1 to i32
        %cond3A_261 = arith.constant 0 : i32
        %cond3A_262 = arith.cmpi ne, %convert_element_type3A_260, %cond3A_261 : i32
        scf.if %cond3A_262 {
          %dma_start3A = arith.constant 0 : i32
          %dma_start3A_273 = tpu.memref_slice %arg11[%dma_start3A, %multiple_of3A_252] : memref<64x1024xf32, #tpu.memory_space<vmem>> -> memref<64x256xf32, #tpu.memory_space<vmem>>
          %dma_start3A_274 = arith.constant 0 : i32
          %dma_start3A_275 = tpu.memref_slice %arg3[%dma_start3A_274, %multiple_of3A_249] : memref<64x1000000xf32, #tpu.memory_space<hbm>> -> memref<64x256xf32, #tpu.memory_space<hbm>>
          %dma_start3A_276 = arith.constant 0 : i32
          %dma_start3A_277 = tpu.memref_slice %arg11[%dma_start3A_276, %multiple_of3A_252] : memref<64x1024xf32, #tpu.memory_space<vmem>> -> memref<64x256xf32, #tpu.memory_space<vmem>>
          %dma_start3A_278 = arith.constant 0 : i32
          %dma_start3A_279 = tpu.memref_slice %arg3[%dma_start3A_278, %multiple_of3A_249] : memref<64x1000000xf32, #tpu.memory_space<hbm>> -> memref<64x256xf32, #tpu.memory_space<hbm>>
          tpu.enqueue_dma source(%dma_start3A_279 : memref<64x256xf32, #tpu.memory_space<hbm>>) target(%dma_start3A_277 : memref<64x256xf32, #tpu.memory_space<vmem>>) target_semaphore(%arg15 : memref<!tpu.dma_semaphore, #tpu.memory_space<semaphore_mem>>)
        } else {
        }
        %eq3A_263 = arith.constant 2 : i32
        %eq3A_264 = arith.cmpi eq, %rem3A_246, %eq3A_263 : i32
        %convert_element_type3A_265 = arith.extui %eq3A_264 : i1 to i32
        %cond3A_266 = arith.constant 0 : i32
        %cond3A_267 = arith.cmpi ne, %convert_element_type3A_265, %cond3A_266 : i32
        scf.if %cond3A_267 {
          %dma_start3A = arith.constant 0 : i32
          %dma_start3A_273 = tpu.memref_slice %arg11[%dma_start3A, %multiple_of3A_252] : memref<64x1024xf32, #tpu.memory_space<vmem>> -> memref<64x256xf32, #tpu.memory_space<vmem>>
          %dma_start3A_274 = arith.constant 0 : i32
          %dma_start3A_275 = tpu.memref_slice %arg3[%dma_start3A_274, %multiple_of3A_249] : memref<64x1000000xf32, #tpu.memory_space<hbm>> -> memref<64x256xf32, #tpu.memory_space<hbm>>
          %dma_start3A_276 = arith.constant 0 : i32
          %dma_start3A_277 = tpu.memref_slice %arg11[%dma_start3A_276, %multiple_of3A_252] : memref<64x1024xf32, #tpu.memory_space<vmem>> -> memref<64x256xf32, #tpu.memory_space<vmem>>
          %dma_start3A_278 = arith.constant 0 : i32
          %dma_start3A_279 = tpu.memref_slice %arg3[%dma_start3A_278, %multiple_of3A_249] : memref<64x1000000xf32, #tpu.memory_space<hbm>> -> memref<64x256xf32, #tpu.memory_space<hbm>>
          tpu.enqueue_dma source(%dma_start3A_279 : memref<64x256xf32, #tpu.memory_space<hbm>>) target(%dma_start3A_277 : memref<64x256xf32, #tpu.memory_space<vmem>>) target_semaphore(%arg16 : memref<!tpu.dma_semaphore, #tpu.memory_space<semaphore_mem>>)
        } else {
        }
        %eq3A_268 = arith.constant 3 : i32
        %eq3A_269 = arith.cmpi eq, %rem3A_246, %eq3A_268 : i32
        %convert_element_type3A_270 = arith.extui %eq3A_269 : i1 to i32
        %cond3A_271 = arith.constant 0 : i32
        %cond3A_272 = arith.cmpi ne, %convert_element_type3A_270, %cond3A_271 : i32
        scf.if %cond3A_272 {
          %dma_start3A = arith.constant 0 : i32
          %dma_start3A_273 = tpu.memref_slice %arg11[%dma_start3A, %multiple_of3A_252] : memref<64x1024xf32, #tpu.memory_space<vmem>> -> memref<64x256xf32, #tpu.memory_space<vmem>>
          %dma_start3A_274 = arith.constant 0 : i32
          %dma_start3A_275 = tpu.memref_slice %arg3[%dma_start3A_274, %multiple_of3A_249] : memref<64x1000000xf32, #tpu.memory_space<hbm>> -> memref<64x256xf32, #tpu.memory_space<hbm>>
          %dma_start3A_276 = arith.constant 0 : i32
          %dma_start3A_277 = tpu.memref_slice %arg11[%dma_start3A_276, %multiple_of3A_252] : memref<64x1024xf32, #tpu.memory_space<vmem>> -> memref<64x256xf32, #tpu.memory_space<vmem>>
          %dma_start3A_278 = arith.constant 0 : i32
          %dma_start3A_279 = tpu.memref_slice %arg3[%dma_start3A_278, %multiple_of3A_249] : memref<64x1000000xf32, #tpu.memory_space<hbm>> -> memref<64x256xf32, #tpu.memory_space<hbm>>
          tpu.enqueue_dma source(%dma_start3A_279 : memref<64x256xf32, #tpu.memory_space<hbm>>) target(%dma_start3A_277 : memref<64x256xf32, #tpu.memory_space<vmem>>) target_semaphore(%arg17 : memref<!tpu.dma_semaphore, #tpu.memory_space<semaphore_mem>>)
        } else {
        }
      } else {
      }
      %rem3A_172 = arith.constant 4 : i32
      %rem3A_173 = arith.remsi %while3A_161, %rem3A_172 : i32
      %eq3A_174 = arith.constant 0 : i32
      %eq3A_175 = arith.cmpi eq, %rem3A_173, %eq3A_174 : i32
      %convert_element_type3A_176 = arith.extui %eq3A_175 : i1 to i32
      %cond3A_177 = arith.constant 0 : i32
      %cond3A_178 = arith.cmpi ne, %convert_element_type3A_176, %cond3A_177 : i32
      scf.if %cond3A_178 {
        %dma_wait3A = arith.constant 0 : i32
        %dma_wait3A_242 = arith.constant 0 : i32
        %dma_wait3A_243 = tpu.memref_slice %arg11[%dma_wait3A, %dma_wait3A_242] : memref<64x1024xf32, #tpu.memory_space<vmem>> -> memref<64x256xf32, #tpu.memory_space<vmem>>
        %dma_wait3A_244 = arith.constant 0 : i32
        %dma_wait3A_245 = arith.constant 0 : i32
        %dma_wait3A_246 = tpu.memref_slice %arg3[%dma_wait3A_244, %dma_wait3A_245] : memref<64x1000000xf32, #tpu.memory_space<hbm>> -> memref<64x256xf32, #tpu.memory_space<hbm>>
        %dma_wait3A_247 = arith.constant 0 : i32
        %dma_wait3A_248 = arith.constant 0 : i32
        %dma_wait3A_249 = tpu.memref_slice %arg11[%dma_wait3A_247, %dma_wait3A_248] : memref<64x1024xf32, #tpu.memory_space<vmem>> -> memref<64x256xf32, #tpu.memory_space<vmem>>
        %dma_wait3A_250 = arith.constant 0 : i32
        %dma_wait3A_251 = arith.constant 0 : i32
        %dma_wait3A_252 = tpu.memref_slice %arg3[%dma_wait3A_250, %dma_wait3A_251] : memref<64x1000000xf32, #tpu.memory_space<hbm>> -> memref<64x256xf32, #tpu.memory_space<hbm>>
        tpu.wait_dma2 semaphore(%arg14 : memref<!tpu.dma_semaphore, #tpu.memory_space<semaphore_mem>>) src(%dma_wait3A_252 : memref<64x256xf32, #tpu.memory_space<hbm>>) dst(%dma_wait3A_249 : memref<64x256xf32, #tpu.memory_space<vmem>>)
      } else {
      }
      %eq3A_179 = arith.constant 1 : i32
      %eq3A_180 = arith.cmpi eq, %rem3A_173, %eq3A_179 : i32
      %convert_element_type3A_181 = arith.extui %eq3A_180 : i1 to i32
      %cond3A_182 = arith.constant 0 : i32
      %cond3A_183 = arith.cmpi ne, %convert_element_type3A_181, %cond3A_182 : i32
      scf.if %cond3A_183 {
        %dma_wait3A = arith.constant 0 : i32
        %dma_wait3A_242 = arith.constant 0 : i32
        %dma_wait3A_243 = tpu.memref_slice %arg11[%dma_wait3A, %dma_wait3A_242] : memref<64x1024xf32, #tpu.memory_space<vmem>> -> memref<64x256xf32, #tpu.memory_space<vmem>>
        %dma_wait3A_244 = arith.constant 0 : i32
        %dma_wait3A_245 = arith.constant 0 : i32
        %dma_wait3A_246 = tpu.memref_slice %arg3[%dma_wait3A_244, %dma_wait3A_245] : memref<64x1000000xf32, #tpu.memory_space<hbm>> -> memref<64x256xf32, #tpu.memory_space<hbm>>
        %dma_wait3A_247 = arith.constant 0 : i32
        %dma_wait3A_248 = arith.constant 0 : i32
        %dma_wait3A_249 = tpu.memref_slice %arg11[%dma_wait3A_247, %dma_wait3A_248] : memref<64x1024xf32, #tpu.memory_space<vmem>> -> memref<64x256xf32, #tpu.memory_space<vmem>>
        %dma_wait3A_250 = arith.constant 0 : i32
        %dma_wait3A_251 = arith.constant 0 : i32
        %dma_wait3A_252 = tpu.memref_slice %arg3[%dma_wait3A_250, %dma_wait3A_251] : memref<64x1000000xf32, #tpu.memory_space<hbm>> -> memref<64x256xf32, #tpu.memory_space<hbm>>
        tpu.wait_dma2 semaphore(%arg15 : memref<!tpu.dma_semaphore, #tpu.memory_space<semaphore_mem>>) src(%dma_wait3A_252 : memref<64x256xf32, #tpu.memory_space<hbm>>) dst(%dma_wait3A_249 : memref<64x256xf32, #tpu.memory_space<vmem>>)
      } else {
      }
      %eq3A_184 = arith.constant 2 : i32
      %eq3A_185 = arith.cmpi eq, %rem3A_173, %eq3A_184 : i32
      %convert_element_type3A_186 = arith.extui %eq3A_185 : i1 to i32
      %cond3A_187 = arith.constant 0 : i32
      %cond3A_188 = arith.cmpi ne, %convert_element_type3A_186, %cond3A_187 : i32
      scf.if %cond3A_188 {
        %dma_wait3A = arith.constant 0 : i32
        %dma_wait3A_242 = arith.constant 0 : i32
        %dma_wait3A_243 = tpu.memref_slice %arg11[%dma_wait3A, %dma_wait3A_242] : memref<64x1024xf32, #tpu.memory_space<vmem>> -> memref<64x256xf32, #tpu.memory_space<vmem>>
        %dma_wait3A_244 = arith.constant 0 : i32
        %dma_wait3A_245 = arith.constant 0 : i32
        %dma_wait3A_246 = tpu.memref_slice %arg3[%dma_wait3A_244, %dma_wait3A_245] : memref<64x1000000xf32, #tpu.memory_space<hbm>> -> memref<64x256xf32, #tpu.memory_space<hbm>>
        %dma_wait3A_247 = arith.constant 0 : i32
        %dma_wait3A_248 = arith.constant 0 : i32
        %dma_wait3A_249 = tpu.memref_slice %arg11[%dma_wait3A_247, %dma_wait3A_248] : memref<64x1024xf32, #tpu.memory_space<vmem>> -> memref<64x256xf32, #tpu.memory_space<vmem>>
        %dma_wait3A_250 = arith.constant 0 : i32
        %dma_wait3A_251 = arith.constant 0 : i32
        %dma_wait3A_252 = tpu.memref_slice %arg3[%dma_wait3A_250, %dma_wait3A_251] : memref<64x1000000xf32, #tpu.memory_space<hbm>> -> memref<64x256xf32, #tpu.memory_space<hbm>>
        tpu.wait_dma2 semaphore(%arg16 : memref<!tpu.dma_semaphore, #tpu.memory_space<semaphore_mem>>) src(%dma_wait3A_252 : memref<64x256xf32, #tpu.memory_space<hbm>>) dst(%dma_wait3A_249 : memref<64x256xf32, #tpu.memory_space<vmem>>)
      } else {
      }
      %eq3A_189 = arith.constant 3 : i32
      %eq3A_190 = arith.cmpi eq, %rem3A_173, %eq3A_189 : i32
      %convert_element_type3A_191 = arith.extui %eq3A_190 : i1 to i32
      %cond3A_192 = arith.constant 0 : i32
      %cond3A_193 = arith.cmpi ne, %convert_element_type3A_191, %cond3A_192 : i32
      scf.if %cond3A_193 {
        %dma_wait3A = arith.constant 0 : i32
        %dma_wait3A_242 = arith.constant 0 : i32
        %dma_wait3A_243 = tpu.memref_slice %arg11[%dma_wait3A, %dma_wait3A_242] : memref<64x1024xf32, #tpu.memory_space<vmem>> -> memref<64x256xf32, #tpu.memory_space<vmem>>
        %dma_wait3A_244 = arith.constant 0 : i32
        %dma_wait3A_245 = arith.constant 0 : i32
        %dma_wait3A_246 = tpu.memref_slice %arg3[%dma_wait3A_244, %dma_wait3A_245] : memref<64x1000000xf32, #tpu.memory_space<hbm>> -> memref<64x256xf32, #tpu.memory_space<hbm>>
        %dma_wait3A_247 = arith.constant 0 : i32
        %dma_wait3A_248 = arith.constant 0 : i32
        %dma_wait3A_249 = tpu.memref_slice %arg11[%dma_wait3A_247, %dma_wait3A_248] : memref<64x1024xf32, #tpu.memory_space<vmem>> -> memref<64x256xf32, #tpu.memory_space<vmem>>
        %dma_wait3A_250 = arith.constant 0 : i32
        %dma_wait3A_251 = arith.constant 0 : i32
        %dma_wait3A_252 = tpu.memref_slice %arg3[%dma_wait3A_250, %dma_wait3A_251] : memref<64x1000000xf32, #tpu.memory_space<hbm>> -> memref<64x256xf32, #tpu.memory_space<hbm>>
        tpu.wait_dma2 semaphore(%arg17 : memref<!tpu.dma_semaphore, #tpu.memory_space<semaphore_mem>>) src(%dma_wait3A_252 : memref<64x256xf32, #tpu.memory_space<hbm>>) dst(%dma_wait3A_249 : memref<64x256xf32, #tpu.memory_space<vmem>>)
      } else {
      }
      %add3A_194 = arith.addi %add3A_8, %while3A_161 : i32
      %rem3A_195 = arith.constant 4 : i32
      %rem3A_196 = arith.remsi %while3A_161, %rem3A_195 : i32
      %add3A_197 = arith.constant 15 : i32
      %add3A_198 = arith.addi %min3A_113, %add3A_197 : i32
      %jit3A_199 = arith.constant 16 : i32
      %div3A = arith.divsi %add3A_198, %jit3A_199 : i32
      %sign3A = arith.constant 0 : i32
      %sign3A_200 = arith.cmpi sgt, %add3A_198, %sign3A : i32
      %sign3A_201 = arith.extui %sign3A_200 : i1 to i32
      %sign3A_202 = arith.constant 0 : i32
      %sign3A_203 = arith.cmpi slt, %add3A_198, %sign3A_202 : i32
      %sign3A_204 = arith.extui %sign3A_203 : i1 to i32
      %sign3A_205 = arith.subi %sign3A_201, %sign3A_204 : i32
      %sign3A_206 = arith.constant 0 : i32
      %sign3A_207 = arith.cmpi sgt, %jit3A_199, %sign3A_206 : i32
      %sign3A_208 = arith.extui %sign3A_207 : i1 to i32
      %sign3A_209 = arith.constant 0 : i32
      %sign3A_210 = arith.cmpi slt, %jit3A_199, %sign3A_209 : i32
      %sign3A_211 = arith.extui %sign3A_210 : i1 to i32
      %sign3A_212 = arith.subi %sign3A_208, %sign3A_211 : i32
      %ne3A = arith.cmpi ne, %sign3A_205, %sign3A_212 : i32
      %rem3A_213 = arith.remsi %add3A_198, %jit3A_199 : i32
      %ne3A_214 = arith.constant 0 : i32
      %ne3A_215 = arith.cmpi ne, %rem3A_213, %ne3A_214 : i32
      %and3A_216 = arith.andi %ne3A, %ne3A_215 : i1
      %sub3A = arith.constant 1 : i32
      %sub3A_217 = arith.subi %div3A, %sub3A : i32
      %select_n3A_218 = arith.select %and3A_216, %sub3A_217, %div3A : i32
      %while3A_219 = arith.constant 0 : i32
      %while3A_220 = arith.constant 0 : i32
      %while3A_221 = arith.subi %select_n3A_218, %while3A_219 : i32
      %while3A_222 = arith.addi %while3A_219, %while3A_221 : i32
      %while3A_223 = arith.constant 1 : i32
      %while3A_224 = arith.divsi %while3A_221, %while3A_223 : i32
      %while3A_225 = arith.muli %while3A_224, %while3A_223 : i32
      %while3A_226 = arith.addi %while3A_219, %while3A_225 : i32
      %while3A_227 = arith.constant 1 : i32
      %while3A_228 = scf.for %while3A_242 = %while3A_219 to %while3A_226 step %while3A_227 iter_args(%while3A_243 = %while3A_220) -> (i32)  : i32 {
        %mul3A_244 = arith.constant 16 : i32
        %mul3A_245 = arith.muli %while3A_242, %mul3A_244 : i32
        %multiple_of3A_246 = tpu.assume_multiple %mul3A_245, 16 : i32
        %get3A = arith.index_cast %multiple_of3A_246 : i32 to index
        %get3A_247 = tpu.vector_load %arg7[%get3A] {strides = array<i32>} : memref<2048xi32, #tpu.memory_space<vmem>>, vector<16xi32>,
        %get3A_248 = arith.index_cast %multiple_of3A_246 : i32 to index
        %get3A_249 = tpu.vector_load %arg8[%get3A_248] {strides = array<i32>} : memref<2048xi32, #tpu.memory_space<vmem>>, vector<16xi32>,
        %mul3A_250 = arith.constant 16 : i32
        %mul3A_251 = arith.muli %while3A_242, %mul3A_250 : i32
        %add3A_252 = vector.broadcast %mul3A_251 : i32 to vector<16xi32>
        %add3A_253 = arith.addi %iota3A, %add3A_252 : vector<16xi32>
        %lt3A_254 = vector.broadcast %min3A_113 : i32 to vector<16xi32>
        %lt3A_255 = arith.cmpi slt, %add3A_253, %lt3A_254 : vector<16xi32>
        %shift_right_logical3A = arith.constant 8 : i32
        %shift_right_logical3A_256 = vector.broadcast %shift_right_logical3A : i32 to vector<16xi32>
        %shift_right_logical3A_257 = arith.shrui %get3A_247, %shift_right_logical3A_256 : vector<16xi32>
        %eq3A_258 = vector.broadcast %add3A_194 : i32 to vector<16xi32>
        %eq3A_259 = arith.cmpi eq, %shift_right_logical3A_257, %eq3A_258 : vector<16xi32>
        %and3A_260 = arith.andi %lt3A_255, %eq3A_259 : vector<16xi1>
        %convert_element_type3A_261 = arith.extui %and3A_260 : vector<16xi1> to vector<16xi32>
        %broadcast_in_dim3A = arith.constant true
        %broadcast_in_dim3A_262 = vector.broadcast %broadcast_in_dim3A : i1 to vector<16xi1>
        %masked_cumsum3A = tpu.scan <sum>, %convert_element_type3A_261 masked %broadcast_in_dim3A_262 : vector<16xi32>, vector<16xi1> -> vector<16xi32>
        %add3A_263 = vector.broadcast %while3A_243 : i32 to vector<16xi32>
        %add3A_264 = arith.addi %add3A_263, %masked_cumsum3A : vector<16xi32>
        %sub3A_265 = arith.constant 1 : i32
        %sub3A_266 = vector.broadcast %sub3A_265 : i32 to vector<16xi32>
        %sub3A_267 = arith.subi %add3A_264, %sub3A_266 : vector<16xi32>
        %min3A_268 = arith.constant 63 : i32
        %min3A_269 = vector.broadcast %min3A_268 : i32 to vector<16xi32>
        %min3A_270 = arith.minsi %sub3A_267, %min3A_269 : vector<16xi32>
        tpu.vector_store_idx %arg9[%min3A_270], %get3A_247 masked %and3A_260 : memref<64xi32, #tpu.memory_space<vmem>>[vector<16xi32>], vector<16xi32>, vector<16xi1>
        tpu.vector_store_idx %arg10[%min3A_270], %get3A_249 masked %and3A_260 : memref<64xi32, #tpu.memory_space<vmem>>[vector<16xi32>], vector<16xi32>, vector<16xi1>
        %slice3A = vector.extract_strided_slice %masked_cumsum3A {offsets = [15], sizes = [1], strides = [1]} : vector<16xi32> to vector<1xi32>
        %squeeze3A = vector.extract %slice3A[0] : i32 from vector<1xi32>
        %add3A_271 = arith.addi %while3A_243, %squeeze3A : i32
        scf.yield %add3A_271 : i32
      }
      %while3A_229 = arith.constant 1 : i32
      %while3A_230 = scf.for %while3A_242 = %while3A_226 to %while3A_222 step %while3A_229 iter_args(%while3A_243 = %while3A_228) -> (i32)  : i32 {
        %mul3A_244 = arith.constant 16 : i32
        %mul3A_245 = arith.muli %while3A_242, %mul3A_244 : i32
        %multiple_of3A_246 = tpu.assume_multiple %mul3A_245, 16 : i32
        %get3A = arith.index_cast %multiple_of3A_246 : i32 to index
        %get3A_247 = tpu.vector_load %arg7[%get3A] {strides = array<i32>} : memref<2048xi32, #tpu.memory_space<vmem>>, vector<16xi32>,
        %get3A_248 = arith.index_cast %multiple_of3A_246 : i32 to index
        %get3A_249 = tpu.vector_load %arg8[%get3A_248] {strides = array<i32>} : memref<2048xi32, #tpu.memory_space<vmem>>, vector<16xi32>,
        %mul3A_250 = arith.constant 16 : i32
        %mul3A_251 = arith.muli %while3A_242, %mul3A_250 : i32
        %add3A_252 = vector.broadcast %mul3A_251 : i32 to vector<16xi32>
        %add3A_253 = arith.addi %iota3A, %add3A_252 : vector<16xi32>
        %lt3A_254 = vector.broadcast %min3A_113 : i32 to vector<16xi32>
        %lt3A_255 = arith.cmpi slt, %add3A_253, %lt3A_254 : vector<16xi32>
        %shift_right_logical3A = arith.constant 8 : i32
        %shift_right_logical3A_256 = vector.broadcast %shift_right_logical3A : i32 to vector<16xi32>
        %shift_right_logical3A_257 = arith.shrui %get3A_247, %shift_right_logical3A_256 : vector<16xi32>
        %eq3A_258 = vector.broadcast %add3A_194 : i32 to vector<16xi32>
        %eq3A_259 = arith.cmpi eq, %shift_right_logical3A_257, %eq3A_258 : vector<16xi32>
        %and3A_260 = arith.andi %lt3A_255, %eq3A_259 : vector<16xi1>
        %convert_element_type3A_261 = arith.extui %and3A_260 : vector<16xi1> to vector<16xi32>
        %broadcast_in_dim3A = arith.constant true
        %broadcast_in_dim3A_262 = vector.broadcast %broadcast_in_dim3A : i1 to vector<16xi1>
        %masked_cumsum3A = tpu.scan <sum>, %convert_element_type3A_261 masked %broadcast_in_dim3A_262 : vector<16xi32>, vector<16xi1> -> vector<16xi32>
        %add3A_263 = vector.broadcast %while3A_243 : i32 to vector<16xi32>
        %add3A_264 = arith.addi %add3A_263, %masked_cumsum3A : vector<16xi32>
        %sub3A_265 = arith.constant 1 : i32
        %sub3A_266 = vector.broadcast %sub3A_265 : i32 to vector<16xi32>
        %sub3A_267 = arith.subi %add3A_264, %sub3A_266 : vector<16xi32>
        %min3A_268 = arith.constant 63 : i32
        %min3A_269 = vector.broadcast %min3A_268 : i32 to vector<16xi32>
        %min3A_270 = arith.minsi %sub3A_267, %min3A_269 : vector<16xi32>
        tpu.vector_store_idx %arg9[%min3A_270], %get3A_247 masked %and3A_260 : memref<64xi32, #tpu.memory_space<vmem>>[vector<16xi32>], vector<16xi32>, vector<16xi1>
        tpu.vector_store_idx %arg10[%min3A_270], %get3A_249 masked %and3A_260 : memref<64xi32, #tpu.memory_space<vmem>>[vector<16xi32>], vector<16xi32>, vector<16xi1>
        %slice3A = vector.extract_strided_slice %masked_cumsum3A {offsets = [15], sizes = [1], strides = [1]} : vector<16xi32> to vector<1xi32>
        %squeeze3A = vector.extract %slice3A[0] : i32 from vector<1xi32>
        %add3A_271 = arith.addi %while3A_243, %squeeze3A : i32
        scf.yield %add3A_271 : i32
      }
      %while3A_231 = arith.constant 0 : i32
      %while3A_232 = arith.subi %while3A_230, %while3A_231 : i32
      %while3A_233 = arith.addi %while3A_231, %while3A_232 : i32
      %while3A_234 = arith.constant 1 : i32
      %while3A_235 = arith.divsi %while3A_232, %while3A_234 : i32
      %while3A_236 = arith.muli %while3A_235, %while3A_234 : i32
      %while3A_237 = arith.addi %while3A_231, %while3A_236 : i32
      %while3A_238 = arith.constant 1 : i32
      %while3A_239:4 = scf.for %while3A_242 = %while3A_231 to %while3A_237 step %while3A_238 iter_args(%while3A_243 = %while3A_162, %while3A_244 = %while3A_163, %while3A_245 = %while3A_164, %while3A_246 = %while3A_165) -> (i32, i32, i32, vector<16xi32>)  : i32 {
        %div3A_247 = arith.constant 16 : i32
        %div3A_248 = arith.divsi %while3A_242, %div3A_247 : i32
        %mul3A_249 = arith.constant 16 : i32
        %mul3A_250 = arith.muli %div3A_248, %mul3A_249 : i32
        %multiple_of3A_251 = tpu.assume_multiple %mul3A_250, 16 : i32
        %rem3A_252 = arith.constant 16 : i32
        %rem3A_253 = arith.remsi %while3A_242, %rem3A_252 : i32
        %broadcast_in_dim3A = vector.broadcast %rem3A_253 : i32 to vector<16xi32>
        %get3A = arith.index_cast %multiple_of3A_251 : i32 to index
        %get3A_254 = tpu.vector_load %arg9[%get3A] {strides = array<i32>} : memref<64xi32, #tpu.memory_space<vmem>>, vector<16xi32>,
        %get3A_255 = arith.index_cast %multiple_of3A_251 : i32 to index
        %get3A_256 = tpu.vector_load %arg10[%get3A_255] {strides = array<i32>} : memref<64xi32, #tpu.memory_space<vmem>>, vector<16xi32>,
        %lt3A_257 = arith.constant 0 : i32
        %lt3A_258 = vector.broadcast %lt3A_257 : i32 to vector<16xi32>
        %lt3A_259 = arith.cmpi slt, %broadcast_in_dim3A, %lt3A_258 : vector<16xi32>
        %add3A_260 = arith.constant 16 : i32
        %add3A_261 = vector.broadcast %add3A_260 : i32 to vector<16xi32>
        %add3A_262 = arith.addi %broadcast_in_dim3A, %add3A_261 : vector<16xi32>
        %select_n3A_263 = arith.select %lt3A_259, %add3A_262, %broadcast_in_dim3A : vector<16xi1>, vector<16xi32>
        %broadcast_in_dim3A_264 = vector.shape_cast %select_n3A_263 : vector<16xi32> to vector<16x1xi32>
        %gather3A = vector.shape_cast %broadcast_in_dim3A_264 : vector<16x1xi32> to vector<16xi32>
        %gather3A_265 = tpu.dynamic_gather %get3A_254[%gather3A] in [0] : vector<16xi32>, vector<16xi32> -> vector<16xi32>
        %lt3A_266 = arith.constant 0 : i32
        %lt3A_267 = vector.broadcast %lt3A_266 : i32 to vector<16xi32>
        %lt3A_268 = arith.cmpi slt, %broadcast_in_dim3A, %lt3A_267 : vector<16xi32>
        %add3A_269 = arith.constant 16 : i32
        %add3A_270 = vector.broadcast %add3A_269 : i32 to vector<16xi32>
        %add3A_271 = arith.addi %broadcast_in_dim3A, %add3A_270 : vector<16xi32>
        %select_n3A_272 = arith.select %lt3A_268, %add3A_271, %broadcast_in_dim3A : vector<16xi1>, vector<16xi32>
        %broadcast_in_dim3A_273 = vector.shape_cast %select_n3A_272 : vector<16xi32> to vector<16x1xi32>
        %gather3A_274 = vector.shape_cast %broadcast_in_dim3A_273 : vector<16x1xi32> to vector<16xi32>
        %gather3A_275 = tpu.dynamic_gather %get3A_256[%gather3A_274] in [0] : vector<16xi32>, vector<16xi32> -> vector<16xi32>
        %mul3A_276 = arith.constant 16 : i32
        %mul3A_277 = arith.muli %while3A_244, %mul3A_276 : i32
        %add3A_278 = arith.addi %mul3A_277, %while3A_243 : i32
        %broadcast_in_dim3A_279 = vector.broadcast %add3A_278 : i32 to vector<16xi32>
        %mul3A_280 = arith.constant 256 : i32
        %mul3A_281 = arith.muli %rem3A_196, %mul3A_280 : i32
        %and3A_282 = arith.constant 255 : i32
        %and3A_283 = vector.broadcast %and3A_282 : i32 to vector<16xi32>
        %and3A_284 = arith.andi %gather3A_265, %and3A_283 : vector<16xi32>
        %add3A_285 = vector.broadcast %mul3A_281 : i32 to vector<16xi32>
        %add3A_286 = arith.addi %add3A_285, %and3A_284 : vector<16xi32>
        %add3A_287 = arith.constant 0 : i32
        %add3A_288 = vector.broadcast %add3A_287 : i32 to vector<16xi32>
        %add3A_289 = arith.addi %iota3A, %add3A_288 : vector<16xi32>
        %gather3A_290 = tpu.vector_load_idx %arg11[%add3A_289, %add3A_286] : memref<64x1024xf32, #tpu.memory_space<vmem>>[vector<16xi32>, vector<16xi32>], vector<16xf32>,
        %add3A_291 = arith.constant 0 : i32
        %add3A_292 = vector.broadcast %add3A_291 : i32 to vector<16xi32>
        %add3A_293 = arith.addi %iota3A, %add3A_292 : vector<16xi32>
        tpu.vector_store_idx %arg13[%broadcast_in_dim3A_279, %add3A_293], %gather3A_290 : memref<32x128xf32, #tpu.memory_space<vmem>>[vector<16xi32>, vector<16xi32>], vector<16xf32>,
        %add3A_294 = arith.constant 16 : i32
        %add3A_295 = vector.broadcast %add3A_294 : i32 to vector<16xi32>
        %add3A_296 = arith.addi %iota3A, %add3A_295 : vector<16xi32>
        %gather3A_297 = tpu.vector_load_idx %arg11[%add3A_296, %add3A_286] : memref<64x1024xf32, #tpu.memory_space<vmem>>[vector<16xi32>, vector<16xi32>], vector<16xf32>,
        %add3A_298 = arith.constant 16 : i32
        %add3A_299 = vector.broadcast %add3A_298 : i32 to vector<16xi32>
        %add3A_300 = arith.addi %iota3A, %add3A_299 : vector<16xi32>
        tpu.vector_store_idx %arg13[%broadcast_in_dim3A_279, %add3A_300], %gather3A_297 : memref<32x128xf32, #tpu.memory_space<vmem>>[vector<16xi32>, vector<16xi32>], vector<16xf32>,
        %add3A_301 = arith.constant 32 : i32
        %add3A_302 = vector.broadcast %add3A_301 : i32 to vector<16xi32>
        %add3A_303 = arith.addi %iota3A, %add3A_302 : vector<16xi32>
        %gather3A_304 = tpu.vector_load_idx %arg11[%add3A_303, %add3A_286] : memref<64x1024xf32, #tpu.memory_space<vmem>>[vector<16xi32>, vector<16xi32>], vector<16xf32>,
        %add3A_305 = arith.constant 32 : i32
        %add3A_306 = vector.broadcast %add3A_305 : i32 to vector<16xi32>
        %add3A_307 = arith.addi %iota3A, %add3A_306 : vector<16xi32>
        tpu.vector_store_idx %arg13[%broadcast_in_dim3A_279, %add3A_307], %gather3A_304 : memref<32x128xf32, #tpu.memory_space<vmem>>[vector<16xi32>, vector<16xi32>], vector<16xf32>,
        %add3A_308 = arith.constant 48 : i32
        %add3A_309 = vector.broadcast %add3A_308 : i32 to vector<16xi32>
        %add3A_310 = arith.addi %iota3A, %add3A_309 : vector<16xi32>
        %gather3A_311 = tpu.vector_load_idx %arg11[%add3A_310, %add3A_286] : memref<64x1024xf32, #tpu.memory_space<vmem>>[vector<16xi32>, vector<16xi32>], vector<16xf32>,
        %add3A_312 = arith.constant 48 : i32
        %add3A_313 = vector.broadcast %add3A_312 : i32 to vector<16xi32>
        %add3A_314 = arith.addi %iota3A, %add3A_313 : vector<16xi32>
        tpu.vector_store_idx %arg13[%broadcast_in_dim3A_279, %add3A_314], %gather3A_311 : memref<32x128xf32, #tpu.memory_space<vmem>>[vector<16xi32>, vector<16xi32>], vector<16xf32>,
        %eq3A_315 = vector.broadcast %while3A_243 : i32 to vector<16xi32>
        %eq3A_316 = arith.cmpi eq, %iota3A, %eq3A_315 : vector<16xi32>
        %select_n3A_317 = arith.select %eq3A_316, %gather3A_275, %while3A_246 : vector<16xi1>, vector<16xi32>
        %add3A_318 = arith.constant 1 : i32
        %add3A_319 = arith.addi %while3A_243, %add3A_318 : i32
        %eq3A_320 = arith.constant 16 : i32
        %eq3A_321 = arith.cmpi eq, %add3A_319, %eq3A_320 : i32
        %convert_element_type3A_322 = arith.extui %eq3A_321 : i1 to i32
        %cond3A_323 = arith.constant 0 : i32
        %cond3A_324 = arith.cmpi ne, %convert_element_type3A_322, %cond3A_323 : i32
        %cond3A_325:4 = scf.if %cond3A_324 -> (i32, i32, i32, vector<16xi32>) {
          %mul3A_326 = arith.constant 16 : i32
          %mul3A_327 = arith.muli %while3A_244, %mul3A_326 : i32
          %multiple_of3A_328 = tpu.assume_multiple %mul3A_327, 16 : i32
          %eq3A_329 = arith.constant 0 : i32
          %eq3A_330 = arith.cmpi eq, %while3A_244, %eq3A_329 : i32
          %convert_element_type3A_331 = arith.extui %eq3A_330 : i1 to i32
          %cond3A_332 = arith.constant 0 : i32
          %cond3A_333 = arith.cmpi ne, %convert_element_type3A_331, %cond3A_332 : i32
          scf.if %cond3A_333 {
            %dma_start3A = arith.constant 0 : i32
            %dma_start3A_362 = tpu.memref_slice %arg13[%multiple_of3A_328, %dma_start3A] : memref<32x128xf32, #tpu.memory_space<vmem>> -> memref<16x128xf32, #tpu.memory_space<vmem>>
            %dma_start3A_363 = arith.constant 0 : i32
            %dma_start3A_364 = arith.constant 0 : i32
            %dma_start3A_365 = tpu.memref_slice %arg5[%dma_start3A_363, %dma_start3A_364] : memref<16400x128xf32, #tpu.memory_space<hbm>> -> memref<16400x128xf32, #tpu.memory_space<hbm>>
            tpu.enqueue_indirect_dma source(%dma_start3A_362 : memref<16x128xf32, #tpu.memory_space<vmem>>) target(%dma_start3A_365 : memref<16400x128xf32, #tpu.memory_space<hbm>>) offsets(%select_n3A_317 : vector<16xi32>) semaphore(%arg18 : memref<!tpu.dma_semaphore, #tpu.memory_space<semaphore_mem>>)
          } else {
          }
          %eq3A_334 = arith.constant 1 : i32
          %eq3A_335 = arith.cmpi eq, %while3A_244, %eq3A_334 : i32
          %convert_element_type3A_336 = arith.extui %eq3A_335 : i1 to i32
          %cond3A_337 = arith.constant 0 : i32
          %cond3A_338 = arith.cmpi ne, %convert_element_type3A_336, %cond3A_337 : i32
          scf.if %cond3A_338 {
            %dma_start3A = arith.constant 0 : i32
            %dma_start3A_362 = tpu.memref_slice %arg13[%multiple_of3A_328, %dma_start3A] : memref<32x128xf32, #tpu.memory_space<vmem>> -> memref<16x128xf32, #tpu.memory_space<vmem>>
            %dma_start3A_363 = arith.constant 0 : i32
            %dma_start3A_364 = arith.constant 0 : i32
            %dma_start3A_365 = tpu.memref_slice %arg5[%dma_start3A_363, %dma_start3A_364] : memref<16400x128xf32, #tpu.memory_space<hbm>> -> memref<16400x128xf32, #tpu.memory_space<hbm>>
            tpu.enqueue_indirect_dma source(%dma_start3A_362 : memref<16x128xf32, #tpu.memory_space<vmem>>) target(%dma_start3A_365 : memref<16400x128xf32, #tpu.memory_space<hbm>>) offsets(%select_n3A_317 : vector<16xi32>) semaphore(%arg19 : memref<!tpu.dma_semaphore, #tpu.memory_space<semaphore_mem>>)
          } else {
          }
          %ge3A_339 = arith.constant 1 : i32
          %ge3A_340 = arith.cmpi sge, %while3A_245, %ge3A_339 : i32
          %eq3A_341 = arith.constant 1 : i32
          %eq3A_342 = arith.cmpi eq, %while3A_244, %eq3A_341 : i32
          %and3A_343 = arith.andi %ge3A_340, %eq3A_342 : i1
          %convert_element_type3A_344 = arith.extui %and3A_343 : i1 to i32
          %cond3A_345 = arith.constant 0 : i32
          %cond3A_346 = arith.cmpi ne, %convert_element_type3A_344, %cond3A_345 : i32
          scf.if %cond3A_346 {
            %dma_wait3A = arith.constant 0 : i32
            %dma_wait3A_362 = arith.constant 0 : i32
            %dma_wait3A_363 = tpu.memref_slice %arg13[%dma_wait3A, %dma_wait3A_362] : memref<32x128xf32, #tpu.memory_space<vmem>> -> memref<16x128xf32, #tpu.memory_space<vmem>>
            %dma_wait3A_364 = arith.constant 0 : i32
            %dma_wait3A_365 = arith.constant 0 : i32
            %dma_wait3A_366 = tpu.memref_slice %arg5[%dma_wait3A_364, %dma_wait3A_365] : memref<16400x128xf32, #tpu.memory_space<hbm>> -> memref<16x128xf32, #tpu.memory_space<hbm>>
            %dma_wait3A_367 = arith.constant 0 : i32
            %dma_wait3A_368 = arith.constant 0 : i32
            %dma_wait3A_369 = tpu.memref_slice %arg13[%dma_wait3A_367, %dma_wait3A_368] : memref<32x128xf32, #tpu.memory_space<vmem>> -> memref<16x128xf32, #tpu.memory_space<vmem>>
            %dma_wait3A_370 = arith.constant 0 : i32
            %dma_wait3A_371 = arith.constant 0 : i32
            %dma_wait3A_372 = tpu.memref_slice %arg5[%dma_wait3A_370, %dma_wait3A_371] : memref<16400x128xf32, #tpu.memory_space<hbm>> -> memref<16x128xf32, #tpu.memory_space<hbm>>
            tpu.wait_dma2 semaphore(%arg18 : memref<!tpu.dma_semaphore, #tpu.memory_space<semaphore_mem>>) src(%dma_wait3A_372 : memref<16x128xf32, #tpu.memory_space<hbm>>) dst(%dma_wait3A_369 : memref<16x128xf32, #tpu.memory_space<vmem>>)
          } else {
          }
          %ge3A_347 = arith.constant 1 : i32
          %ge3A_348 = arith.cmpi sge, %while3A_245, %ge3A_347 : i32
          %eq3A_349 = arith.constant 0 : i32
          %eq3A_350 = arith.cmpi eq, %while3A_244, %eq3A_349 : i32
          %and3A_351 = arith.andi %ge3A_348, %eq3A_350 : i1
          %convert_element_type3A_352 = arith.extui %and3A_351 : i1 to i32
          %cond3A_353 = arith.constant 0 : i32
          %cond3A_354 = arith.cmpi ne, %convert_element_type3A_352, %cond3A_353 : i32
          scf.if %cond3A_354 {
            %dma_wait3A = arith.constant 0 : i32
            %dma_wait3A_362 = arith.constant 0 : i32
            %dma_wait3A_363 = tpu.memref_slice %arg13[%dma_wait3A, %dma_wait3A_362] : memref<32x128xf32, #tpu.memory_space<vmem>> -> memref<16x128xf32, #tpu.memory_space<vmem>>
            %dma_wait3A_364 = arith.constant 0 : i32
            %dma_wait3A_365 = arith.constant 0 : i32
            %dma_wait3A_366 = tpu.memref_slice %arg5[%dma_wait3A_364, %dma_wait3A_365] : memref<16400x128xf32, #tpu.memory_space<hbm>> -> memref<16x128xf32, #tpu.memory_space<hbm>>
            %dma_wait3A_367 = arith.constant 0 : i32
            %dma_wait3A_368 = arith.constant 0 : i32
            %dma_wait3A_369 = tpu.memref_slice %arg13[%dma_wait3A_367, %dma_wait3A_368] : memref<32x128xf32, #tpu.memory_space<vmem>> -> memref<16x128xf32, #tpu.memory_space<vmem>>
            %dma_wait3A_370 = arith.constant 0 : i32
            %dma_wait3A_371 = arith.constant 0 : i32
            %dma_wait3A_372 = tpu.memref_slice %arg5[%dma_wait3A_370, %dma_wait3A_371] : memref<16400x128xf32, #tpu.memory_space<hbm>> -> memref<16x128xf32, #tpu.memory_space<hbm>>
            tpu.wait_dma2 semaphore(%arg19 : memref<!tpu.dma_semaphore, #tpu.memory_space<semaphore_mem>>) src(%dma_wait3A_372 : memref<16x128xf32, #tpu.memory_space<hbm>>) dst(%dma_wait3A_369 : memref<16x128xf32, #tpu.memory_space<vmem>>)
          } else {
          }
          %sub3A_355 = arith.constant 1 : i32
          %sub3A_356 = arith.subi %sub3A_355, %while3A_244 : i32
          %add3A_357 = arith.constant 16384 : i32
          %add3A_358 = vector.broadcast %add3A_357 : i32 to vector<16xi32>
          %add3A_359 = arith.addi %add3A_358, %iota3A : vector<16xi32>
          %cond3A_360 = arith.constant 0 : i32
          %cond3A_361 = arith.constant 1 : i32
          scf.yield %cond3A_360, %sub3A_356, %cond3A_361, %add3A_359 : i32, i32, i32, vector<16xi32>
        } else {
          %add3A_326 = arith.constant 1 : i32
          %add3A_327 = arith.addi %while3A_243, %add3A_326 : i32
          scf.yield %add3A_327, %while3A_244, %while3A_245, %select_n3A_317 : i32, i32, i32, vector<16xi32>
        }
        scf.yield %cond3A_325#0, %cond3A_325#1, %cond3A_325#2, %cond3A_325#3 : i32, i32, i32, vector<16xi32>
      }
      %while3A_240 = arith.constant 1 : i32
      %while3A_241:4 = scf.for %while3A_242 = %while3A_237 to %while3A_233 step %while3A_240 iter_args(%while3A_243 = %while3A_239#0, %while3A_244 = %while3A_239#1, %while3A_245 = %while3A_239#2, %while3A_246 = %while3A_239#3) -> (i32, i32, i32, vector<16xi32>)  : i32 {
        %div3A_247 = arith.constant 16 : i32
        %div3A_248 = arith.divsi %while3A_242, %div3A_247 : i32
        %mul3A_249 = arith.constant 16 : i32
        %mul3A_250 = arith.muli %div3A_248, %mul3A_249 : i32
        %multiple_of3A_251 = tpu.assume_multiple %mul3A_250, 16 : i32
        %rem3A_252 = arith.constant 16 : i32
        %rem3A_253 = arith.remsi %while3A_242, %rem3A_252 : i32
        %broadcast_in_dim3A = vector.broadcast %rem3A_253 : i32 to vector<16xi32>
        %get3A = arith.index_cast %multiple_of3A_251 : i32 to index
        %get3A_254 = tpu.vector_load %arg9[%get3A] {strides = array<i32>} : memref<64xi32, #tpu.memory_space<vmem>>, vector<16xi32>,
        %get3A_255 = arith.index_cast %multiple_of3A_251 : i32 to index
        %get3A_256 = tpu.vector_load %arg10[%get3A_255] {strides = array<i32>} : memref<64xi32, #tpu.memory_space<vmem>>, vector<16xi32>,
        %lt3A_257 = arith.constant 0 : i32
        %lt3A_258 = vector.broadcast %lt3A_257 : i32 to vector<16xi32>
        %lt3A_259 = arith.cmpi slt, %broadcast_in_dim3A, %lt3A_258 : vector<16xi32>
        %add3A_260 = arith.constant 16 : i32
        %add3A_261 = vector.broadcast %add3A_260 : i32 to vector<16xi32>
        %add3A_262 = arith.addi %broadcast_in_dim3A, %add3A_261 : vector<16xi32>
        %select_n3A_263 = arith.select %lt3A_259, %add3A_262, %broadcast_in_dim3A : vector<16xi1>, vector<16xi32>
        %broadcast_in_dim3A_264 = vector.shape_cast %select_n3A_263 : vector<16xi32> to vector<16x1xi32>
        %gather3A = vector.shape_cast %broadcast_in_dim3A_264 : vector<16x1xi32> to vector<16xi32>
        %gather3A_265 = tpu.dynamic_gather %get3A_254[%gather3A] in [0] : vector<16xi32>, vector<16xi32> -> vector<16xi32>
        %lt3A_266 = arith.constant 0 : i32
        %lt3A_267 = vector.broadcast %lt3A_266 : i32 to vector<16xi32>
        %lt3A_268 = arith.cmpi slt, %broadcast_in_dim3A, %lt3A_267 : vector<16xi32>
        %add3A_269 = arith.constant 16 : i32
        %add3A_270 = vector.broadcast %add3A_269 : i32 to vector<16xi32>
        %add3A_271 = arith.addi %broadcast_in_dim3A, %add3A_270 : vector<16xi32>
        %select_n3A_272 = arith.select %lt3A_268, %add3A_271, %broadcast_in_dim3A : vector<16xi1>, vector<16xi32>
        %broadcast_in_dim3A_273 = vector.shape_cast %select_n3A_272 : vector<16xi32> to vector<16x1xi32>
        %gather3A_274 = vector.shape_cast %broadcast_in_dim3A_273 : vector<16x1xi32> to vector<16xi32>
        %gather3A_275 = tpu.dynamic_gather %get3A_256[%gather3A_274] in [0] : vector<16xi32>, vector<16xi32> -> vector<16xi32>
        %mul3A_276 = arith.constant 16 : i32
        %mul3A_277 = arith.muli %while3A_244, %mul3A_276 : i32
        %add3A_278 = arith.addi %mul3A_277, %while3A_243 : i32
        %broadcast_in_dim3A_279 = vector.broadcast %add3A_278 : i32 to vector<16xi32>
        %mul3A_280 = arith.constant 256 : i32
        %mul3A_281 = arith.muli %rem3A_196, %mul3A_280 : i32
        %and3A_282 = arith.constant 255 : i32
        %and3A_283 = vector.broadcast %and3A_282 : i32 to vector<16xi32>
        %and3A_284 = arith.andi %gather3A_265, %and3A_283 : vector<16xi32>
        %add3A_285 = vector.broadcast %mul3A_281 : i32 to vector<16xi32>
        %add3A_286 = arith.addi %add3A_285, %and3A_284 : vector<16xi32>
        %add3A_287 = arith.constant 0 : i32
        %add3A_288 = vector.broadcast %add3A_287 : i32 to vector<16xi32>
        %add3A_289 = arith.addi %iota3A, %add3A_288 : vector<16xi32>
        %gather3A_290 = tpu.vector_load_idx %arg11[%add3A_289, %add3A_286] : memref<64x1024xf32, #tpu.memory_space<vmem>>[vector<16xi32>, vector<16xi32>], vector<16xf32>,
        %add3A_291 = arith.constant 0 : i32
        %add3A_292 = vector.broadcast %add3A_291 : i32 to vector<16xi32>
        %add3A_293 = arith.addi %iota3A, %add3A_292 : vector<16xi32>
        tpu.vector_store_idx %arg13[%broadcast_in_dim3A_279, %add3A_293], %gather3A_290 : memref<32x128xf32, #tpu.memory_space<vmem>>[vector<16xi32>, vector<16xi32>], vector<16xf32>,
        %add3A_294 = arith.constant 16 : i32
        %add3A_295 = vector.broadcast %add3A_294 : i32 to vector<16xi32>
        %add3A_296 = arith.addi %iota3A, %add3A_295 : vector<16xi32>
        %gather3A_297 = tpu.vector_load_idx %arg11[%add3A_296, %add3A_286] : memref<64x1024xf32, #tpu.memory_space<vmem>>[vector<16xi32>, vector<16xi32>], vector<16xf32>,
        %add3A_298 = arith.constant 16 : i32
        %add3A_299 = vector.broadcast %add3A_298 : i32 to vector<16xi32>
        %add3A_300 = arith.addi %iota3A, %add3A_299 : vector<16xi32>
        tpu.vector_store_idx %arg13[%broadcast_in_dim3A_279, %add3A_300], %gather3A_297 : memref<32x128xf32, #tpu.memory_space<vmem>>[vector<16xi32>, vector<16xi32>], vector<16xf32>,
        %add3A_301 = arith.constant 32 : i32
        %add3A_302 = vector.broadcast %add3A_301 : i32 to vector<16xi32>
        %add3A_303 = arith.addi %iota3A, %add3A_302 : vector<16xi32>
        %gather3A_304 = tpu.vector_load_idx %arg11[%add3A_303, %add3A_286] : memref<64x1024xf32, #tpu.memory_space<vmem>>[vector<16xi32>, vector<16xi32>], vector<16xf32>,
        %add3A_305 = arith.constant 32 : i32
        %add3A_306 = vector.broadcast %add3A_305 : i32 to vector<16xi32>
        %add3A_307 = arith.addi %iota3A, %add3A_306 : vector<16xi32>
        tpu.vector_store_idx %arg13[%broadcast_in_dim3A_279, %add3A_307], %gather3A_304 : memref<32x128xf32, #tpu.memory_space<vmem>>[vector<16xi32>, vector<16xi32>], vector<16xf32>,
        %add3A_308 = arith.constant 48 : i32
        %add3A_309 = vector.broadcast %add3A_308 : i32 to vector<16xi32>
        %add3A_310 = arith.addi %iota3A, %add3A_309 : vector<16xi32>
        %gather3A_311 = tpu.vector_load_idx %arg11[%add3A_310, %add3A_286] : memref<64x1024xf32, #tpu.memory_space<vmem>>[vector<16xi32>, vector<16xi32>], vector<16xf32>,
        %add3A_312 = arith.constant 48 : i32
        %add3A_313 = vector.broadcast %add3A_312 : i32 to vector<16xi32>
        %add3A_314 = arith.addi %iota3A, %add3A_313 : vector<16xi32>
        tpu.vector_store_idx %arg13[%broadcast_in_dim3A_279, %add3A_314], %gather3A_311 : memref<32x128xf32, #tpu.memory_space<vmem>>[vector<16xi32>, vector<16xi32>], vector<16xf32>,
        %eq3A_315 = vector.broadcast %while3A_243 : i32 to vector<16xi32>
        %eq3A_316 = arith.cmpi eq, %iota3A, %eq3A_315 : vector<16xi32>
        %select_n3A_317 = arith.select %eq3A_316, %gather3A_275, %while3A_246 : vector<16xi1>, vector<16xi32>
        %add3A_318 = arith.constant 1 : i32
        %add3A_319 = arith.addi %while3A_243, %add3A_318 : i32
        %eq3A_320 = arith.constant 16 : i32
        %eq3A_321 = arith.cmpi eq, %add3A_319, %eq3A_320 : i32
        %convert_element_type3A_322 = arith.extui %eq3A_321 : i1 to i32
        %cond3A_323 = arith.constant 0 : i32
        %cond3A_324 = arith.cmpi ne, %convert_element_type3A_322, %cond3A_323 : i32
        %cond3A_325:4 = scf.if %cond3A_324 -> (i32, i32, i32, vector<16xi32>) {
          %mul3A_326 = arith.constant 16 : i32
          %mul3A_327 = arith.muli %while3A_244, %mul3A_326 : i32
          %multiple_of3A_328 = tpu.assume_multiple %mul3A_327, 16 : i32
          %eq3A_329 = arith.constant 0 : i32
          %eq3A_330 = arith.cmpi eq, %while3A_244, %eq3A_329 : i32
          %convert_element_type3A_331 = arith.extui %eq3A_330 : i1 to i32
          %cond3A_332 = arith.constant 0 : i32
          %cond3A_333 = arith.cmpi ne, %convert_element_type3A_331, %cond3A_332 : i32
          scf.if %cond3A_333 {
            %dma_start3A = arith.constant 0 : i32
            %dma_start3A_362 = tpu.memref_slice %arg13[%multiple_of3A_328, %dma_start3A] : memref<32x128xf32, #tpu.memory_space<vmem>> -> memref<16x128xf32, #tpu.memory_space<vmem>>
            %dma_start3A_363 = arith.constant 0 : i32
            %dma_start3A_364 = arith.constant 0 : i32
            %dma_start3A_365 = tpu.memref_slice %arg5[%dma_start3A_363, %dma_start3A_364] : memref<16400x128xf32, #tpu.memory_space<hbm>> -> memref<16400x128xf32, #tpu.memory_space<hbm>>
            tpu.enqueue_indirect_dma source(%dma_start3A_362 : memref<16x128xf32, #tpu.memory_space<vmem>>) target(%dma_start3A_365 : memref<16400x128xf32, #tpu.memory_space<hbm>>) offsets(%select_n3A_317 : vector<16xi32>) semaphore(%arg18 : memref<!tpu.dma_semaphore, #tpu.memory_space<semaphore_mem>>)
          } else {
          }
          %eq3A_334 = arith.constant 1 : i32
          %eq3A_335 = arith.cmpi eq, %while3A_244, %eq3A_334 : i32
          %convert_element_type3A_336 = arith.extui %eq3A_335 : i1 to i32
          %cond3A_337 = arith.constant 0 : i32
          %cond3A_338 = arith.cmpi ne, %convert_element_type3A_336, %cond3A_337 : i32
          scf.if %cond3A_338 {
            %dma_start3A = arith.constant 0 : i32
            %dma_start3A_362 = tpu.memref_slice %arg13[%multiple_of3A_328, %dma_start3A] : memref<32x128xf32, #tpu.memory_space<vmem>> -> memref<16x128xf32, #tpu.memory_space<vmem>>
            %dma_start3A_363 = arith.constant 0 : i32
            %dma_start3A_364 = arith.constant 0 : i32
            %dma_start3A_365 = tpu.memref_slice %arg5[%dma_start3A_363, %dma_start3A_364] : memref<16400x128xf32, #tpu.memory_space<hbm>> -> memref<16400x128xf32, #tpu.memory_space<hbm>>
            tpu.enqueue_indirect_dma source(%dma_start3A_362 : memref<16x128xf32, #tpu.memory_space<vmem>>) target(%dma_start3A_365 : memref<16400x128xf32, #tpu.memory_space<hbm>>) offsets(%select_n3A_317 : vector<16xi32>) semaphore(%arg19 : memref<!tpu.dma_semaphore, #tpu.memory_space<semaphore_mem>>)
          } else {
          }
          %ge3A_339 = arith.constant 1 : i32
          %ge3A_340 = arith.cmpi sge, %while3A_245, %ge3A_339 : i32
          %eq3A_341 = arith.constant 1 : i32
          %eq3A_342 = arith.cmpi eq, %while3A_244, %eq3A_341 : i32
          %and3A_343 = arith.andi %ge3A_340, %eq3A_342 : i1
          %convert_element_type3A_344 = arith.extui %and3A_343 : i1 to i32
          %cond3A_345 = arith.constant 0 : i32
          %cond3A_346 = arith.cmpi ne, %convert_element_type3A_344, %cond3A_345 : i32
          scf.if %cond3A_346 {
            %dma_wait3A = arith.constant 0 : i32
            %dma_wait3A_362 = arith.constant 0 : i32
            %dma_wait3A_363 = tpu.memref_slice %arg13[%dma_wait3A, %dma_wait3A_362] : memref<32x128xf32, #tpu.memory_space<vmem>> -> memref<16x128xf32, #tpu.memory_space<vmem>>
            %dma_wait3A_364 = arith.constant 0 : i32
            %dma_wait3A_365 = arith.constant 0 : i32
            %dma_wait3A_366 = tpu.memref_slice %arg5[%dma_wait3A_364, %dma_wait3A_365] : memref<16400x128xf32, #tpu.memory_space<hbm>> -> memref<16x128xf32, #tpu.memory_space<hbm>>
            %dma_wait3A_367 = arith.constant 0 : i32
            %dma_wait3A_368 = arith.constant 0 : i32
            %dma_wait3A_369 = tpu.memref_slice %arg13[%dma_wait3A_367, %dma_wait3A_368] : memref<32x128xf32, #tpu.memory_space<vmem>> -> memref<16x128xf32, #tpu.memory_space<vmem>>
            %dma_wait3A_370 = arith.constant 0 : i32
            %dma_wait3A_371 = arith.constant 0 : i32
            %dma_wait3A_372 = tpu.memref_slice %arg5[%dma_wait3A_370, %dma_wait3A_371] : memref<16400x128xf32, #tpu.memory_space<hbm>> -> memref<16x128xf32, #tpu.memory_space<hbm>>
            tpu.wait_dma2 semaphore(%arg18 : memref<!tpu.dma_semaphore, #tpu.memory_space<semaphore_mem>>) src(%dma_wait3A_372 : memref<16x128xf32, #tpu.memory_space<hbm>>) dst(%dma_wait3A_369 : memref<16x128xf32, #tpu.memory_space<vmem>>)
          } else {
          }
          %ge3A_347 = arith.constant 1 : i32
          %ge3A_348 = arith.cmpi sge, %while3A_245, %ge3A_347 : i32
          %eq3A_349 = arith.constant 0 : i32
          %eq3A_350 = arith.cmpi eq, %while3A_244, %eq3A_349 : i32
          %and3A_351 = arith.andi %ge3A_348, %eq3A_350 : i1
          %convert_element_type3A_352 = arith.extui %and3A_351 : i1 to i32
          %cond3A_353 = arith.constant 0 : i32
          %cond3A_354 = arith.cmpi ne, %convert_element_type3A_352, %cond3A_353 : i32
          scf.if %cond3A_354 {
            %dma_wait3A = arith.constant 0 : i32
            %dma_wait3A_362 = arith.constant 0 : i32
            %dma_wait3A_363 = tpu.memref_slice %arg13[%dma_wait3A, %dma_wait3A_362] : memref<32x128xf32, #tpu.memory_space<vmem>> -> memref<16x128xf32, #tpu.memory_space<vmem>>
            %dma_wait3A_364 = arith.constant 0 : i32
            %dma_wait3A_365 = arith.constant 0 : i32
            %dma_wait3A_366 = tpu.memref_slice %arg5[%dma_wait3A_364, %dma_wait3A_365] : memref<16400x128xf32, #tpu.memory_space<hbm>> -> memref<16x128xf32, #tpu.memory_space<hbm>>
            %dma_wait3A_367 = arith.constant 0 : i32
            %dma_wait3A_368 = arith.constant 0 : i32
            %dma_wait3A_369 = tpu.memref_slice %arg13[%dma_wait3A_367, %dma_wait3A_368] : memref<32x128xf32, #tpu.memory_space<vmem>> -> memref<16x128xf32, #tpu.memory_space<vmem>>
            %dma_wait3A_370 = arith.constant 0 : i32
            %dma_wait3A_371 = arith.constant 0 : i32
            %dma_wait3A_372 = tpu.memref_slice %arg5[%dma_wait3A_370, %dma_wait3A_371] : memref<16400x128xf32, #tpu.memory_space<hbm>> -> memref<16x128xf32, #tpu.memory_space<hbm>>
            tpu.wait_dma2 semaphore(%arg19 : memref<!tpu.dma_semaphore, #tpu.memory_space<semaphore_mem>>) src(%dma_wait3A_372 : memref<16x128xf32, #tpu.memory_space<hbm>>) dst(%dma_wait3A_369 : memref<16x128xf32, #tpu.memory_space<vmem>>)
          } else {
          }
          %sub3A_355 = arith.constant 1 : i32
          %sub3A_356 = arith.subi %sub3A_355, %while3A_244 : i32
          %add3A_357 = arith.constant 16384 : i32
          %add3A_358 = vector.broadcast %add3A_357 : i32 to vector<16xi32>
          %add3A_359 = arith.addi %add3A_358, %iota3A : vector<16xi32>
          %cond3A_360 = arith.constant 0 : i32
          %cond3A_361 = arith.constant 1 : i32
          scf.yield %cond3A_360, %sub3A_356, %cond3A_361, %add3A_359 : i32, i32, i32, vector<16xi32>
        } else {
          %add3A_326 = arith.constant 1 : i32
          %add3A_327 = arith.addi %while3A_243, %add3A_326 : i32
          scf.yield %add3A_327, %while3A_244, %while3A_245, %select_n3A_317 : i32, i32, i32, vector<16xi32>
        }
        scf.yield %cond3A_325#0, %cond3A_325#1, %cond3A_325#2, %cond3A_325#3 : i32, i32, i32, vector<16xi32>
      }
      scf.yield %while3A_241#0, %while3A_241#1, %while3A_241#2, %while3A_241#3 : i32, i32, i32, vector<16xi32>
    }
    %convert_element_type3A_130 = arith.extui %eq3A_11 : i1 to i32
    %cond3A_131 = arith.constant 0 : i32
    %cond3A_132 = arith.cmpi ne, %convert_element_type3A_130, %cond3A_131 : i32
    %cond3A_133:4 = scf.if %cond3A_132 -> (i32, i32, i32, vector<16xi32>) {
      %add3A_161 = arith.constant 15 : i32
      %add3A_162 = arith.addi %min3A_113, %add3A_161 : i32
      %jit3A_163 = arith.constant 16 : i32
      %div3A = arith.divsi %add3A_162, %jit3A_163 : i32
      %sign3A = arith.constant 0 : i32
      %sign3A_164 = arith.cmpi sgt, %add3A_162, %sign3A : i32
      %sign3A_165 = arith.extui %sign3A_164 : i1 to i32
      %sign3A_166 = arith.constant 0 : i32
      %sign3A_167 = arith.cmpi slt, %add3A_162, %sign3A_166 : i32
      %sign3A_168 = arith.extui %sign3A_167 : i1 to i32
      %sign3A_169 = arith.subi %sign3A_165, %sign3A_168 : i32
      %sign3A_170 = arith.constant 0 : i32
      %sign3A_171 = arith.cmpi sgt, %jit3A_163, %sign3A_170 : i32
      %sign3A_172 = arith.extui %sign3A_171 : i1 to i32
      %sign3A_173 = arith.constant 0 : i32
      %sign3A_174 = arith.cmpi slt, %jit3A_163, %sign3A_173 : i32
      %sign3A_175 = arith.extui %sign3A_174 : i1 to i32
      %sign3A_176 = arith.subi %sign3A_172, %sign3A_175 : i32
      %ne3A = arith.cmpi ne, %sign3A_169, %sign3A_176 : i32
      %rem3A_177 = arith.remsi %add3A_162, %jit3A_163 : i32
      %ne3A_178 = arith.constant 0 : i32
      %ne3A_179 = arith.cmpi ne, %rem3A_177, %ne3A_178 : i32
      %and3A_180 = arith.andi %ne3A, %ne3A_179 : i1
      %sub3A = arith.constant 1 : i32
      %sub3A_181 = arith.subi %div3A, %sub3A : i32
      %select_n3A_182 = arith.select %and3A_180, %sub3A_181, %div3A : i32
      %while3A_183 = arith.constant 3906 : i32
      %while3A_184 = arith.constant 0 : i32
      %while3A_185 = arith.constant 0 : i32
      %while3A_186 = arith.subi %select_n3A_182, %while3A_184 : i32
      %while3A_187 = arith.addi %while3A_184, %while3A_186 : i32
      %while3A_188 = arith.constant 1 : i32
      %while3A_189 = arith.divsi %while3A_186, %while3A_188 : i32
      %while3A_190 = arith.muli %while3A_189, %while3A_188 : i32
      %while3A_191 = arith.addi %while3A_184, %while3A_190 : i32
      %while3A_192 = arith.constant 1 : i32
      %while3A_193 = scf.for %while3A_207 = %while3A_184 to %while3A_191 step %while3A_192 iter_args(%while3A_208 = %while3A_185) -> (i32)  : i32 {
        %mul3A_209 = arith.constant 16 : i32
        %mul3A_210 = arith.muli %while3A_207, %mul3A_209 : i32
        %multiple_of3A_211 = tpu.assume_multiple %mul3A_210, 16 : i32
        %get3A = arith.index_cast %multiple_of3A_211 : i32 to index
        %get3A_212 = tpu.vector_load %arg7[%get3A] {strides = array<i32>} : memref<2048xi32, #tpu.memory_space<vmem>>, vector<16xi32>,
        %get3A_213 = arith.index_cast %multiple_of3A_211 : i32 to index
        %get3A_214 = tpu.vector_load %arg8[%get3A_213] {strides = array<i32>} : memref<2048xi32, #tpu.memory_space<vmem>>, vector<16xi32>,
        %mul3A_215 = arith.constant 16 : i32
        %mul3A_216 = arith.muli %while3A_207, %mul3A_215 : i32
        %add3A_217 = vector.broadcast %mul3A_216 : i32 to vector<16xi32>
        %add3A_218 = arith.addi %iota3A, %add3A_217 : vector<16xi32>
        %lt3A_219 = vector.broadcast %min3A_113 : i32 to vector<16xi32>
        %lt3A_220 = arith.cmpi slt, %add3A_218, %lt3A_219 : vector<16xi32>
        %shift_right_logical3A = arith.constant 8 : i32
        %shift_right_logical3A_221 = vector.broadcast %shift_right_logical3A : i32 to vector<16xi32>
        %shift_right_logical3A_222 = arith.shrui %get3A_212, %shift_right_logical3A_221 : vector<16xi32>
        %eq3A_223 = vector.broadcast %while3A_183 : i32 to vector<16xi32>
        %eq3A_224 = arith.cmpi eq, %shift_right_logical3A_222, %eq3A_223 : vector<16xi32>
        %and3A_225 = arith.andi %lt3A_220, %eq3A_224 : vector<16xi1>
        %convert_element_type3A_226 = arith.extui %and3A_225 : vector<16xi1> to vector<16xi32>
        %broadcast_in_dim3A = arith.constant true
        %broadcast_in_dim3A_227 = vector.broadcast %broadcast_in_dim3A : i1 to vector<16xi1>
        %masked_cumsum3A = tpu.scan <sum>, %convert_element_type3A_226 masked %broadcast_in_dim3A_227 : vector<16xi32>, vector<16xi1> -> vector<16xi32>
        %add3A_228 = vector.broadcast %while3A_208 : i32 to vector<16xi32>
        %add3A_229 = arith.addi %add3A_228, %masked_cumsum3A : vector<16xi32>
        %sub3A_230 = arith.constant 1 : i32
        %sub3A_231 = vector.broadcast %sub3A_230 : i32 to vector<16xi32>
        %sub3A_232 = arith.subi %add3A_229, %sub3A_231 : vector<16xi32>
        %min3A_233 = arith.constant 63 : i32
        %min3A_234 = vector.broadcast %min3A_233 : i32 to vector<16xi32>
        %min3A_235 = arith.minsi %sub3A_232, %min3A_234 : vector<16xi32>
        tpu.vector_store_idx %arg9[%min3A_235], %get3A_212 masked %and3A_225 : memref<64xi32, #tpu.memory_space<vmem>>[vector<16xi32>], vector<16xi32>, vector<16xi1>
        tpu.vector_store_idx %arg10[%min3A_235], %get3A_214 masked %and3A_225 : memref<64xi32, #tpu.memory_space<vmem>>[vector<16xi32>], vector<16xi32>, vector<16xi1>
        %slice3A = vector.extract_strided_slice %masked_cumsum3A {offsets = [15], sizes = [1], strides = [1]} : vector<16xi32> to vector<1xi32>
        %squeeze3A = vector.extract %slice3A[0] : i32 from vector<1xi32>
        %add3A_236 = arith.addi %while3A_208, %squeeze3A : i32
        scf.yield %add3A_236 : i32
      }
      %while3A_194 = arith.constant 1 : i32
      %while3A_195 = scf.for %while3A_207 = %while3A_191 to %while3A_187 step %while3A_194 iter_args(%while3A_208 = %while3A_193) -> (i32)  : i32 {
        %mul3A_209 = arith.constant 16 : i32
        %mul3A_210 = arith.muli %while3A_207, %mul3A_209 : i32
        %multiple_of3A_211 = tpu.assume_multiple %mul3A_210, 16 : i32
        %get3A = arith.index_cast %multiple_of3A_211 : i32 to index
        %get3A_212 = tpu.vector_load %arg7[%get3A] {strides = array<i32>} : memref<2048xi32, #tpu.memory_space<vmem>>, vector<16xi32>,
        %get3A_213 = arith.index_cast %multiple_of3A_211 : i32 to index
        %get3A_214 = tpu.vector_load %arg8[%get3A_213] {strides = array<i32>} : memref<2048xi32, #tpu.memory_space<vmem>>, vector<16xi32>,
        %mul3A_215 = arith.constant 16 : i32
        %mul3A_216 = arith.muli %while3A_207, %mul3A_215 : i32
        %add3A_217 = vector.broadcast %mul3A_216 : i32 to vector<16xi32>
        %add3A_218 = arith.addi %iota3A, %add3A_217 : vector<16xi32>
        %lt3A_219 = vector.broadcast %min3A_113 : i32 to vector<16xi32>
        %lt3A_220 = arith.cmpi slt, %add3A_218, %lt3A_219 : vector<16xi32>
        %shift_right_logical3A = arith.constant 8 : i32
        %shift_right_logical3A_221 = vector.broadcast %shift_right_logical3A : i32 to vector<16xi32>
        %shift_right_logical3A_222 = arith.shrui %get3A_212, %shift_right_logical3A_221 : vector<16xi32>
        %eq3A_223 = vector.broadcast %while3A_183 : i32 to vector<16xi32>
        %eq3A_224 = arith.cmpi eq, %shift_right_logical3A_222, %eq3A_223 : vector<16xi32>
        %and3A_225 = arith.andi %lt3A_220, %eq3A_224 : vector<16xi1>
        %convert_element_type3A_226 = arith.extui %and3A_225 : vector<16xi1> to vector<16xi32>
        %broadcast_in_dim3A = arith.constant true
        %broadcast_in_dim3A_227 = vector.broadcast %broadcast_in_dim3A : i1 to vector<16xi1>
        %masked_cumsum3A = tpu.scan <sum>, %convert_element_type3A_226 masked %broadcast_in_dim3A_227 : vector<16xi32>, vector<16xi1> -> vector<16xi32>
        %add3A_228 = vector.broadcast %while3A_208 : i32 to vector<16xi32>
        %add3A_229 = arith.addi %add3A_228, %masked_cumsum3A : vector<16xi32>
        %sub3A_230 = arith.constant 1 : i32
        %sub3A_231 = vector.broadcast %sub3A_230 : i32 to vector<16xi32>
        %sub3A_232 = arith.subi %add3A_229, %sub3A_231 : vector<16xi32>
        %min3A_233 = arith.constant 63 : i32
        %min3A_234 = vector.broadcast %min3A_233 : i32 to vector<16xi32>
        %min3A_235 = arith.minsi %sub3A_232, %min3A_234 : vector<16xi32>
        tpu.vector_store_idx %arg9[%min3A_235], %get3A_212 masked %and3A_225 : memref<64xi32, #tpu.memory_space<vmem>>[vector<16xi32>], vector<16xi32>, vector<16xi1>
        tpu.vector_store_idx %arg10[%min3A_235], %get3A_214 masked %and3A_225 : memref<64xi32, #tpu.memory_space<vmem>>[vector<16xi32>], vector<16xi32>, vector<16xi1>
        %slice3A = vector.extract_strided_slice %masked_cumsum3A {offsets = [15], sizes = [1], strides = [1]} : vector<16xi32> to vector<1xi32>
        %squeeze3A = vector.extract %slice3A[0] : i32 from vector<1xi32>
        %add3A_236 = arith.addi %while3A_208, %squeeze3A : i32
        scf.yield %add3A_236 : i32
      }
      %while3A_196 = arith.constant 0 : i32
      %while3A_197 = arith.subi %while3A_195, %while3A_196 : i32
      %while3A_198 = arith.addi %while3A_196, %while3A_197 : i32
      %while3A_199 = arith.constant 1 : i32
      %while3A_200 = arith.divsi %while3A_197, %while3A_199 : i32
      %while3A_201 = arith.muli %while3A_200, %while3A_199 : i32
      %while3A_202 = arith.addi %while3A_196, %while3A_201 : i32
      %while3A_203 = arith.constant 1 : i32
      %while3A_204:4 = scf.for %while3A_207 = %while3A_196 to %while3A_202 step %while3A_203 iter_args(%while3A_208 = %while3A_129#0, %while3A_209 = %while3A_129#1, %while3A_210 = %while3A_129#2, %while3A_211 = %while3A_129#3) -> (i32, i32, i32, vector<16xi32>)  : i32 {
        %div3A_212 = arith.constant 16 : i32
        %div3A_213 = arith.divsi %while3A_207, %div3A_212 : i32
        %mul3A_214 = arith.constant 16 : i32
        %mul3A_215 = arith.muli %div3A_213, %mul3A_214 : i32
        %multiple_of3A_216 = tpu.assume_multiple %mul3A_215, 16 : i32
        %rem3A_217 = arith.constant 16 : i32
        %rem3A_218 = arith.remsi %while3A_207, %rem3A_217 : i32
        %broadcast_in_dim3A = vector.broadcast %rem3A_218 : i32 to vector<16xi32>
        %get3A = arith.index_cast %multiple_of3A_216 : i32 to index
        %get3A_219 = tpu.vector_load %arg9[%get3A] {strides = array<i32>} : memref<64xi32, #tpu.memory_space<vmem>>, vector<16xi32>,
        %get3A_220 = arith.index_cast %multiple_of3A_216 : i32 to index
        %get3A_221 = tpu.vector_load %arg10[%get3A_220] {strides = array<i32>} : memref<64xi32, #tpu.memory_space<vmem>>, vector<16xi32>,
        %lt3A_222 = arith.constant 0 : i32
        %lt3A_223 = vector.broadcast %lt3A_222 : i32 to vector<16xi32>
        %lt3A_224 = arith.cmpi slt, %broadcast_in_dim3A, %lt3A_223 : vector<16xi32>
        %add3A_225 = arith.constant 16 : i32
        %add3A_226 = vector.broadcast %add3A_225 : i32 to vector<16xi32>
        %add3A_227 = arith.addi %broadcast_in_dim3A, %add3A_226 : vector<16xi32>
        %select_n3A_228 = arith.select %lt3A_224, %add3A_227, %broadcast_in_dim3A : vector<16xi1>, vector<16xi32>
        %broadcast_in_dim3A_229 = vector.shape_cast %select_n3A_228 : vector<16xi32> to vector<16x1xi32>
        %gather3A = vector.shape_cast %broadcast_in_dim3A_229 : vector<16x1xi32> to vector<16xi32>
        %gather3A_230 = tpu.dynamic_gather %get3A_219[%gather3A] in [0] : vector<16xi32>, vector<16xi32> -> vector<16xi32>
        %lt3A_231 = arith.constant 0 : i32
        %lt3A_232 = vector.broadcast %lt3A_231 : i32 to vector<16xi32>
        %lt3A_233 = arith.cmpi slt, %broadcast_in_dim3A, %lt3A_232 : vector<16xi32>
        %add3A_234 = arith.constant 16 : i32
        %add3A_235 = vector.broadcast %add3A_234 : i32 to vector<16xi32>
        %add3A_236 = arith.addi %broadcast_in_dim3A, %add3A_235 : vector<16xi32>
        %select_n3A_237 = arith.select %lt3A_233, %add3A_236, %broadcast_in_dim3A : vector<16xi1>, vector<16xi32>
        %broadcast_in_dim3A_238 = vector.shape_cast %select_n3A_237 : vector<16xi32> to vector<16x1xi32>
        %gather3A_239 = vector.shape_cast %broadcast_in_dim3A_238 : vector<16x1xi32> to vector<16xi32>
        %gather3A_240 = tpu.dynamic_gather %get3A_221[%gather3A_239] in [0] : vector<16xi32>, vector<16xi32> -> vector<16xi32>
        %mul3A_241 = arith.constant 16 : i32
        %mul3A_242 = arith.muli %while3A_209, %mul3A_241 : i32
        %add3A_243 = arith.addi %mul3A_242, %while3A_208 : i32
        %broadcast_in_dim3A_244 = vector.broadcast %add3A_243 : i32 to vector<16xi32>
        %and3A_245 = arith.constant 127 : i32
        %and3A_246 = vector.broadcast %and3A_245 : i32 to vector<16xi32>
        %and3A_247 = arith.andi %gather3A_230, %and3A_246 : vector<16xi32>
        %add3A_248 = arith.constant 0 : i32
        %add3A_249 = vector.broadcast %add3A_248 : i32 to vector<16xi32>
        %add3A_250 = arith.addi %iota3A, %add3A_249 : vector<16xi32>
        %gather3A_251 = tpu.vector_load_idx %arg12[%add3A_250, %and3A_247] : memref<64x64xf32, #tpu.memory_space<vmem>>[vector<16xi32>, vector<16xi32>], vector<16xf32>,
        %add3A_252 = arith.constant 0 : i32
        %add3A_253 = vector.broadcast %add3A_252 : i32 to vector<16xi32>
        %add3A_254 = arith.addi %iota3A, %add3A_253 : vector<16xi32>
        tpu.vector_store_idx %arg13[%broadcast_in_dim3A_244, %add3A_254], %gather3A_251 : memref<32x128xf32, #tpu.memory_space<vmem>>[vector<16xi32>, vector<16xi32>], vector<16xf32>,
        %add3A_255 = arith.constant 16 : i32
        %add3A_256 = vector.broadcast %add3A_255 : i32 to vector<16xi32>
        %add3A_257 = arith.addi %iota3A, %add3A_256 : vector<16xi32>
        %gather3A_258 = tpu.vector_load_idx %arg12[%add3A_257, %and3A_247] : memref<64x64xf32, #tpu.memory_space<vmem>>[vector<16xi32>, vector<16xi32>], vector<16xf32>,
        %add3A_259 = arith.constant 16 : i32
        %add3A_260 = vector.broadcast %add3A_259 : i32 to vector<16xi32>
        %add3A_261 = arith.addi %iota3A, %add3A_260 : vector<16xi32>
        tpu.vector_store_idx %arg13[%broadcast_in_dim3A_244, %add3A_261], %gather3A_258 : memref<32x128xf32, #tpu.memory_space<vmem>>[vector<16xi32>, vector<16xi32>], vector<16xf32>,
        %add3A_262 = arith.constant 32 : i32
        %add3A_263 = vector.broadcast %add3A_262 : i32 to vector<16xi32>
        %add3A_264 = arith.addi %iota3A, %add3A_263 : vector<16xi32>
        %gather3A_265 = tpu.vector_load_idx %arg12[%add3A_264, %and3A_247] : memref<64x64xf32, #tpu.memory_space<vmem>>[vector<16xi32>, vector<16xi32>], vector<16xf32>,
        %add3A_266 = arith.constant 32 : i32
        %add3A_267 = vector.broadcast %add3A_266 : i32 to vector<16xi32>
        %add3A_268 = arith.addi %iota3A, %add3A_267 : vector<16xi32>
        tpu.vector_store_idx %arg13[%broadcast_in_dim3A_244, %add3A_268], %gather3A_265 : memref<32x128xf32, #tpu.memory_space<vmem>>[vector<16xi32>, vector<16xi32>], vector<16xf32>,
        %add3A_269 = arith.constant 48 : i32
        %add3A_270 = vector.broadcast %add3A_269 : i32 to vector<16xi32>
        %add3A_271 = arith.addi %iota3A, %add3A_270 : vector<16xi32>
        %gather3A_272 = tpu.vector_load_idx %arg12[%add3A_271, %and3A_247] : memref<64x64xf32, #tpu.memory_space<vmem>>[vector<16xi32>, vector<16xi32>], vector<16xf32>,
        %add3A_273 = arith.constant 48 : i32
        %add3A_274 = vector.broadcast %add3A_273 : i32 to vector<16xi32>
        %add3A_275 = arith.addi %iota3A, %add3A_274 : vector<16xi32>
        tpu.vector_store_idx %arg13[%broadcast_in_dim3A_244, %add3A_275], %gather3A_272 : memref<32x128xf32, #tpu.memory_space<vmem>>[vector<16xi32>, vector<16xi32>], vector<16xf32>,
        %eq3A_276 = vector.broadcast %while3A_208 : i32 to vector<16xi32>
        %eq3A_277 = arith.cmpi eq, %iota3A, %eq3A_276 : vector<16xi32>
        %select_n3A_278 = arith.select %eq3A_277, %gather3A_240, %while3A_211 : vector<16xi1>, vector<16xi32>
        %add3A_279 = arith.constant 1 : i32
        %add3A_280 = arith.addi %while3A_208, %add3A_279 : i32
        %eq3A_281 = arith.constant 16 : i32
        %eq3A_282 = arith.cmpi eq, %add3A_280, %eq3A_281 : i32
        %convert_element_type3A_283 = arith.extui %eq3A_282 : i1 to i32
        %cond3A_284 = arith.constant 0 : i32
        %cond3A_285 = arith.cmpi ne, %convert_element_type3A_283, %cond3A_284 : i32
        %cond3A_286:4 = scf.if %cond3A_285 -> (i32, i32, i32, vector<16xi32>) {
          %mul3A_287 = arith.constant 16 : i32
          %mul3A_288 = arith.muli %while3A_209, %mul3A_287 : i32
          %multiple_of3A_289 = tpu.assume_multiple %mul3A_288, 16 : i32
          %eq3A_290 = arith.constant 0 : i32
          %eq3A_291 = arith.cmpi eq, %while3A_209, %eq3A_290 : i32
          %convert_element_type3A_292 = arith.extui %eq3A_291 : i1 to i32
          %cond3A_293 = arith.constant 0 : i32
          %cond3A_294 = arith.cmpi ne, %convert_element_type3A_292, %cond3A_293 : i32
          scf.if %cond3A_294 {
            %dma_start3A = arith.constant 0 : i32
            %dma_start3A_323 = tpu.memref_slice %arg13[%multiple_of3A_289, %dma_start3A] : memref<32x128xf32, #tpu.memory_space<vmem>> -> memref<16x128xf32, #tpu.memory_space<vmem>>
            %dma_start3A_324 = arith.constant 0 : i32
            %dma_start3A_325 = arith.constant 0 : i32
            %dma_start3A_326 = tpu.memref_slice %arg5[%dma_start3A_324, %dma_start3A_325] : memref<16400x128xf32, #tpu.memory_space<hbm>> -> memref<16400x128xf32, #tpu.memory_space<hbm>>
            tpu.enqueue_indirect_dma source(%dma_start3A_323 : memref<16x128xf32, #tpu.memory_space<vmem>>) target(%dma_start3A_326 : memref<16400x128xf32, #tpu.memory_space<hbm>>) offsets(%select_n3A_278 : vector<16xi32>) semaphore(%arg18 : memref<!tpu.dma_semaphore, #tpu.memory_space<semaphore_mem>>)
          } else {
          }
          %eq3A_295 = arith.constant 1 : i32
          %eq3A_296 = arith.cmpi eq, %while3A_209, %eq3A_295 : i32
          %convert_element_type3A_297 = arith.extui %eq3A_296 : i1 to i32
          %cond3A_298 = arith.constant 0 : i32
          %cond3A_299 = arith.cmpi ne, %convert_element_type3A_297, %cond3A_298 : i32
          scf.if %cond3A_299 {
            %dma_start3A = arith.constant 0 : i32
            %dma_start3A_323 = tpu.memref_slice %arg13[%multiple_of3A_289, %dma_start3A] : memref<32x128xf32, #tpu.memory_space<vmem>> -> memref<16x128xf32, #tpu.memory_space<vmem>>
            %dma_start3A_324 = arith.constant 0 : i32
            %dma_start3A_325 = arith.constant 0 : i32
            %dma_start3A_326 = tpu.memref_slice %arg5[%dma_start3A_324, %dma_start3A_325] : memref<16400x128xf32, #tpu.memory_space<hbm>> -> memref<16400x128xf32, #tpu.memory_space<hbm>>
            tpu.enqueue_indirect_dma source(%dma_start3A_323 : memref<16x128xf32, #tpu.memory_space<vmem>>) target(%dma_start3A_326 : memref<16400x128xf32, #tpu.memory_space<hbm>>) offsets(%select_n3A_278 : vector<16xi32>) semaphore(%arg19 : memref<!tpu.dma_semaphore, #tpu.memory_space<semaphore_mem>>)
          } else {
          }
          %ge3A_300 = arith.constant 1 : i32
          %ge3A_301 = arith.cmpi sge, %while3A_210, %ge3A_300 : i32
          %eq3A_302 = arith.constant 1 : i32
          %eq3A_303 = arith.cmpi eq, %while3A_209, %eq3A_302 : i32
          %and3A_304 = arith.andi %ge3A_301, %eq3A_303 : i1
          %convert_element_type3A_305 = arith.extui %and3A_304 : i1 to i32
          %cond3A_306 = arith.constant 0 : i32
          %cond3A_307 = arith.cmpi ne, %convert_element_type3A_305, %cond3A_306 : i32
          scf.if %cond3A_307 {
            %dma_wait3A = arith.constant 0 : i32
            %dma_wait3A_323 = arith.constant 0 : i32
            %dma_wait3A_324 = tpu.memref_slice %arg13[%dma_wait3A, %dma_wait3A_323] : memref<32x128xf32, #tpu.memory_space<vmem>> -> memref<16x128xf32, #tpu.memory_space<vmem>>
            %dma_wait3A_325 = arith.constant 0 : i32
            %dma_wait3A_326 = arith.constant 0 : i32
            %dma_wait3A_327 = tpu.memref_slice %arg5[%dma_wait3A_325, %dma_wait3A_326] : memref<16400x128xf32, #tpu.memory_space<hbm>> -> memref<16x128xf32, #tpu.memory_space<hbm>>
            %dma_wait3A_328 = arith.constant 0 : i32
            %dma_wait3A_329 = arith.constant 0 : i32
            %dma_wait3A_330 = tpu.memref_slice %arg13[%dma_wait3A_328, %dma_wait3A_329] : memref<32x128xf32, #tpu.memory_space<vmem>> -> memref<16x128xf32, #tpu.memory_space<vmem>>
            %dma_wait3A_331 = arith.constant 0 : i32
            %dma_wait3A_332 = arith.constant 0 : i32
            %dma_wait3A_333 = tpu.memref_slice %arg5[%dma_wait3A_331, %dma_wait3A_332] : memref<16400x128xf32, #tpu.memory_space<hbm>> -> memref<16x128xf32, #tpu.memory_space<hbm>>
            tpu.wait_dma2 semaphore(%arg18 : memref<!tpu.dma_semaphore, #tpu.memory_space<semaphore_mem>>) src(%dma_wait3A_333 : memref<16x128xf32, #tpu.memory_space<hbm>>) dst(%dma_wait3A_330 : memref<16x128xf32, #tpu.memory_space<vmem>>)
          } else {
          }
          %ge3A_308 = arith.constant 1 : i32
          %ge3A_309 = arith.cmpi sge, %while3A_210, %ge3A_308 : i32
          %eq3A_310 = arith.constant 0 : i32
          %eq3A_311 = arith.cmpi eq, %while3A_209, %eq3A_310 : i32
          %and3A_312 = arith.andi %ge3A_309, %eq3A_311 : i1
          %convert_element_type3A_313 = arith.extui %and3A_312 : i1 to i32
          %cond3A_314 = arith.constant 0 : i32
          %cond3A_315 = arith.cmpi ne, %convert_element_type3A_313, %cond3A_314 : i32
          scf.if %cond3A_315 {
            %dma_wait3A = arith.constant 0 : i32
            %dma_wait3A_323 = arith.constant 0 : i32
            %dma_wait3A_324 = tpu.memref_slice %arg13[%dma_wait3A, %dma_wait3A_323] : memref<32x128xf32, #tpu.memory_space<vmem>> -> memref<16x128xf32, #tpu.memory_space<vmem>>
            %dma_wait3A_325 = arith.constant 0 : i32
            %dma_wait3A_326 = arith.constant 0 : i32
            %dma_wait3A_327 = tpu.memref_slice %arg5[%dma_wait3A_325, %dma_wait3A_326] : memref<16400x128xf32, #tpu.memory_space<hbm>> -> memref<16x128xf32, #tpu.memory_space<hbm>>
            %dma_wait3A_328 = arith.constant 0 : i32
            %dma_wait3A_329 = arith.constant 0 : i32
            %dma_wait3A_330 = tpu.memref_slice %arg13[%dma_wait3A_328, %dma_wait3A_329] : memref<32x128xf32, #tpu.memory_space<vmem>> -> memref<16x128xf32, #tpu.memory_space<vmem>>
            %dma_wait3A_331 = arith.constant 0 : i32
            %dma_wait3A_332 = arith.constant 0 : i32
            %dma_wait3A_333 = tpu.memref_slice %arg5[%dma_wait3A_331, %dma_wait3A_332] : memref<16400x128xf32, #tpu.memory_space<hbm>> -> memref<16x128xf32, #tpu.memory_space<hbm>>
            tpu.wait_dma2 semaphore(%arg19 : memref<!tpu.dma_semaphore, #tpu.memory_space<semaphore_mem>>) src(%dma_wait3A_333 : memref<16x128xf32, #tpu.memory_space<hbm>>) dst(%dma_wait3A_330 : memref<16x128xf32, #tpu.memory_space<vmem>>)
          } else {
          }
          %sub3A_316 = arith.constant 1 : i32
          %sub3A_317 = arith.subi %sub3A_316, %while3A_209 : i32
          %add3A_318 = arith.constant 16384 : i32
          %add3A_319 = vector.broadcast %add3A_318 : i32 to vector<16xi32>
          %add3A_320 = arith.addi %add3A_319, %iota3A : vector<16xi32>
          %cond3A_321 = arith.constant 0 : i32
          %cond3A_322 = arith.constant 1 : i32
          scf.yield %cond3A_321, %sub3A_317, %cond3A_322, %add3A_320 : i32, i32, i32, vector<16xi32>
        } else {
          %add3A_287 = arith.constant 1 : i32
          %add3A_288 = arith.addi %while3A_208, %add3A_287 : i32
          scf.yield %add3A_288, %while3A_209, %while3A_210, %select_n3A_278 : i32, i32, i32, vector<16xi32>
        }
        scf.yield %cond3A_286#0, %cond3A_286#1, %cond3A_286#2, %cond3A_286#3 : i32, i32, i32, vector<16xi32>
      }
      %while3A_205 = arith.constant 1 : i32
      %while3A_206:4 = scf.for %while3A_207 = %while3A_202 to %while3A_198 step %while3A_205 iter_args(%while3A_208 = %while3A_204#0, %while3A_209 = %while3A_204#1, %while3A_210 = %while3A_204#2, %while3A_211 = %while3A_204#3) -> (i32, i32, i32, vector<16xi32>)  : i32 {
        %div3A_212 = arith.constant 16 : i32
        %div3A_213 = arith.divsi %while3A_207, %div3A_212 : i32
        %mul3A_214 = arith.constant 16 : i32
        %mul3A_215 = arith.muli %div3A_213, %mul3A_214 : i32
        %multiple_of3A_216 = tpu.assume_multiple %mul3A_215, 16 : i32
        %rem3A_217 = arith.constant 16 : i32
        %rem3A_218 = arith.remsi %while3A_207, %rem3A_217 : i32
        %broadcast_in_dim3A = vector.broadcast %rem3A_218 : i32 to vector<16xi32>
        %get3A = arith.index_cast %multiple_of3A_216 : i32 to index
        %get3A_219 = tpu.vector_load %arg9[%get3A] {strides = array<i32>} : memref<64xi32, #tpu.memory_space<vmem>>, vector<16xi32>,
        %get3A_220 = arith.index_cast %multiple_of3A_216 : i32 to index
        %get3A_221 = tpu.vector_load %arg10[%get3A_220] {strides = array<i32>} : memref<64xi32, #tpu.memory_space<vmem>>, vector<16xi32>,
        %lt3A_222 = arith.constant 0 : i32
        %lt3A_223 = vector.broadcast %lt3A_222 : i32 to vector<16xi32>
        %lt3A_224 = arith.cmpi slt, %broadcast_in_dim3A, %lt3A_223 : vector<16xi32>
        %add3A_225 = arith.constant 16 : i32
        %add3A_226 = vector.broadcast %add3A_225 : i32 to vector<16xi32>
        %add3A_227 = arith.addi %broadcast_in_dim3A, %add3A_226 : vector<16xi32>
        %select_n3A_228 = arith.select %lt3A_224, %add3A_227, %broadcast_in_dim3A : vector<16xi1>, vector<16xi32>
        %broadcast_in_dim3A_229 = vector.shape_cast %select_n3A_228 : vector<16xi32> to vector<16x1xi32>
        %gather3A = vector.shape_cast %broadcast_in_dim3A_229 : vector<16x1xi32> to vector<16xi32>
        %gather3A_230 = tpu.dynamic_gather %get3A_219[%gather3A] in [0] : vector<16xi32>, vector<16xi32> -> vector<16xi32>
        %lt3A_231 = arith.constant 0 : i32
        %lt3A_232 = vector.broadcast %lt3A_231 : i32 to vector<16xi32>
        %lt3A_233 = arith.cmpi slt, %broadcast_in_dim3A, %lt3A_232 : vector<16xi32>
        %add3A_234 = arith.constant 16 : i32
        %add3A_235 = vector.broadcast %add3A_234 : i32 to vector<16xi32>
        %add3A_236 = arith.addi %broadcast_in_dim3A, %add3A_235 : vector<16xi32>
        %select_n3A_237 = arith.select %lt3A_233, %add3A_236, %broadcast_in_dim3A : vector<16xi1>, vector<16xi32>
        %broadcast_in_dim3A_238 = vector.shape_cast %select_n3A_237 : vector<16xi32> to vector<16x1xi32>
        %gather3A_239 = vector.shape_cast %broadcast_in_dim3A_238 : vector<16x1xi32> to vector<16xi32>
        %gather3A_240 = tpu.dynamic_gather %get3A_221[%gather3A_239] in [0] : vector<16xi32>, vector<16xi32> -> vector<16xi32>
        %mul3A_241 = arith.constant 16 : i32
        %mul3A_242 = arith.muli %while3A_209, %mul3A_241 : i32
        %add3A_243 = arith.addi %mul3A_242, %while3A_208 : i32
        %broadcast_in_dim3A_244 = vector.broadcast %add3A_243 : i32 to vector<16xi32>
        %and3A_245 = arith.constant 127 : i32
        %and3A_246 = vector.broadcast %and3A_245 : i32 to vector<16xi32>
        %and3A_247 = arith.andi %gather3A_230, %and3A_246 : vector<16xi32>
        %add3A_248 = arith.constant 0 : i32
        %add3A_249 = vector.broadcast %add3A_248 : i32 to vector<16xi32>
        %add3A_250 = arith.addi %iota3A, %add3A_249 : vector<16xi32>
        %gather3A_251 = tpu.vector_load_idx %arg12[%add3A_250, %and3A_247] : memref<64x64xf32, #tpu.memory_space<vmem>>[vector<16xi32>, vector<16xi32>], vector<16xf32>,
        %add3A_252 = arith.constant 0 : i32
        %add3A_253 = vector.broadcast %add3A_252 : i32 to vector<16xi32>
        %add3A_254 = arith.addi %iota3A, %add3A_253 : vector<16xi32>
        tpu.vector_store_idx %arg13[%broadcast_in_dim3A_244, %add3A_254], %gather3A_251 : memref<32x128xf32, #tpu.memory_space<vmem>>[vector<16xi32>, vector<16xi32>], vector<16xf32>,
        %add3A_255 = arith.constant 16 : i32
        %add3A_256 = vector.broadcast %add3A_255 : i32 to vector<16xi32>
        %add3A_257 = arith.addi %iota3A, %add3A_256 : vector<16xi32>
        %gather3A_258 = tpu.vector_load_idx %arg12[%add3A_257, %and3A_247] : memref<64x64xf32, #tpu.memory_space<vmem>>[vector<16xi32>, vector<16xi32>], vector<16xf32>,
        %add3A_259 = arith.constant 16 : i32
        %add3A_260 = vector.broadcast %add3A_259 : i32 to vector<16xi32>
        %add3A_261 = arith.addi %iota3A, %add3A_260 : vector<16xi32>
        tpu.vector_store_idx %arg13[%broadcast_in_dim3A_244, %add3A_261], %gather3A_258 : memref<32x128xf32, #tpu.memory_space<vmem>>[vector<16xi32>, vector<16xi32>], vector<16xf32>,
        %add3A_262 = arith.constant 32 : i32
        %add3A_263 = vector.broadcast %add3A_262 : i32 to vector<16xi32>
        %add3A_264 = arith.addi %iota3A, %add3A_263 : vector<16xi32>
        %gather3A_265 = tpu.vector_load_idx %arg12[%add3A_264, %and3A_247] : memref<64x64xf32, #tpu.memory_space<vmem>>[vector<16xi32>, vector<16xi32>], vector<16xf32>,
        %add3A_266 = arith.constant 32 : i32
        %add3A_267 = vector.broadcast %add3A_266 : i32 to vector<16xi32>
        %add3A_268 = arith.addi %iota3A, %add3A_267 : vector<16xi32>
        tpu.vector_store_idx %arg13[%broadcast_in_dim3A_244, %add3A_268], %gather3A_265 : memref<32x128xf32, #tpu.memory_space<vmem>>[vector<16xi32>, vector<16xi32>], vector<16xf32>,
        %add3A_269 = arith.constant 48 : i32
        %add3A_270 = vector.broadcast %add3A_269 : i32 to vector<16xi32>
        %add3A_271 = arith.addi %iota3A, %add3A_270 : vector<16xi32>
        %gather3A_272 = tpu.vector_load_idx %arg12[%add3A_271, %and3A_247] : memref<64x64xf32, #tpu.memory_space<vmem>>[vector<16xi32>, vector<16xi32>], vector<16xf32>,
        %add3A_273 = arith.constant 48 : i32
        %add3A_274 = vector.broadcast %add3A_273 : i32 to vector<16xi32>
        %add3A_275 = arith.addi %iota3A, %add3A_274 : vector<16xi32>
        tpu.vector_store_idx %arg13[%broadcast_in_dim3A_244, %add3A_275], %gather3A_272 : memref<32x128xf32, #tpu.memory_space<vmem>>[vector<16xi32>, vector<16xi32>], vector<16xf32>,
        %eq3A_276 = vector.broadcast %while3A_208 : i32 to vector<16xi32>
        %eq3A_277 = arith.cmpi eq, %iota3A, %eq3A_276 : vector<16xi32>
        %select_n3A_278 = arith.select %eq3A_277, %gather3A_240, %while3A_211 : vector<16xi1>, vector<16xi32>
        %add3A_279 = arith.constant 1 : i32
        %add3A_280 = arith.addi %while3A_208, %add3A_279 : i32
        %eq3A_281 = arith.constant 16 : i32
        %eq3A_282 = arith.cmpi eq, %add3A_280, %eq3A_281 : i32
        %convert_element_type3A_283 = arith.extui %eq3A_282 : i1 to i32
        %cond3A_284 = arith.constant 0 : i32
        %cond3A_285 = arith.cmpi ne, %convert_element_type3A_283, %cond3A_284 : i32
        %cond3A_286:4 = scf.if %cond3A_285 -> (i32, i32, i32, vector<16xi32>) {
          %mul3A_287 = arith.constant 16 : i32
          %mul3A_288 = arith.muli %while3A_209, %mul3A_287 : i32
          %multiple_of3A_289 = tpu.assume_multiple %mul3A_288, 16 : i32
          %eq3A_290 = arith.constant 0 : i32
          %eq3A_291 = arith.cmpi eq, %while3A_209, %eq3A_290 : i32
          %convert_element_type3A_292 = arith.extui %eq3A_291 : i1 to i32
          %cond3A_293 = arith.constant 0 : i32
          %cond3A_294 = arith.cmpi ne, %convert_element_type3A_292, %cond3A_293 : i32
          scf.if %cond3A_294 {
            %dma_start3A = arith.constant 0 : i32
            %dma_start3A_323 = tpu.memref_slice %arg13[%multiple_of3A_289, %dma_start3A] : memref<32x128xf32, #tpu.memory_space<vmem>> -> memref<16x128xf32, #tpu.memory_space<vmem>>
            %dma_start3A_324 = arith.constant 0 : i32
            %dma_start3A_325 = arith.constant 0 : i32
            %dma_start3A_326 = tpu.memref_slice %arg5[%dma_start3A_324, %dma_start3A_325] : memref<16400x128xf32, #tpu.memory_space<hbm>> -> memref<16400x128xf32, #tpu.memory_space<hbm>>
            tpu.enqueue_indirect_dma source(%dma_start3A_323 : memref<16x128xf32, #tpu.memory_space<vmem>>) target(%dma_start3A_326 : memref<16400x128xf32, #tpu.memory_space<hbm>>) offsets(%select_n3A_278 : vector<16xi32>) semaphore(%arg18 : memref<!tpu.dma_semaphore, #tpu.memory_space<semaphore_mem>>)
          } else {
          }
          %eq3A_295 = arith.constant 1 : i32
          %eq3A_296 = arith.cmpi eq, %while3A_209, %eq3A_295 : i32
          %convert_element_type3A_297 = arith.extui %eq3A_296 : i1 to i32
          %cond3A_298 = arith.constant 0 : i32
          %cond3A_299 = arith.cmpi ne, %convert_element_type3A_297, %cond3A_298 : i32
          scf.if %cond3A_299 {
            %dma_start3A = arith.constant 0 : i32
            %dma_start3A_323 = tpu.memref_slice %arg13[%multiple_of3A_289, %dma_start3A] : memref<32x128xf32, #tpu.memory_space<vmem>> -> memref<16x128xf32, #tpu.memory_space<vmem>>
            %dma_start3A_324 = arith.constant 0 : i32
            %dma_start3A_325 = arith.constant 0 : i32
            %dma_start3A_326 = tpu.memref_slice %arg5[%dma_start3A_324, %dma_start3A_325] : memref<16400x128xf32, #tpu.memory_space<hbm>> -> memref<16400x128xf32, #tpu.memory_space<hbm>>
            tpu.enqueue_indirect_dma source(%dma_start3A_323 : memref<16x128xf32, #tpu.memory_space<vmem>>) target(%dma_start3A_326 : memref<16400x128xf32, #tpu.memory_space<hbm>>) offsets(%select_n3A_278 : vector<16xi32>) semaphore(%arg19 : memref<!tpu.dma_semaphore, #tpu.memory_space<semaphore_mem>>)
          } else {
          }
          %ge3A_300 = arith.constant 1 : i32
          %ge3A_301 = arith.cmpi sge, %while3A_210, %ge3A_300 : i32
          %eq3A_302 = arith.constant 1 : i32
          %eq3A_303 = arith.cmpi eq, %while3A_209, %eq3A_302 : i32
          %and3A_304 = arith.andi %ge3A_301, %eq3A_303 : i1
          %convert_element_type3A_305 = arith.extui %and3A_304 : i1 to i32
          %cond3A_306 = arith.constant 0 : i32
          %cond3A_307 = arith.cmpi ne, %convert_element_type3A_305, %cond3A_306 : i32
          scf.if %cond3A_307 {
            %dma_wait3A = arith.constant 0 : i32
            %dma_wait3A_323 = arith.constant 0 : i32
            %dma_wait3A_324 = tpu.memref_slice %arg13[%dma_wait3A, %dma_wait3A_323] : memref<32x128xf32, #tpu.memory_space<vmem>> -> memref<16x128xf32, #tpu.memory_space<vmem>>
            %dma_wait3A_325 = arith.constant 0 : i32
            %dma_wait3A_326 = arith.constant 0 : i32
            %dma_wait3A_327 = tpu.memref_slice %arg5[%dma_wait3A_325, %dma_wait3A_326] : memref<16400x128xf32, #tpu.memory_space<hbm>> -> memref<16x128xf32, #tpu.memory_space<hbm>>
            %dma_wait3A_328 = arith.constant 0 : i32
            %dma_wait3A_329 = arith.constant 0 : i32
            %dma_wait3A_330 = tpu.memref_slice %arg13[%dma_wait3A_328, %dma_wait3A_329] : memref<32x128xf32, #tpu.memory_space<vmem>> -> memref<16x128xf32, #tpu.memory_space<vmem>>
            %dma_wait3A_331 = arith.constant 0 : i32
            %dma_wait3A_332 = arith.constant 0 : i32
            %dma_wait3A_333 = tpu.memref_slice %arg5[%dma_wait3A_331, %dma_wait3A_332] : memref<16400x128xf32, #tpu.memory_space<hbm>> -> memref<16x128xf32, #tpu.memory_space<hbm>>
            tpu.wait_dma2 semaphore(%arg18 : memref<!tpu.dma_semaphore, #tpu.memory_space<semaphore_mem>>) src(%dma_wait3A_333 : memref<16x128xf32, #tpu.memory_space<hbm>>) dst(%dma_wait3A_330 : memref<16x128xf32, #tpu.memory_space<vmem>>)
          } else {
          }
          %ge3A_308 = arith.constant 1 : i32
          %ge3A_309 = arith.cmpi sge, %while3A_210, %ge3A_308 : i32
          %eq3A_310 = arith.constant 0 : i32
          %eq3A_311 = arith.cmpi eq, %while3A_209, %eq3A_310 : i32
          %and3A_312 = arith.andi %ge3A_309, %eq3A_311 : i1
          %convert_element_type3A_313 = arith.extui %and3A_312 : i1 to i32
          %cond3A_314 = arith.constant 0 : i32
          %cond3A_315 = arith.cmpi ne, %convert_element_type3A_313, %cond3A_314 : i32
          scf.if %cond3A_315 {
            %dma_wait3A = arith.constant 0 : i32
            %dma_wait3A_323 = arith.constant 0 : i32
            %dma_wait3A_324 = tpu.memref_slice %arg13[%dma_wait3A, %dma_wait3A_323] : memref<32x128xf32, #tpu.memory_space<vmem>> -> memref<16x128xf32, #tpu.memory_space<vmem>>
            %dma_wait3A_325 = arith.constant 0 : i32
            %dma_wait3A_326 = arith.constant 0 : i32
            %dma_wait3A_327 = tpu.memref_slice %arg5[%dma_wait3A_325, %dma_wait3A_326] : memref<16400x128xf32, #tpu.memory_space<hbm>> -> memref<16x128xf32, #tpu.memory_space<hbm>>
            %dma_wait3A_328 = arith.constant 0 : i32
            %dma_wait3A_329 = arith.constant 0 : i32
            %dma_wait3A_330 = tpu.memref_slice %arg13[%dma_wait3A_328, %dma_wait3A_329] : memref<32x128xf32, #tpu.memory_space<vmem>> -> memref<16x128xf32, #tpu.memory_space<vmem>>
            %dma_wait3A_331 = arith.constant 0 : i32
            %dma_wait3A_332 = arith.constant 0 : i32
            %dma_wait3A_333 = tpu.memref_slice %arg5[%dma_wait3A_331, %dma_wait3A_332] : memref<16400x128xf32, #tpu.memory_space<hbm>> -> memref<16x128xf32, #tpu.memory_space<hbm>>
            tpu.wait_dma2 semaphore(%arg19 : memref<!tpu.dma_semaphore, #tpu.memory_space<semaphore_mem>>) src(%dma_wait3A_333 : memref<16x128xf32, #tpu.memory_space<hbm>>) dst(%dma_wait3A_330 : memref<16x128xf32, #tpu.memory_space<vmem>>)
          } else {
          }
          %sub3A_316 = arith.constant 1 : i32
          %sub3A_317 = arith.subi %sub3A_316, %while3A_209 : i32
          %add3A_318 = arith.constant 16384 : i32
          %add3A_319 = vector.broadcast %add3A_318 : i32 to vector<16xi32>
          %add3A_320 = arith.addi %add3A_319, %iota3A : vector<16xi32>
          %cond3A_321 = arith.constant 0 : i32
          %cond3A_322 = arith.constant 1 : i32
          scf.yield %cond3A_321, %sub3A_317, %cond3A_322, %add3A_320 : i32, i32, i32, vector<16xi32>
        } else {
          %add3A_287 = arith.constant 1 : i32
          %add3A_288 = arith.addi %while3A_208, %add3A_287 : i32
          scf.yield %add3A_288, %while3A_209, %while3A_210, %select_n3A_278 : i32, i32, i32, vector<16xi32>
        }
        scf.yield %cond3A_286#0, %cond3A_286#1, %cond3A_286#2, %cond3A_286#3 : i32, i32, i32, vector<16xi32>
      }
      scf.yield %while3A_206#0, %while3A_206#1, %while3A_206#2, %while3A_206#3 : i32, i32, i32, vector<16xi32>
    } else {
      scf.yield %while3A_129#0, %while3A_129#1, %while3A_129#2, %while3A_129#3 : i32, i32, i32, vector<16xi32>
    }
    %mul3A_134 = arith.constant 16 : i32
    %mul3A_135 = arith.muli %cond3A_133#1, %mul3A_134 : i32
    %multiple_of3A_136 = tpu.assume_multiple %mul3A_135, 16 : i32
    %eq3A_137 = arith.constant 0 : i32
    %eq3A_138 = arith.cmpi eq, %cond3A_133#1, %eq3A_137 : i32
    %convert_element_type3A_139 = arith.extui %eq3A_138 : i1 to i32
    %cond3A_140 = arith.constant 0 : i32
    %cond3A_141 = arith.cmpi ne, %convert_element_type3A_139, %cond3A_140 : i32
    scf.if %cond3A_141 {
      %dma_start3A = arith.constant 0 : i32
      %dma_start3A_161 = tpu.memref_slice %arg13[%multiple_of3A_136, %dma_start3A] : memref<32x128xf32, #tpu.memory_space<vmem>> -> memref<16x128xf32, #tpu.memory_space<vmem>>
      %dma_start3A_162 = arith.constant 0 : i32
      %dma_start3A_163 = arith.constant 0 : i32
      %dma_start3A_164 = tpu.memref_slice %arg5[%dma_start3A_162, %dma_start3A_163] : memref<16400x128xf32, #tpu.memory_space<hbm>> -> memref<16400x128xf32, #tpu.memory_space<hbm>>
      tpu.enqueue_indirect_dma source(%dma_start3A_161 : memref<16x128xf32, #tpu.memory_space<vmem>>) target(%dma_start3A_164 : memref<16400x128xf32, #tpu.memory_space<hbm>>) offsets(%cond3A_133#3 : vector<16xi32>) semaphore(%arg18 : memref<!tpu.dma_semaphore, #tpu.memory_space<semaphore_mem>>)
      %dma_wait3A = arith.constant 0 : i32
      %dma_wait3A_165 = arith.constant 0 : i32
      %dma_wait3A_166 = tpu.memref_slice %arg13[%dma_wait3A, %dma_wait3A_165] : memref<32x128xf32, #tpu.memory_space<vmem>> -> memref<16x128xf32, #tpu.memory_space<vmem>>
      %dma_wait3A_167 = arith.constant 0 : i32
      %dma_wait3A_168 = arith.constant 0 : i32
      %dma_wait3A_169 = tpu.memref_slice %arg5[%dma_wait3A_167, %dma_wait3A_168] : memref<16400x128xf32, #tpu.memory_space<hbm>> -> memref<16x128xf32, #tpu.memory_space<hbm>>
      %dma_wait3A_170 = arith.constant 0 : i32
      %dma_wait3A_171 = arith.constant 0 : i32
      %dma_wait3A_172 = tpu.memref_slice %arg13[%dma_wait3A_170, %dma_wait3A_171] : memref<32x128xf32, #tpu.memory_space<vmem>> -> memref<16x128xf32, #tpu.memory_space<vmem>>
      %dma_wait3A_173 = arith.constant 0 : i32
      %dma_wait3A_174 = arith.constant 0 : i32
      %dma_wait3A_175 = tpu.memref_slice %arg5[%dma_wait3A_173, %dma_wait3A_174] : memref<16400x128xf32, #tpu.memory_space<hbm>> -> memref<16x128xf32, #tpu.memory_space<hbm>>
      tpu.wait_dma2 semaphore(%arg18 : memref<!tpu.dma_semaphore, #tpu.memory_space<semaphore_mem>>) src(%dma_wait3A_175 : memref<16x128xf32, #tpu.memory_space<hbm>>) dst(%dma_wait3A_172 : memref<16x128xf32, #tpu.memory_space<vmem>>)
    } else {
    }
    %eq3A_142 = arith.constant 1 : i32
    %eq3A_143 = arith.cmpi eq, %cond3A_133#1, %eq3A_142 : i32
    %convert_element_type3A_144 = arith.extui %eq3A_143 : i1 to i32
    %cond3A_145 = arith.constant 0 : i32
    %cond3A_146 = arith.cmpi ne, %convert_element_type3A_144, %cond3A_145 : i32
    scf.if %cond3A_146 {
      %dma_start3A = arith.constant 0 : i32
      %dma_start3A_161 = tpu.memref_slice %arg13[%multiple_of3A_136, %dma_start3A] : memref<32x128xf32, #tpu.memory_space<vmem>> -> memref<16x128xf32, #tpu.memory_space<vmem>>
      %dma_start3A_162 = arith.constant 0 : i32
      %dma_start3A_163 = arith.constant 0 : i32
      %dma_start3A_164 = tpu.memref_slice %arg5[%dma_start3A_162, %dma_start3A_163] : memref<16400x128xf32, #tpu.memory_space<hbm>> -> memref<16400x128xf32, #tpu.memory_space<hbm>>
      tpu.enqueue_indirect_dma source(%dma_start3A_161 : memref<16x128xf32, #tpu.memory_space<vmem>>) target(%dma_start3A_164 : memref<16400x128xf32, #tpu.memory_space<hbm>>) offsets(%cond3A_133#3 : vector<16xi32>) semaphore(%arg19 : memref<!tpu.dma_semaphore, #tpu.memory_space<semaphore_mem>>)
      %dma_wait3A = arith.constant 0 : i32
      %dma_wait3A_165 = arith.constant 0 : i32
      %dma_wait3A_166 = tpu.memref_slice %arg13[%dma_wait3A, %dma_wait3A_165] : memref<32x128xf32, #tpu.memory_space<vmem>> -> memref<16x128xf32, #tpu.memory_space<vmem>>
      %dma_wait3A_167 = arith.constant 0 : i32
      %dma_wait3A_168 = arith.constant 0 : i32
      %dma_wait3A_169 = tpu.memref_slice %arg5[%dma_wait3A_167, %dma_wait3A_168] : memref<16400x128xf32, #tpu.memory_space<hbm>> -> memref<16x128xf32, #tpu.memory_space<hbm>>
      %dma_wait3A_170 = arith.constant 0 : i32
      %dma_wait3A_171 = arith.constant 0 : i32
      %dma_wait3A_172 = tpu.memref_slice %arg13[%dma_wait3A_170, %dma_wait3A_171] : memref<32x128xf32, #tpu.memory_space<vmem>> -> memref<16x128xf32, #tpu.memory_space<vmem>>
      %dma_wait3A_173 = arith.constant 0 : i32
      %dma_wait3A_174 = arith.constant 0 : i32
      %dma_wait3A_175 = tpu.memref_slice %arg5[%dma_wait3A_173, %dma_wait3A_174] : memref<16400x128xf32, #tpu.memory_space<hbm>> -> memref<16x128xf32, #tpu.memory_space<hbm>>
      tpu.wait_dma2 semaphore(%arg19 : memref<!tpu.dma_semaphore, #tpu.memory_space<semaphore_mem>>) src(%dma_wait3A_175 : memref<16x128xf32, #tpu.memory_space<hbm>>) dst(%dma_wait3A_172 : memref<16x128xf32, #tpu.memory_space<vmem>>)
    } else {
    }
    %ge3A = arith.constant 1 : i32
    %ge3A_147 = arith.cmpi sge, %cond3A_133#2, %ge3A : i32
    %eq3A_148 = arith.constant 1 : i32
    %eq3A_149 = arith.cmpi eq, %cond3A_133#1, %eq3A_148 : i32
    %and3A = arith.andi %ge3A_147, %eq3A_149 : i1
    %convert_element_type3A_150 = arith.extui %and3A : i1 to i32
    %cond3A_151 = arith.constant 0 : i32
    %cond3A_152 = arith.cmpi ne, %convert_element_type3A_150, %cond3A_151 : i32
    scf.if %cond3A_152 {
      %dma_wait3A = arith.constant 0 : i32
      %dma_wait3A_161 = arith.constant 0 : i32
      %dma_wait3A_162 = tpu.memref_slice %arg13[%dma_wait3A, %dma_wait3A_161] : memref<32x128xf32, #tpu.memory_space<vmem>> -> memref<16x128xf32, #tpu.memory_space<vmem>>
      %dma_wait3A_163 = arith.constant 0 : i32
      %dma_wait3A_164 = arith.constant 0 : i32
      %dma_wait3A_165 = tpu.memref_slice %arg5[%dma_wait3A_163, %dma_wait3A_164] : memref<16400x128xf32, #tpu.memory_space<hbm>> -> memref<16x128xf32, #tpu.memory_space<hbm>>
      %dma_wait3A_166 = arith.constant 0 : i32
      %dma_wait3A_167 = arith.constant 0 : i32
      %dma_wait3A_168 = tpu.memref_slice %arg13[%dma_wait3A_166, %dma_wait3A_167] : memref<32x128xf32, #tpu.memory_space<vmem>> -> memref<16x128xf32, #tpu.memory_space<vmem>>
      %dma_wait3A_169 = arith.constant 0 : i32
      %dma_wait3A_170 = arith.constant 0 : i32
      %dma_wait3A_171 = tpu.memref_slice %arg5[%dma_wait3A_169, %dma_wait3A_170] : memref<16400x128xf32, #tpu.memory_space<hbm>> -> memref<16x128xf32, #tpu.memory_space<hbm>>
      tpu.wait_dma2 semaphore(%arg18 : memref<!tpu.dma_semaphore, #tpu.memory_space<semaphore_mem>>) src(%dma_wait3A_171 : memref<16x128xf32, #tpu.memory_space<hbm>>) dst(%dma_wait3A_168 : memref<16x128xf32, #tpu.memory_space<vmem>>)
    } else {
    }
    %ge3A_153 = arith.constant 1 : i32
    %ge3A_154 = arith.cmpi sge, %cond3A_133#2, %ge3A_153 : i32
    %eq3A_155 = arith.constant 0 : i32
    %eq3A_156 = arith.cmpi eq, %cond3A_133#1, %eq3A_155 : i32
    %and3A_157 = arith.andi %ge3A_154, %eq3A_156 : i1
    %convert_element_type3A_158 = arith.extui %and3A_157 : i1 to i32
    %cond3A_159 = arith.constant 0 : i32
    %cond3A_160 = arith.cmpi ne, %convert_element_type3A_158, %cond3A_159 : i32
    scf.if %cond3A_160 {
      %dma_wait3A = arith.constant 0 : i32
      %dma_wait3A_161 = arith.constant 0 : i32
      %dma_wait3A_162 = tpu.memref_slice %arg13[%dma_wait3A, %dma_wait3A_161] : memref<32x128xf32, #tpu.memory_space<vmem>> -> memref<16x128xf32, #tpu.memory_space<vmem>>
      %dma_wait3A_163 = arith.constant 0 : i32
      %dma_wait3A_164 = arith.constant 0 : i32
      %dma_wait3A_165 = tpu.memref_slice %arg5[%dma_wait3A_163, %dma_wait3A_164] : memref<16400x128xf32, #tpu.memory_space<hbm>> -> memref<16x128xf32, #tpu.memory_space<hbm>>
      %dma_wait3A_166 = arith.constant 0 : i32
      %dma_wait3A_167 = arith.constant 0 : i32
      %dma_wait3A_168 = tpu.memref_slice %arg13[%dma_wait3A_166, %dma_wait3A_167] : memref<32x128xf32, #tpu.memory_space<vmem>> -> memref<16x128xf32, #tpu.memory_space<vmem>>
      %dma_wait3A_169 = arith.constant 0 : i32
      %dma_wait3A_170 = arith.constant 0 : i32
      %dma_wait3A_171 = tpu.memref_slice %arg5[%dma_wait3A_169, %dma_wait3A_170] : memref<16400x128xf32, #tpu.memory_space<hbm>> -> memref<16x128xf32, #tpu.memory_space<hbm>>
      tpu.wait_dma2 semaphore(%arg19 : memref<!tpu.dma_semaphore, #tpu.memory_space<semaphore_mem>>) src(%dma_wait3A_171 : memref<16x128xf32, #tpu.memory_space<hbm>>) dst(%dma_wait3A_168 : memref<16x128xf32, #tpu.memory_space<vmem>>)
    } else {
    }
    return
  }
}

module attributes {stable_mosaic.version = 14 : i64} {
  func.func @_dense_body(%arg0: i32, %arg1: memref<512x8xi32, #tpu.memory_space<vmem>>, %arg2: memref<512x128xf32, #tpu.memory_space<vmem>>, %arg3: memref<256x64xf32, #tpu.memory_space<vmem>>, %arg4: memref<8x64xf32, #tpu.memory_space<vmem>>, %arg5: memref<1x1xf32, #tpu.memory_space<smem>>, %arg6: memref<512x1xf32, #tpu.memory_space<vmem>>) attributes {dimension_semantics = [#tpu.dimension_semantics<arbitrary>], iteration_bounds = array<i64: 32>, scalar_prefetch = 0 : i64, scratch_operands = 0 : i64, tpu.core_type = #tpu.core_type<tc>, window_params = [{transform_indices = @transform_0, window_bounds = array<i64: 512, 8>}, {transform_indices = @transform_1, window_bounds = array<i64: 512, 128>}, {pipeline_mode = #tpu.pipeline_mode<synchronous>, transform_indices = @transform_2, window_bounds = array<i64: 256, 64>}, {pipeline_mode = #tpu.pipeline_mode<synchronous>, transform_indices = @transform_3, window_bounds = array<i64: 8, 64>}, {transform_indices = @transform_4, window_bounds = array<i64: 1, 1>}, {transform_indices = @transform_5, window_bounds = array<i64: 512, 1>}]} {
    %broadcast_in_dim3A = arith.constant 0.000000e+00 : f32
    %broadcast_in_dim3A_0 = vector.broadcast %broadcast_in_dim3A : f32 to vector<512x256xf32>
    %iota3A = tpu.iota {dimensions = array<i32: 1>} : vector<512x256xi32>
    %get3A = arith.constant 0 : index
    %get3A_1 = arith.constant 0 : index
    %get3A_2 = vector.load %arg1[%get3A, %get3A_1] : memref<512x8xi32, #tpu.memory_space<vmem>>, vector<512x1xi32>
    %eq3A = vector.broadcast %get3A_2 : vector<512x1xi32> to vector<512x256xi32>
    %eq3A_3 = arith.cmpi eq, %eq3A, %iota3A : vector<512x256xi32>
    %convert_element_type3A = arith.extui %eq3A_3 : vector<512x256xi1> to vector<512x256xi32>
    %convert_element_type3A_4 = arith.sitofp %convert_element_type3A : vector<512x256xi32> to vector<512x256xf32>
    %add3A = arith.addf %broadcast_in_dim3A_0, %convert_element_type3A_4 : vector<512x256xf32>
    %get3A_5 = arith.constant 0 : index
    %get3A_6 = arith.constant 1 : index
    %get3A_7 = vector.load %arg1[%get3A_5, %get3A_6] : memref<512x8xi32, #tpu.memory_space<vmem>>, vector<512x1xi32>
    %eq3A_8 = vector.broadcast %get3A_7 : vector<512x1xi32> to vector<512x256xi32>
    %eq3A_9 = arith.cmpi eq, %eq3A_8, %iota3A : vector<512x256xi32>
    %convert_element_type3A_10 = arith.extui %eq3A_9 : vector<512x256xi1> to vector<512x256xi32>
    %convert_element_type3A_11 = arith.sitofp %convert_element_type3A_10 : vector<512x256xi32> to vector<512x256xf32>
    %add3A_12 = arith.addf %add3A, %convert_element_type3A_11 : vector<512x256xf32>
    %get3A_13 = arith.constant 0 : index
    %get3A_14 = arith.constant 2 : index
    %get3A_15 = vector.load %arg1[%get3A_13, %get3A_14] : memref<512x8xi32, #tpu.memory_space<vmem>>, vector<512x1xi32>
    %eq3A_16 = vector.broadcast %get3A_15 : vector<512x1xi32> to vector<512x256xi32>
    %eq3A_17 = arith.cmpi eq, %eq3A_16, %iota3A : vector<512x256xi32>
    %convert_element_type3A_18 = arith.extui %eq3A_17 : vector<512x256xi1> to vector<512x256xi32>
    %convert_element_type3A_19 = arith.sitofp %convert_element_type3A_18 : vector<512x256xi32> to vector<512x256xf32>
    %add3A_20 = arith.addf %add3A_12, %convert_element_type3A_19 : vector<512x256xf32>
    %get3A_21 = arith.constant 0 : index
    %get3A_22 = arith.constant 3 : index
    %get3A_23 = vector.load %arg1[%get3A_21, %get3A_22] : memref<512x8xi32, #tpu.memory_space<vmem>>, vector<512x1xi32>
    %eq3A_24 = vector.broadcast %get3A_23 : vector<512x1xi32> to vector<512x256xi32>
    %eq3A_25 = arith.cmpi eq, %eq3A_24, %iota3A : vector<512x256xi32>
    %convert_element_type3A_26 = arith.extui %eq3A_25 : vector<512x256xi1> to vector<512x256xi32>
    %convert_element_type3A_27 = arith.sitofp %convert_element_type3A_26 : vector<512x256xi32> to vector<512x256xf32>
    %add3A_28 = arith.addf %add3A_20, %convert_element_type3A_27 : vector<512x256xf32>
    %get3A_29 = arith.constant 0 : index
    %get3A_30 = arith.constant 4 : index
    %get3A_31 = vector.load %arg1[%get3A_29, %get3A_30] : memref<512x8xi32, #tpu.memory_space<vmem>>, vector<512x1xi32>
    %eq3A_32 = vector.broadcast %get3A_31 : vector<512x1xi32> to vector<512x256xi32>
    %eq3A_33 = arith.cmpi eq, %eq3A_32, %iota3A : vector<512x256xi32>
    %convert_element_type3A_34 = arith.extui %eq3A_33 : vector<512x256xi1> to vector<512x256xi32>
    %convert_element_type3A_35 = arith.sitofp %convert_element_type3A_34 : vector<512x256xi32> to vector<512x256xf32>
    %add3A_36 = arith.addf %add3A_28, %convert_element_type3A_35 : vector<512x256xf32>
    %get3A_37 = arith.constant 0 : index
    %get3A_38 = arith.constant 5 : index
    %get3A_39 = vector.load %arg1[%get3A_37, %get3A_38] : memref<512x8xi32, #tpu.memory_space<vmem>>, vector<512x1xi32>
    %eq3A_40 = vector.broadcast %get3A_39 : vector<512x1xi32> to vector<512x256xi32>
    %eq3A_41 = arith.cmpi eq, %eq3A_40, %iota3A : vector<512x256xi32>
    %convert_element_type3A_42 = arith.extui %eq3A_41 : vector<512x256xi1> to vector<512x256xi32>
    %convert_element_type3A_43 = arith.sitofp %convert_element_type3A_42 : vector<512x256xi32> to vector<512x256xf32>
    %add3A_44 = arith.addf %add3A_36, %convert_element_type3A_43 : vector<512x256xf32>
    %get3A_45 = arith.constant 0 : index
    %get3A_46 = arith.constant 0 : index
    %get3A_47 = vector.load %arg3[%get3A_45, %get3A_46] : memref<256x64xf32, #tpu.memory_space<vmem>>, vector<256x64xf32>
    %dot_general3A = arith.constant dense<0.000000e+00> : vector<512x64xf32>
    %dot_general3A_48 = tpu.matmul %add3A_44, %get3A_47, %dot_general3A {dimension_numbers = #tpu.dot_dimension_numbers<[1], [0], [0], [1], [0, 0, 1, 1], [], []>, transpose_lhs_hint = false} : vector<512x256xf32>, vector<256x64xf32>, vector<512x64xf32> -> vector<512x64xf32>
    %get3A_49 = arith.constant 0 : index
    %get3A_50 = arith.constant 0 : index
    %get3A_51 = vector.load %arg2[%get3A_49, %get3A_50] : memref<512x128xf32, #tpu.memory_space<vmem>>, vector<512x64xf32>
    %mul3A = arith.mulf %dot_general3A_48, %get3A_51 : vector<512x64xf32>
    %get3A_52 = arith.constant 0 : index
    %get3A_53 = arith.constant 0 : index
    %get3A_54 = vector.load %arg4[%get3A_52, %get3A_53] : memref<8x64xf32, #tpu.memory_space<vmem>>, vector<1x64xf32>
    %mul3A_55 = vector.broadcast %get3A_54 : vector<1x64xf32> to vector<512x64xf32>
    %mul3A_56 = arith.mulf %mul3A, %mul3A_55 : vector<512x64xf32>
    %reduce_sum3A = arith.constant dense<0.000000e+00> : vector<512xf32>
    %reduce_sum3A_57 = vector.multi_reduction <add>, %mul3A_56, %reduce_sum3A [1] : vector<512x64xf32> to vector<512xf32>
    %broadcast_in_dim3A_58 = vector.shape_cast %reduce_sum3A_57 : vector<512xf32> to vector<512x1xf32>
    %get3A_59 = arith.constant 0 : index
    %get3A_60 = arith.constant 0 : index
    %get3A_61 = memref.load %arg5[%get3A_59, %get3A_60] : memref<1x1xf32, #tpu.memory_space<smem>>
    %add3A_62 = vector.broadcast %get3A_61 : f32 to vector<512x1xf32>
    %add3A_63 = arith.addf %broadcast_in_dim3A_58, %add3A_62 : vector<512x1xf32>
    %ge3A = arith.constant 0.000000e+00 : f32
    %ge3A_64 = vector.broadcast %ge3A : f32 to vector<512x1xf32>
    %ge3A_65 = arith.cmpf oge, %add3A_63, %ge3A_64 : vector<512x1xf32>
    %mul3A_66 = arith.constant 0.00999999977 : f32
    %mul3A_67 = vector.broadcast %mul3A_66 : f32 to vector<512x1xf32>
    %mul3A_68 = arith.mulf %mul3A_67, %add3A_63 : vector<512x1xf32>
    %select_n3A = arith.select %ge3A_65, %add3A_63, %mul3A_68 : vector<512x1xi1>, vector<512x1xf32>
    %swap3A = arith.constant 0 : index
    %swap3A_69 = arith.constant 0 : index
    %swap3A_70 = vector.load %arg6[%swap3A, %swap3A_69] : memref<512x1xf32, #tpu.memory_space<vmem>>, vector<512x1xf32>
    tpu.vector_store %arg6[%swap3A, %swap3A_69], %select_n3A {strides = array<i32>} : memref<512x1xf32, #tpu.memory_space<vmem>>, vector<512x1xf32>,
    return
  }
  func.func @transform_0(%arg0: i32) -> (i32, i32) {
    %c0_i32 = arith.constant 0 : i32
    %c0_i32_0 = arith.constant 0 : i32
    return %arg0, %c0_i32 : i32, i32
  }
  func.func @transform_1(%arg0: i32) -> (i32, i32) {
    %c0_i32 = arith.constant 0 : i32
    %c0_i32_0 = arith.constant 0 : i32
    return %arg0, %c0_i32 : i32, i32
  }
  func.func @transform_2(%arg0: i32) -> (i32, i32) {
    %c0_i32 = arith.constant 0 : i32
    %c0_i32_0 = arith.constant 0 : i32
    %c0_i32_1 = arith.constant 0 : i32
    return %c0_i32, %c0_i32_0 : i32, i32
  }
  func.func @transform_3(%arg0: i32) -> (i32, i32) {
    %c0_i32 = arith.constant 0 : i32
    %c0_i32_0 = arith.constant 0 : i32
    %c0_i32_1 = arith.constant 0 : i32
    return %c0_i32, %c0_i32_0 : i32, i32
  }
  func.func @transform_4(%arg0: i32) -> (i32, i32) {
    %c0_i32 = arith.constant 0 : i32
    %c0_i32_0 = arith.constant 0 : i32
    %c0_i32_1 = arith.constant 0 : i32
    return %c0_i32, %c0_i32_0 : i32, i32
  }
  func.func @transform_5(%arg0: i32) -> (i32, i32) {
    %c0_i32 = arith.constant 0 : i32
    %c0_i32_0 = arith.constant 0 : i32
    return %arg0, %c0_i32 : i32, i32
  }
}

</mosaic_0001>

<sc_bundles>
// kernel: kernel.4.cloned.1.call-start
scs
__scs_entry_jumppad:
0x0: {  	(pc) =	sbr.rel $0x88, $3  }
0x1: {  	(tag) =	ssettag $0x0;
	lr =	simm.s32 $0x1  }
0x2: {  	[smem:$0x3F91] =	sst lr;
	_ =	strace $0xD0000000  }
0x3: {  	_ = 	snop  }
0x4: {  	_ = 	snop  }
0x5: {  	_ = 	snop  }
0x6: {  	_ = 	snop  }
0x7: {  	_ = 	snop  }
__scs_overlays_trampoline_lowered:
0x8: {  	[smem:$0x3FA0] =	sst s0  }
0x9: {  	[smem:$0x3FA1] =	sst s1  }
0xa: {  	[smem:$0x3FA2] =	sst s2  }
0xb: {  	[smem:$0x3FA3] =	sst s3  }
0xc: {  	[smem:$0x3FA4] =	sst s4  }
0xd: {  	[smem:$0x3FA5] =	sst s5  }
0xe: {  	[smem:$0x3FA6] =	sst s6  }
0xf: {  	[smem:$0x3FA7] =	sst s7  }
0x10: {  	[smem:$0x3FA8] =	sst s8  }
0x11: {  	[smem:$0x3FA9] =	sst s9;
	s0 =	simm.s32 @!p0 $0x0  }
0x12: {  	s1 =	sld [smem:$0x3F8F];
	s0 =	simm.s32 @p0 $0x1  }
0x13: {  	[smem:$0x3FAA] =	sst s0;
	s0 =	simm.s32 @!p1 $0x0  }
0x14: {  	s2 =	sld [smem:$0x3F8E];
	s0 =	simm.s32 @p1 $0x1  }
0x15: {  	[smem:$0x3FAB] =	sst s0;
	s0 =	simm.s32 @!p2 $0x0  }
0x16: {  	s3 =	sld [smem:$0x3FDB];
	s0 =	simm.s32 @p2 $0x1  }
0x17: {  	s4 =	simm.s32 $0x1BF5;
	[smem:$0x3FAD] =	sst s0  }
0x18: {  	s0 =	sld [smem:$0x3F90];
	_ =	swait.ge [sflag:s4], $0x0  }
0x19: {  	s7 =	sld [smem:$0x3F91]  }
0x1a: {  	s8 =	sadd.s32 $0xFFFFE003, lr  }
0x1b: {  	s9 =	sadd.s32 $0xFFFFFEF7, lr;
	s5 =	simm.s32 $0xFFFFFFFF;
	p2 =	slt.u32 s8, $0xFFFFF086  }
0x1c: {  	p1 =	slt.u32 s9, $0xF7A;
	s5 =	simm.s32 @!p2 $0x0  }
0x1d: {  	s5 =	simm.s32 @p1 $0x1;
	p0 =	seq.s32 s7, s2  }
0x1e: {  	s7 =	smul.u32 @!p0 $0xF7A, s2;
	p2 =	seq.s32 @!p0 s5, $0x0  }
0x1f: {  	s9 =	smul.u32 $0xF7A, s1;
	s8 =	simm.s32 @!p0 $0x1BF5;
	p2 =	por !p2, p0  }
0x20: {  	[sflag:s8] =	ssyncset.s32 @!p0 $0xFFFFF086;
	s6 =	sadd.s32 @!p0 s3, s7;
	s7 =	simm.s32 @!p0 $0x108  }
0x21: {  	s3 =	sadd.s32 s3, s9;
	s6 =	sadd.s32 @!p0 $0x88, s6;
	s7 =	simm.s32 @p2 $0x1082  }
0x22: {  	[simem:s7], [sflag:s8] =	dma.local @!p0 [hbm:s6], $0xF7A  }
0x23: {  	s9 =	sor.u32 $0xD0000000, s2;
	s6 =	simm.s32 $0x108;
	_ =	swait.ge @!p0 [sflag:s8], $0x0  }
0x24: {  	s3 =	sadd.s32 $0x88, s3;
	s6 =	simm.s32 @!p1 $0x1082;
	[sflag:s4] =	ssyncset.s32 $0xFFFFF086  }
0x25: {  	[simem:s6], [sflag:s4] =	dma.local [hbm:s3], $0xF7A  }
0x26: {  	[smem:$0x3F91] =	sst s1;
	(tag) =	ssettag s2;
	_ =	strace s9  }
0x27: {  	s1 =	sld [smem:$0x3FA1]  }
0x28: {  	s2 =	sld [smem:$0x3FA2]  }
0x29: {  	s4 =	sld [smem:$0x3FA4]  }
0x2a: {  	p0 =	seq.s32 s5, $0x0;
	s5 =	sld [smem:$0x3FA5]  }
0x2b: {  	s6 =	sld [smem:$0x3FA6]  }
0x2c: {  	s7 =	sld [smem:$0x3FA7]  }
0x2d: {  	s3 =	simm.s32 $0x108;
	s8 =	sld [smem:$0x3FA8]  }
0x2e: {  	s3 =	simm.s32 @!p0 $0x1082;
	s9 =	sld [smem:$0x3FA9]  }
0x2f: {  	lr =	sadd.s32 s0, s3;
	s0 =	sld [smem:$0x3FA0]  }
0x30: {  	s3 =	sld [smem:$0x3FA3]  }
0x31: {  	[smem:$0x3FAC] =	sst s10  }
0x32: {  	s10 =	sld [smem:$0x3FAA];
	_ =	sdelay $0x3  }
0x33: {  	p0 =	seq.s32 s10, $0x1;
	s10 =	sld [smem:$0x3FAC];
	_ =	sdelay $0x3  }
0x34: {  	[smem:$0x3FAC] =	sst s10  }
0x35: {  	s10 =	sld [smem:$0x3FAB];
	_ =	sdelay $0x3  }
0x36: {  	p1 =	seq.s32 s10, $0x1;
	s10 =	sld [smem:$0x3FAC];
	_ =	sdelay $0x3  }
0x37: {  	[smem:$0x3FAC] =	sst s10  }
0x38: {  	s10 =	sld [smem:$0x3FAD]  }
0x39: {  	_ = 	snop;
	(pc) =	sbr.ind lr, $3  }
0x3a: {  	_ = 	snop  }
0x3b: {  	_ = 	snop  }
0x3c: {  	p2 =	seq.s32 s10, $0x1;
	s10 =	sld [smem:$0x3FAC]  }
0x3d: {  	_ =	shalt  }
0x3e: {  	_ =	shalt  }
0x3f: {  	_ =	shalt  }
0x40: {  	_ =	shalt  }
0x41: {  	_ =	shalt  }
0x42: {  	_ =	shalt  }
0x43: {  	_ =	shalt  }
0x44: {  	_ =	shalt  }
0x45: {  	_ =	shalt  }
0x46: {  	_ =	shalt  }
0x47: {  	_ =	shalt  }
0x48: {  	_ =	shalt  }
0x49: {  	_ =	shalt  }
0x4a: {  	_ =	shalt  }
0x4b: {  	_ =	shalt  }
0x4c: {  	_ =	shalt  }
0x4d: {  	_ =	shalt  }
0x4e: {  	_ =	shalt  }
0x4f: {  	_ =	shalt  }
0x50: {  	_ =	shalt  }
0x51: {  	_ =	shalt  }
0x52: {  	_ =	shalt  }
0x53: {  	_ =	shalt  }
0x54: {  	_ =	shalt  }
0x55: {  	_ =	shalt  }
0x56: {  	_ =	shalt  }
0x57: {  	_ =	shalt  }
0x58: {  	_ =	shalt  }
0x59: {  	_ =	shalt  }
0x5a: {  	_ =	shalt  }
0x5b: {  	_ =	shalt  }
0x5c: {  	_ =	shalt  }
0x5d: {  	_ =	shalt  }
0x5e: {  	_ =	shalt  }
0x5f: {  	_ =	shalt  }
0x60: {  	_ =	shalt  }
0x61: {  	_ =	shalt  }
0x62: {  	_ =	shalt  }
0x63: {  	_ =	shalt  }
0x64: {  	_ =	shalt  }
0x65: {  	_ =	shalt  }
0x66: {  	_ =	shalt  }
0x67: {  	_ =	shalt  }
0x68: {  	_ =	shalt  }
0x69: {  	_ =	shalt  }
0x6a: {  	_ =	shalt  }
0x6b: {  	_ =	shalt  }
0x6c: {  	_ =	shalt  }
0x6d: {  	_ =	shalt  }
0x6e: {  	_ =	shalt  }
0x6f: {  	_ =	shalt  }
0x70: {  	_ =	shalt  }
0x71: {  	_ =	shalt  }
0x72: {  	_ =	shalt  }
0x73: {  	_ =	shalt  }
0x74: {  	_ =	shalt  }
0x75: {  	_ =	shalt  }
0x76: {  	_ =	shalt  }
0x77: {  	_ =	shalt  }
0x78: {  	_ =	shalt  }
0x79: {  	_ =	shalt  }
0x7a: {  	_ =	shalt  }
0x7b: {  	_ =	shalt  }
0x7c: {  	_ =	shalt  }
0x7d: {  	_ =	shalt  }
0x7e: {  	_ =	shalt  }
0x7f: {  	_ =	shalt  }
0x80: {  	_ =	shalt  }
0x81: {  	_ =	shalt  }
0x82: {  	_ =	shalt  }
0x83: {  	_ =	shalt  }
0x84: {  	_ =	shalt  }
0x85: {  	_ =	shalt  }
0x86: {  	_ =	shalt  }
0x87: {  	_ =	shalt  }
.Lfunc_end0:
.L_simem_size_0:
called_computation_lowered:
.L_overlay_start_0:
0x88: {  	s2 =	sld [smem:$0x3FD9]  }
0x89: {  	s3 =	sld [smem:$0x3FFE];
	_ =	sdelay $0x1  }
0x8a: {  	s1 =	srdreg.scid  }
0x8b: {  	s0 =	sand.u32 $0x1, s1  }
0x8c: {  	s17 =	sshll.u32 s0, $0xA;
	s2 =	sadd.s32 s3, s2  }
0x8d: {  	s2 =	sadd.s32 s2, s17  }
0x8e: {  	[smem:$0x3FB8] =	sst s2  }
0x8f: {  	_ = 	snop  }
0x90: {  	s2 =	sld [smem:$0x3FC3]  }
0x91: {  	s18 =	sld [smem:$0x3FBC]  }
0x92: {  	s4 =	sld [smem:$0x3FD0];
	(tm) =	ssettm $0x1  }
0x93: {  	s5 =	sld [smem:$0x3FFB];
	_ =	sdelay $0x3  }
0x94: {  	_ =	strace s5  }
0x95: {  	s5 =	sld [smem:$0x3FFC];
	_ =	sdelay $0x3  }
0x96: {  	_ =	strace s5  }
0x97: {  	s5 =	sld [smem:$0x3FFD];
	_ =	sdelay $0x3  }
0x98: {  	_ =	strace s5  }
0x99: {  	_ =	strace $0x8FFFFFFF  }
0x9a: {  	s19 =	sld [smem:$0x3FDB];
	_ =	sdelay $0x1  }
0x9b: {  	s6 =	simm.s32 $_scs_section_size  }
0x9c: {  	s7 =	simm.s32 $_size__tile_overlayer_lowered;
	s8 =	simm.s32 $_tile_overlayer_lowered  }
0x9d: {  	s22 =	simm.s32 $0x1BFF;
	s21 =	sshll.u32 s8, $0x1;
	s5 =	sadd.s32 s6, s19  }
0x9e: {  	s9 =	simm.s32 $0x0;
	s20 =	sshll.u32 s7, $0x1;
	s7 =	sadd.s32 s21, s5  }
0x9f: {  	[timem:s9], [sflag:s22] =	dma.local [hbm:s7], s20  }
0xa0: {  	_ =	swait.ge [sflag:s22], s20  }
0xa1: {  	s6 =	ssub.s32 $0x0, s20;
	[sflag:s22] =	ssyncset.done $0x0  }
0xa2: {  	[sflag:s22] =	ssyncadd.s32 s6;
	_ =	sdelay $0x1  }
0xa3: {  	s23 =	simm.s32 $0x1B8B  }
0xa4: {  	_ =	swait.ge [sflag:s23], $0x1  }
0xa5: {  	[sflag:s23] =	ssyncset.done $0x0  }
0xa6: {  	s25 =	simm.s32 $0x1B8E;
	s24 =	sld [smem:$0x3FFE];
	[sflag:s23] =	ssyncadd.s32 $0xFFFFFFFF  }
0xa7: {  	s26 =	simm.s32 $execute0_lowered;
	[smem:$0x3FD2] =	sst s25  }
0xa8: {  	s7 =	sshll.u32 s26, $0x1;
	_ =	strace $0x80000046;
	[dreg:$0x1] =	wrdreg $0xFFFFFFFF  }
0xa9: {  	s28 =	simm.s32 $_size_execute0_lowered;
	s5 =	sadd.s32 s5, s7;
	[dreg:$0x0] =	wrdreg $0x0  }
0xaa: {  	s7 =	sshll.u32 s28, $0x1;
	[dreg:$0x2] =	wrdreg s5  }
0xab: {  	[dreg:$0x3] =	wrdreg s7  }
0xac: {  	[dreg:$0x4] =	wrdreg $0xC0  }
0xad: {  	_ =	task [dreg:s9], $0x5FFFF  }
0xae: {  	[dreg:$0x1] =	wrdreg $0xFFFFFFFF  }
0xaf: {  	[dreg:$0x0] =	wrdreg $0x60  }
0xb0: {  	[dreg:$0x2] =	wrdreg s2  }
0xb1: {  	[dreg:$0x3] =	wrdreg s18  }
0xb2: {  	[dreg:$0x4] =	wrdreg s4  }
0xb3: {  	[dreg:$0x5] =	wrdreg s24  }
0xb4: {  	[dreg:$0x6] =	wrdreg $0x9  }
0xb5: {  	_ =	task.clear_ibuf [dreg:s9], $0x7FFFF;
	_ =	strace $0x90000046  }
0xb6: {  	s29 =	simm.s32 $0x9;
	_ =	strace $0x80000048  }
0xb7: {  	_ =	swait.ge [sflag:s29], $0x1  }
0xb8: {  	[sflag:s29] =	ssyncadd.s32 $0xFFFFFFFF  }
0xb9: {  	_ =	strace $0x90000048  }
0xba: {  	_ =	sfence  }
0xbb: {  	s30 =	sld [smem:$0x0];
	_ =	sdelay $0x2  }
0xbc: {  	s31 =	sshll.u32 s1, $0xD;
	s1 =	sshrl.u32 s1, $0x2  }
0xbd: {  	s3 =	sand.u32 $0x4000, s31;
	s1 =	sadd.s32 s1, s30  }
0xbe: {  	s0 =	sor.u32 s3, s0;
	s1 =	sshll.u32 s1, $0x11  }
0xbf: {  	s0 =	sor.u32 s1, s0  }
0xc0: {  	s0 =	sadd.s32 $0x8F2B, s0  }
0xc1: {  	[sflag:s0] =	ssyncadd.remote.s32 $0x1  }
0xc2: {  	_ =	sfence.sel $0xFFFF  }
0xc3: {  	[dreg:$0x0] =	wrdreg $0xFFFFFFFF;
	(pc) =	sbr.abs _section_cstart, $3  }
0xc4: {  	[dreg:$0x1] =	wrdreg $0xFFFFFFFF  }
0xc5: {  	_ =	task.clear_ibuf [dreg:s9], $0x2FFFF;
	_ =	strace $0x9FFFFFFF  }
0xc6: {  	(tm) =	ssettm $0x7FFFFFFF  }
0xc7: {  	_ =	shalt  }
tec
execute0_lowered:
.L_overlay_start_1:
0x0: {  	(tag) =	ssettag $0x1  }
0x1: {  	v0 =	vimm.s32 $0x2380;
	vm15 =	vcmask $0x300  }
0x2: {  	vm14 =	vcmask $0x704;
	vm13 =	vcmask $0xB08;
	vm12 =	vcmask $0xF0C  }
0x3: {  	vm11 =	vcmask $0x1310;
	vm10 =	vcmask $0x1714;
	vm9 =	vcmask $0x1B18  }
0x4: {  	vm8 =	vcmask $0x1F1C;
	vm7 =	vcmask $0x2320;
	vm6 =	vcmask $0x2724  }
0x5: {  	vm0 =	vmmov $0xffff;
	vm5 =	vcmask $0x2B28;
	vm4 =	vcmask $0x2F2C  }
0x6: {  	vm3 =	vcmask $0x3330;
	vm2 =	vcmask $0x3734;
	vm1 =	vcmask $0x3B38  }
0x7: {  	v13 =	vimm.s32 $0x6380;
	v14 =	vimm.s32 $0xA380;
	v15 =	vimm.s32 $0xE380  }
0x8: {  	v0 =	vsel vm15, $0x0, v0;
	v13 =	vsel vm15, $0x4000, v13;
	v14 =	vsel vm15, $0x8000, v14  }
0x9: {  	s0 =	srdreg.scid;
	s4 =	stileid.u32;
	v15 =	vsel vm15, $0xC000, v15;
	v0 =	vsel vm14, $0x80, v0;
	v13 =	vsel vm14, $0x4080, v13  }
0xa: {  	s0 =	sand.u32 $0x1, s0;
	s1 =	sshll.u32 s4, $0x1;
	v14 =	vsel vm14, $0x8080, v14;
	v15 =	vsel vm14, $0xC080, v15;
	v1 =	vsel vm13, $0x100, v0  }
0xb: {  	s3 =	sor.u32 s0, s1;
	v13 =	vsel vm13, $0x4100, v13;
	v14 =	vsel vm13, $0x8100, v14;
	v15 =	vsel vm13, $0xC100, v15  }
0xc: {  	s2 =	smul.u32 $0x7A, s3;
	v2 =	vsel vm12, $0x180, v1;
	v13 =	vsel vm12, $0x4180, v13;
	v14 =	vsel vm12, $0x8180, v14  }
0xd: {  	s22 =	smin.u32 s3, $0x2;
	v15 =	vsel vm12, $0xC180, v15;
	v3 =	vsel vm11, $0x200, v2;
	v2 =	vimm.s32 $0x0  }
0xe: {  	s2 =	sadd.s32 s22, s2;
	v13 =	vsel vm11, $0x4200, v13;
	v14 =	vsel vm11, $0x8200, v14;
	v15 =	vsel vm11, $0xC200, v15  }
0xf: {  	p0 =	seq.s32 s4, $0x0;
	s1 =	simm.s32 $0x7B;
	s5 =	sshll.u32 s2, $0x8;
	v4 =	vsel vm10, $0x280, v3;
	v3 =	vlaneseq.u32;
	v13 =	vsel vm10, $0x4280, v13  }
0x10: {  	s1 =	simm.s32 @!p0 $0x7A;
	v14 =	vsel vm10, $0x8280, v14;
	v15 =	vsel vm10, $0xC280, v15;
	v0 =	vmov s5  }
0x11: {  	s4 =	sadd.s32 s1, s2;
	v5 =	vsel vm9, $0x300, v4;
	v4 =	vor.u32 $0x4000, v3;
	v11 =	vor.u32 $0x30, v3  }
0x12: {  	p0 =	sne.s32 s3, $0x1F;
	s3 =	sshll.u32 s4, $0x8;
	v13 =	vsel vm9, $0x4300, v13;
	v14 =	vsel vm9, $0x8300, v14;
	v15 =	vsel vm9, $0xC300, v15  }
0x13: {  	s23 =	rddreg [dreg:$0x3];
	s7 =	simm.s32 $0x0;
	s3 =	simm.s32 @!p0 $0xF4240;
	v6 =	vsel vm8, $0x380, v5;
	v5 =	vmul.u32 $0x80, v3;
	v13 =	vsel vm8, $0x4380, v13  }
0x14: {  	s11 =	simm.s32 $0x15100;
	s12 =	simm.s32 $0x5100;
	s0 =	ssub.s32 $0x2, s0;
	v14 =	vsel vm8, $0x8380, v14;
	v15 =	vsel vm8, $0xC380, v15;
	v1 =	vmov s3  }
0x15: {  	s16 =	simm.s32 $0x17900;
	s28 =	simm.s32 $0x0;
	s25 =	sshrl.u32 s0, $0x1;
	v6 =	vsel vm7, $0x2000, v6;
	v13 =	vsel vm7, $0x6000, v13;
	v14 =	vsel vm7, $0xA000, v14  }
0x16: {  	[smem:$0x7FF] =	sst s7;
	s9 =	sadd.s32 $0x1A00, s23;
	s0 =	ssub.s32 s0, s25;
	v15 =	vsel vm7, $0xE000, v15;
	v7 =	vsel vm6, $0x2080, v6;
	v6 =	vor.u32 $0x800, v5  }
0x17: {  	s25 =	simm.s32 $0x5080;
	s0 =	smax.u32 s0, $0x1;
	s4 =	rddreg [dreg:$0x1];
	v13 =	vsel vm6, $0x6080, v13;
	v14 =	vsel vm6, $0xA080, v14;
	v15 =	vsel vm6, $0xE080, v15  }
0x18: {  	_ =	strace $0x80000047;
	[dreg:$0xa] =	wrdreg s0;
	s5 =	sadd.s32 s4, s5;
	v8 =	vsel vm5, $0x2100, v7;
	v7 =	vor.u32 $0x10, v3;
	v13 =	vsel vm5, $0x6100, v13  }
0x19: {  	s22 =	simm.s32 $0x5000;
	s24 =	sadd.s32 $0xF4280, s5;
	[dreg:$0x5] =	wrdreg s5;
	v14 =	vsel vm5, $0xA100, v14;
	v15 =	vsel vm5, $0xE100, v15;
	v9 =	vsel vm4, $0x2180, v8  }
0x1a: {  	s0 =	simm.s32 $0x4000;
	s6 =	sadd.s32 $0x1E8500, s5;
	[dreg:$0x6] =	wrdreg s24;
	v8 =	vor.u32 $0x1000, v5;
	v13 =	vsel vm4, $0x6180, v13;
	v14 =	vsel vm4, $0xA180, v14  }
.Ltmp0:
0x1b: {  	s26 =	sadd.s32 $0x2DC780, s5;
	[dreg:$0x7] =	wrdreg s6;
	v15 =	vsel vm4, $0xE180, v15;
	v10 =	vsel vm3, $0x2200, v9;
	v9 =	vor.u32 $0x20, v3;
	(pc) =	sbr.rel .LBB2_1-.Ltmp0, $4  }
0x1c: {  	s10 =	sadd.s32 $0x200, s5;
	s29 =	sadd.s32 $0x3D0A00, s5;
	[dreg:$0x8] =	wrdreg s26;
	v13 =	vsel vm3, $0x6200, v13;
	v14 =	vsel vm3, $0xA200, v14;
	v15 =	vsel vm3, $0xE200, v15  }
0x1d: {  	s18 =	sadd.s32 $0x100, s5;
	s30 =	sadd.s32 $0x4C4C80, s5;
	[dreg:$0x9] =	wrdreg s29;
	v12 =	vsel vm2, $0x2280, v10;
	v10 =	vor.u32 $0x1800, v5;
	v13 =	vsel vm2, $0x6280, v13  }
0x1e: {  	s31 =	sadd.s32 $0x5B8F00, s5;
	s3 =	simm.s32 $0x4800;
	[dreg:$0xb] =	wrdreg s30;
	v14 =	vsel vm2, $0xA280, v14;
	v15 =	vsel vm2, $0xE280, v15;
	v12 =	vsel vm1, $0x2300, v12  }
0x1f: {  	s5 =	simm.s32 $0x17100;
	s24 =	simm.s32 $0x7;
	[dreg:$0xc] =	wrdreg s31;
	v13 =	vsel vm1, $0x6300, v13;
	v14 =	vsel vm1, $0xA300, v14;
	v15 =	vsel vm1, $0xE300, v15  }
.LBB2_42:
0x20: {  	_ =	sdelay $0x3  }
0x21: {  	[hbm4b:s9+s7] =	stream.indirect_vreg.scatter [tilespmem:s5], [sflag:$0x5], $0x80, v16, vm0, $0xb8;
	[tilespmem:$0x18100] =	vst v63  }
0x22: {  	p1 =	slt.s32 s29, $0x1  }
.Ltmp1:
0x23: {  	_ = 	snop;
	(pc) =	sbr.rel @p1 .LBB2_44-.Ltmp1, $4  }
0x24: {  	s6 =	simm.s32 $0x5  }
0x25: {  	_ =	swait.ge [sflag:s6], $0x800  }
0x26: {  	[sflag:s6] =	ssyncset.done $0x0  }
0x27: {  	[sflag:s6] =	ssyncadd.s32 $0xFFFFF800;
	s6 =	simm.s32 $0x6  }
.LBB2_43:
0x28: {  	_ =	swait.ge [sflag:s6], $0x800  }
0x29: {  	[sflag:s6] =	ssyncset.done $0x0  }
0x2a: {  	[sflag:s6] =	ssyncadd.s32 $0xFFFFF800  }
.LBB2_44:
0x2b: {  	s28 =	sadd.s32 $0x1, s28;
	s6 =	rddreg [dreg:$0xa]  }
0x2c: {  	p1 =	sne.s32 s28, s6  }
.Ltmp2:
0x2d: {  	_ = 	snop;
	(pc) =	sbr.rel @!p1 .LBB2_45-.Ltmp2, $1  }
0x2e: {  	_ =	sdelay $0x3  }
.LBB2_1:
0x2f: {  	s6 =	rddreg [dreg:$0x0]  }
0x30: {  	[tilespmem:s7], [sflag:$0x7] =	stream.linear.gather [hbm4b:s6+s7], $0x4000, $0x38;
	[tilespmem:$0x18100] =	vst v63  }
0x31: {  	_ =	swait.ge [sflag:s24], $0x4000  }
0x32: {  	[sflag:s24] =	ssyncset.done $0x0  }
0x33: {  	[sflag:s24] =	ssyncadd.s32 $0xFFFFC000  }
0x34: {  	s21 =	rddreg [dreg:$0x2]  }
0x35: {  	[tilespmem:s11], [sflag:$0x7] =	stream.linear.gather [hbm4b:s21+s7], $0x2000, $0x38;
	[tilespmem:$0x18100] =	vst v63  }
0x36: {  	_ =	swait.ge [sflag:s24], $0x2000  }
0x37: {  	[sflag:s24] =	ssyncset.done $0x0  }
0x38: {  	s23 =	rddreg [dreg:$0x5];
	[sflag:s24] =	ssyncadd.s32 $0xFFFFE000  }
0x39: {  	[tilespmem:s12], [sflag:$0x1] =	stream.linear.gather [hbm4b:s23+s7], $0x800, $0x38;
	[tilespmem:$0x18100] =	vst v63  }
0x3a: {  	s13 =	simm.s32 $0x7100;
	s8 =	rddreg [dreg:$0x6]  }
0x3b: {  	[tilespmem:s13], [sflag:$0x1] =	stream.linear.gather [hbm4b:s8+s7], $0x800, $0x38;
	[tilespmem:$0x18100] =	vst v63  }
0x3c: {  	s29 =	simm.s32 $0x9100;
	s26 =	rddreg [dreg:$0x7]  }
0x3d: {  	[tilespmem:s29], [sflag:$0x1] =	stream.linear.gather [hbm4b:s26+s7], $0x800, $0x38;
	[tilespmem:$0x18100] =	vst v63  }
0x3e: {  	s31 =	simm.s32 $0xB100;
	s30 =	rddreg [dreg:$0x8]  }
0x3f: {  	[tilespmem:s31], [sflag:$0x1] =	stream.linear.gather [hbm4b:s30+s7], $0x800, $0x38;
	[tilespmem:$0x18100] =	vst v63  }
0x40: {  	s14 =	simm.s32 $0xD100;
	s13 =	rddreg [dreg:$0x9]  }
0x41: {  	[tilespmem:s14], [sflag:$0x1] =	stream.linear.gather [hbm4b:s13+s7], $0x800, $0x38;
	[tilespmem:$0x18100] =	vst v63  }
0x42: {  	s17 =	simm.s32 $0xF100;
	s15 =	rddreg [dreg:$0xb]  }
0x43: {  	[tilespmem:s17], [sflag:$0x1] =	stream.linear.gather [hbm4b:s15+s7], $0x800, $0x38;
	[tilespmem:$0x18100] =	vst v63  }
0x44: {  	s20 =	simm.s32 $0x11100;
	s19 =	rddreg [dreg:$0xc]  }
0x45: {  	[tilespmem:s20], [sflag:$0x1] =	stream.linear.gather [hbm4b:s19+s7], $0x800, $0x38;
	[tilespmem:$0x18100] =	vst v63  }
0x46: {  	s21 =	simm.s32 $0x13100;
	s6 =	sadd.s32 $0x6AD180, s23  }
0x47: {  	[tilespmem:s21], [sflag:$0x1] =	stream.linear.gather [hbm4b:s6+s7], $0x800, $0x38;
	[tilespmem:$0x18100] =	vst v63  }
0x48: {  	s23 =	simm.s32 $0x5900  }
0x49: {  	[tilespmem:s23], [sflag:$0x2] =	stream.linear.gather [hbm4b:s18+s7], $0x800, $0x38;
	[tilespmem:$0x18100] =	vst v63  }
0x4a: {  	s26 =	sadd.s32 $0xF4280, s18;
	s29 =	simm.s32 $0x7900  }
0x4b: {  	[tilespmem:s29], [sflag:$0x2] =	stream.linear.gather [hbm4b:s26+s7], $0x800, $0x38;
	[tilespmem:$0x18100] =	vst v63  }
0x4c: {  	s30 =	sadd.s32 $0x1E8500, s18;
	s31 =	simm.s32 $0x9900  }
0x4d: {  	[tilespmem:s31], [sflag:$0x2] =	stream.linear.gather [hbm4b:s30+s7], $0x800, $0x38;
	[tilespmem:$0x18100] =	vst v63  }
0x4e: {  	s8 =	sadd.s32 $0x2DC780, s18;
	s13 =	simm.s32 $0xB900  }
0x4f: {  	[tilespmem:s13], [sflag:$0x2] =	stream.linear.gather [hbm4b:s8+s7], $0x800, $0x38;
	[tilespmem:$0x18100] =	vst v63  }
0x50: {  	s14 =	sadd.s32 $0x3D0A00, s18;
	s15 =	simm.s32 $0xD900  }
0x51: {  	[tilespmem:s15], [sflag:$0x2] =	stream.linear.gather [hbm4b:s14+s7], $0x800, $0x38;
	[tilespmem:$0x18100] =	vst v63  }
0x52: {  	s17 =	sadd.s32 $0x4C4C80, s18;
	s19 =	simm.s32 $0xF900  }
0x53: {  	[tilespmem:s19], [sflag:$0x2] =	stream.linear.gather [hbm4b:s17+s7], $0x800, $0x38;
	[tilespmem:$0x18100] =	vst v63  }
0x54: {  	s20 =	sadd.s32 $0x5B8F00, s18;
	s21 =	simm.s32 $0x11900  }
0x55: {  	[tilespmem:s21], [sflag:$0x2] =	stream.linear.gather [hbm4b:s20+s7], $0x800, $0x38;
	[tilespmem:$0x18100] =	vst v63  }
0x56: {  	s23 =	sadd.s32 $0x6AD180, s18;
	s26 =	simm.s32 $0x13900  }
0x57: {  	[tilespmem:s26], [sflag:$0x2] =	stream.linear.gather [hbm4b:s23+s7], $0x800, $0x38;
	[tilespmem:$0x18100] =	vst v63  }
0x58: {  	s29 =	simm.s32 $0x6100  }
0x59: {  	[tilespmem:s29], [sflag:$0x3] =	stream.linear.gather [hbm4b:s10+s7], $0x800, $0x38;
	[tilespmem:$0x18100] =	vst v63  }
0x5a: {  	s30 =	sadd.s32 $0xF4280, s10;
	s31 =	simm.s32 $0x8100  }
0x5b: {  	[tilespmem:s31], [sflag:$0x3] =	stream.linear.gather [hbm4b:s30+s7], $0x800, $0x38;
	[tilespmem:$0x18100] =	vst v63  }
0x5c: {  	s13 =	sadd.s32 $0x1E8500, s10;
	s14 =	simm.s32 $0xA100  }
0x5d: {  	[tilespmem:s14], [sflag:$0x3] =	stream.linear.gather [hbm4b:s13+s7], $0x800, $0x38;
	[tilespmem:$0x18100] =	vst v63  }
0x5e: {  	s15 =	sadd.s32 $0x2DC780, s10;
	s17 =	simm.s32 $0xC100  }
0x5f: {  	[tilespmem:s17], [sflag:$0x3] =	stream.linear.gather [hbm4b:s15+s7], $0x800, $0x38;
	[tilespmem:$0x18100] =	vst v63  }
0x60: {  	s19 =	sadd.s32 $0x3D0A00, s10;
	s20 =	simm.s32 $0xE100  }
0x61: {  	[tilespmem:s20], [sflag:$0x3] =	stream.linear.gather [hbm4b:s19+s7], $0x800, $0x38;
	[tilespmem:$0x18100] =	vst v63  }
0x62: {  	s21 =	sadd.s32 $0x4C4C80, s10;
	s23 =	simm.s32 $0x10100  }
0x63: {  	[tilespmem:s23], [sflag:$0x3] =	stream.linear.gather [hbm4b:s21+s7], $0x800, $0x38;
	[tilespmem:$0x18100] =	vst v63  }
0x64: {  	s26 =	sadd.s32 $0x5B8F00, s10;
	s29 =	simm.s32 $0x12100  }
0x65: {  	[tilespmem:s29], [sflag:$0x3] =	stream.linear.gather [hbm4b:s26+s7], $0x800, $0x38;
	[tilespmem:$0x18100] =	vst v63  }
0x66: {  	s30 =	sadd.s32 $0x6AD180, s10;
	s31 =	simm.s32 $0x14100  }
0x67: {  	[tilespmem:s31], [sflag:$0x3] =	stream.linear.gather [hbm4b:s30+s7], $0x800, $0x38;
	[tilespmem:$0x18100] =	vst v63  }
0x68: {  	v16 =	vld [tilespmem:s7+$0x0];
	_ =	sdelay $0x4  }
0x69: {  	vm1 =	vge.s32 v16, v0;
	vm2 =	vlt.s32 v16, v1  }
0x6a: {  	vm1 =	vmand vm1, vm2  }
0x6b: {  	v17 =	vsel vm1, $0x1, v2  }
0x6c: {  	(xrf0) =	vadd.scan.msk.s32 $0xffff, v17;
	_ =	sdelay $0x2  }
0x6d: {  	v17 =	vmov s7  }
0x6e: {  	v17 =	vadd.s32 $0xFFFFFFFF, v17  }
0x6f: {  	v17 =	vbroadcast v17, $0x0  }
0x70: {  	v18, _, _ =	vpop (xrf0)  }
0x71: {  	v17 =	vadd.s32 v18, v17;
	(v2sf) =	vpush v18, $0xF  }
0x72: {  	vm2 =	vlt.s32 v17, $0x7FF  }
0x73: {  	v17 =	vnsel vm2, $0x7FF, v17;
	_ =	sdelay $0x4  }
0x74: {  	[tilespmem:v17+s0+$0x0] =	vst.idx.msk vm1, v16;
	v16 =	vor.u32 s7, v3  }
0x75: {  	s13 =	simm.s32 $0x10;
	[tilespmem:v17+s3+$0x0] =	vst.idx.msk vm1, v16  }
0x76: {  	s6 =	simm.s32 $0x0;
	s14 =	simm.s32 $0x20;
	s15 =	simm.s32 $0x10;
	v16 =	vld [tilespmem:s13+$0x0]  }
.LBB2_2:
0x77: {  	p1 =	sne.s32 s14, $0x3FF0;
	_ =	sdelay $0x3  }
0x78: {  	vm1 =	vge.s32 v16, v0;
	vm2 =	vlt.s32 v16, v1  }
0x79: {  	vm1 =	vmand vm1, vm2;
	s17 =	spop (v2sf)  }
0x7a: {  	v17 =	vsel vm1, $0x1, v2;
	s6 =	sadd.s32 s6, s17  }
0x7b: {  	v18 =	vmov s6;
	(xrf0) =	vadd.scan.msk.s32 $0xffff, v17  }
0x7c: {  	v17 =	vadd.s32 $0xFFFFFFFF, v18  }
0x7d: {  	v17 =	vbroadcast v17, $0x0;
	_ =	sdelay $0x3  }
0x7e: {  	v18, _, _ =	vpop (xrf0)  }
0x7f: {  	v17 =	vadd.s32 v18, v17;
	(v2sf) =	vpush v18, $0xF  }
0x80: {  	vm2 =	vlt.s32 v17, $0x7FF  }
0x81: {  	v17 =	vnsel vm2, $0x7FF, v17;
	_ =	sdelay $0x2  }
.Ltmp3:
0x82: {  	(pc) =	sbr.rel @p1 .LBB2_2-.Ltmp3, $4  }
0x83: {  	_ = 	snop  }
0x84: {  	[tilespmem:v17+s0+$0x0] =	vst.idx.msk vm1, v16;
	v16 =	vor.u32 s13, v3;
	s13 =	smov.u32 s14  }
0x85: {  	s15 =	sadd.s32 $0x10, s15;
	[tilespmem:v17+s3+$0x0] =	vst.idx.msk vm1, v16  }
0x86: {  	s14 =	sadd.s32 $0x10, s14;
	v16 =	vld [tilespmem:s15+$0x0]  }
0x87: {  	_ =	sdelay $0x3  }
0x88: {  	vm1 =	vge.s32 v16, v0;
	vm2 =	vlt.s32 v16, v1  }
0x89: {  	vm1 =	vmand vm1, vm2  }
0x8a: {  	v17 =	vsel vm1, $0x1, v2  }
0x8b: {  	(xrf0) =	vadd.scan.msk.s32 $0xffff, v17;
	_ =	sdelay $0x5  }
0x8c: {  	v17, _, _ =	vpop (xrf0)  }
0x8d: {  	(v2sf) =	vpush v17, $0xF;
	_ =	sdelay $0x9  }
0x8e: {  	s14 =	spop (v2sf)  }
0x8f: {  	s6 =	sadd.s32 s6, s14  }
0x90: {  	v18 =	vmov s6  }
0x91: {  	v18 =	vadd.s32 $0xFFFFFFFF, v18  }
0x92: {  	v18 =	vbroadcast v18, $0x0  }
0x93: {  	s21 =	spop (v2sf)  }
0x94: {  	v17 =	vadd.s32 v17, v18;
	s14 =	sadd.s32 s6, s21  }
0x95: {  	vm2 =	vlt.s32 v17, $0x7FF;
	p1 =	slt.s32 s14, $0x800  }
0x96: {  	v17 =	vnsel vm2, $0x7FF, v17;
	p2 =	slt.s32 s14, $0xFFFFFFF2;
	s14 =	simm.s32 @!p1 $0x800  }
0x97: {  	s23 =	sadd.s32 $0xF, s14  }
0x98: {  	s15 =	sand.u32 $0xF, s23  }
0x99: {  	s17 =	sshra.s32 s23, $0x1F;
	p6 =	sne.s32 s15, $0x0  }
.Ltmp4:
0x9a: {  	s26 =	sshrl.u32 s17, $0x1C;
	p1 =	por !p2, !p6;
	(pc) =	sbr.rel .LBB2_4-.Ltmp4, $4  }
0x9b: {  	[tilespmem:v17+s0+$0x0] =	vst.idx.msk vm1, v16;
	v16 =	vor.u32 s13, v3;
	s15 =	simm.s32 $0x1;
	s6 =	sadd.s32 s26, s23;
	p1 =	por !p1, !p1  }
0x9c: {  	s6 =	sshra.s32 s6, $0x4;
	s15 =	simm.s32 @!p1 $0x0  }
0x9d: {  	s29 =	simm.s32 $0x0;
	s30 =	simm.s32 $0x0;
	s6 =	ssub.s32 s6, s15  }
0x9e: {  	s31 =	simm.s32 $0x0;
	[tilespmem:v17+s3+$0x0] =	vst.idx.msk vm1, v16;
	v16 =	vmov v4;
	v17 =	vmov s14;
	s14 =	simm.s32 $0x0;
	p1 =	slt.s32 s6, $0x1  }
.LBB2_18:
0x9f: {  	s14 =	sadd.s32 $0x1, s14  }
0xa0: {  	p2 =	sne.s32 s14, s1  }
.Ltmp5:
0xa1: {  	_ = 	snop;
	(pc) =	sbr.rel @!p2 .LBB2_19-.Ltmp5, $1  }
0xa2: {  	_ =	sdelay $0x3  }
.LBB2_4:
0xa3: {  	s13 =	sadd.s32 $0x3, s14  }
0xa4: {  	p2 =	sge.u32 s13, s1  }
.Ltmp6:
0xa5: {  	_ = 	snop;
	(pc) =	sbr.rel @p2 .LBB2_8-.Ltmp6, $1  }
0xa6: {  	_ =	sdelay $0x3  }
0xa7: {  	s15 =	sand.u32 $0x3, s13  }
0xa8: {  	p2 =	sgt.s32 s15, $0x1  }
.Ltmp7:
0xa9: {  	_ = 	snop;
	(pc) =	sbr.rel @p2 .LBB2_7-.Ltmp7, $4  }
0xaa: {  	s17 =	sadd.s32 s2, s13  }
0xab: {  	s26 =	sshll.u32 s17, $0x8  }
0xac: {  	s13 =	sand.u32 $0x1FFFFF00, s26  }
0xad: {  	s13 =	sadd.s32 s4, s13  }
0xae: {  	p2 =	seq.s32 s15, $0x0  }
0xaf: {  	s15 =	simm.s32 @p2 $0x0;
	s17 =	simm.s32 @p2 $0x5100  }
0xb0: {  	[tilespmem:s17], [sflag:$0x1] =	stream.linear.gather @p2 [hbm4b:s13+s15], $0x800, $0x38;
	[tilespmem:$0x18100] =	vst v63  }
0xb1: {  	s19 =	simm.s32 @p2 $0x7100;
	s17 =	sadd.s32 @p2 $0xF4280, s13  }
0xb2: {  	[tilespmem:s19], [sflag:$0x1] =	stream.linear.gather @p2 [hbm4b:s17+s15], $0x800, $0x38;
	[tilespmem:$0x18100] =	vst v63  }
0xb3: {  	s17 =	sadd.s32 @p2 $0x1E8500, s13;
	s19 =	simm.s32 @p2 $0x9100  }
0xb4: {  	[tilespmem:s19], [sflag:$0x1] =	stream.linear.gather @p2 [hbm4b:s17+s15], $0x800, $0x38;
	[tilespmem:$0x18100] =	vst v63  }
0xb5: {  	s17 =	sadd.s32 @p2 $0x2DC780, s13;
	s19 =	simm.s32 @p2 $0xB100  }
0xb6: {  	[tilespmem:s19], [sflag:$0x1] =	stream.linear.gather @p2 [hbm4b:s17+s15], $0x800, $0x38;
	[tilespmem:$0x18100] =	vst v63  }
0xb7: {  	s17 =	sadd.s32 @p2 $0x3D0A00, s13;
	s19 =	simm.s32 @p2 $0xD100  }
0xb8: {  	[tilespmem:s19], [sflag:$0x1] =	stream.linear.gather @p2 [hbm4b:s17+s15], $0x800, $0x38;
	[tilespmem:$0x18100] =	vst v63  }
0xb9: {  	s17 =	sadd.s32 @p2 $0x4C4C80, s13;
	s19 =	simm.s32 @p2 $0xF100  }
0xba: {  	[tilespmem:s19], [sflag:$0x1] =	stream.linear.gather @p2 [hbm4b:s17+s15], $0x800, $0x38;
	[tilespmem:$0x18100] =	vst v63  }
0xbb: {  	s17 =	sadd.s32 @p2 $0x5B8F00, s13;
	s19 =	simm.s32 @p2 $0x11100  }
0xbc: {  	[tilespmem:s19], [sflag:$0x1] =	stream.linear.gather @p2 [hbm4b:s17+s15], $0x800, $0x38;
	[tilespmem:$0x18100] =	vst v63  }
0xbd: {  	s17 =	sadd.s32 @p2 $0x6AD180, s13;
	s19 =	simm.s32 @p2 $0x13100  }
0xbe: {  	[tilespmem:s19], [sflag:$0x1] =	stream.linear.gather @p2 [hbm4b:s17+s15], $0x800, $0x38;
	[tilespmem:$0x18100] =	vst v63  }
0xbf: {  	s15 =	simm.s32 @!p2 $0x0;
	s17 =	simm.s32 @!p2 $0x5900  }
0xc0: {  	[tilespmem:s17], [sflag:$0x2] =	stream.linear.gather @!p2 [hbm4b:s13+s15], $0x800, $0x38;
	[tilespmem:$0x18100] =	vst v63  }
0xc1: {  	s19 =	simm.s32 @!p2 $0x7900;
	s17 =	sadd.s32 @!p2 $0xF4280, s13  }
0xc2: {  	[tilespmem:s19], [sflag:$0x2] =	stream.linear.gather @!p2 [hbm4b:s17+s15], $0x800, $0x38;
	[tilespmem:$0x18100] =	vst v63  }
0xc3: {  	s17 =	sadd.s32 @!p2 $0x1E8500, s13;
	s19 =	simm.s32 @!p2 $0x9900  }
0xc4: {  	[tilespmem:s19], [sflag:$0x2] =	stream.linear.gather @!p2 [hbm4b:s17+s15], $0x800, $0x38;
	[tilespmem:$0x18100] =	vst v63  }
0xc5: {  	s17 =	sadd.s32 @!p2 $0x2DC780, s13;
	s19 =	simm.s32 @!p2 $0xB900  }
0xc6: {  	[tilespmem:s19], [sflag:$0x2] =	stream.linear.gather @!p2 [hbm4b:s17+s15], $0x800, $0x38;
	[tilespmem:$0x18100] =	vst v63  }
0xc7: {  	s17 =	sadd.s32 @!p2 $0x3D0A00, s13;
	s19 =	simm.s32 @!p2 $0xD900  }
0xc8: {  	[tilespmem:s19], [sflag:$0x2] =	stream.linear.gather @!p2 [hbm4b:s17+s15], $0x800, $0x38;
	[tilespmem:$0x18100] =	vst v63  }
0xc9: {  	s17 =	sadd.s32 @!p2 $0x4C4C80, s13;
	s19 =	simm.s32 @!p2 $0xF900  }
0xca: {  	[tilespmem:s19], [sflag:$0x2] =	stream.linear.gather @!p2 [hbm4b:s17+s15], $0x800, $0x38;
	[tilespmem:$0x18100] =	vst v63  }
.Ltmp8:
0xcb: {  	_ = 	snop;
	(pc) =	sbr.rel .LBB2_8-.Ltmp8, $4  }
0xcc: {  	s17 =	sadd.s32 @!p2 $0x5B8F00, s13;
	s19 =	simm.s32 @!p2 $0x11900  }
0xcd: {  	[tilespmem:s19], [sflag:$0x2] =	stream.linear.gather @!p2 [hbm4b:s17+s15], $0x800, $0x38;
	[tilespmem:$0x18100] =	vst v63  }
0xce: {  	s13 =	sadd.s32 @!p2 $0x6AD180, s13;
	s17 =	simm.s32 @!p2 $0x13900  }
0xcf: {  	[tilespmem:s17], [sflag:$0x2] =	stream.linear.gather @!p2 [hbm4b:s13+s15], $0x800, $0x38;
	[tilespmem:$0x18100] =	vst v63  }
.LBB2_7:
0xd0: {  	p2 =	seq.s32 s15, $0x2  }
0xd1: {  	s17 =	sshll.u32 @p2 s15, $0xB  }
0xd2: {  	s20 =	simm.s32 @p2 $0x0;
	s19 =	sadd.s32 @p2 $0x5100, s17  }
0xd3: {  	[tilespmem:s19], [sflag:$0x3] =	stream.linear.gather @p2 [hbm4b:s13+s20], $0x800, $0x38;
	[tilespmem:$0x18100] =	vst v63  }
0xd4: {  	s21 =	sadd.s32 @p2 $0x7100, s17;
	s19 =	sadd.s32 @p2 $0xF4280, s13  }
0xd5: {  	[tilespmem:s21], [sflag:$0x3] =	stream.linear.gather @p2 [hbm4b:s19+s20], $0x800, $0x38;
	[tilespmem:$0x18100] =	vst v63  }
0xd6: {  	s19 =	sadd.s32 @p2 $0x1E8500, s13;
	s21 =	sadd.s32 @p2 $0x9100, s17  }
0xd7: {  	[tilespmem:s21], [sflag:$0x3] =	stream.linear.gather @p2 [hbm4b:s19+s20], $0x800, $0x38;
	[tilespmem:$0x18100] =	vst v63  }
0xd8: {  	s19 =	sadd.s32 @p2 $0x2DC780, s13;
	s21 =	sadd.s32 @p2 $0xB100, s17  }
0xd9: {  	[tilespmem:s21], [sflag:$0x3] =	stream.linear.gather @p2 [hbm4b:s19+s20], $0x800, $0x38;
	[tilespmem:$0x18100] =	vst v63  }
0xda: {  	s19 =	sadd.s32 @p2 $0x3D0A00, s13;
	s21 =	sadd.s32 @p2 $0xD100, s17  }
0xdb: {  	[tilespmem:s21], [sflag:$0x3] =	stream.linear.gather @p2 [hbm4b:s19+s20], $0x800, $0x38;
	[tilespmem:$0x18100] =	vst v63  }
0xdc: {  	s19 =	sadd.s32 @p2 $0x4C4C80, s13;
	s21 =	sadd.s32 @p2 $0xF100, s17  }
0xdd: {  	[tilespmem:s21], [sflag:$0x3] =	stream.linear.gather @p2 [hbm4b:s19+s20], $0x800, $0x38;
	[tilespmem:$0x18100] =	vst v63  }
0xde: {  	s19 =	sadd.s32 @p2 $0x5B8F00, s13;
	s21 =	sadd.s32 @p2 $0x11100, s17  }
0xdf: {  	[tilespmem:s21], [sflag:$0x3] =	stream.linear.gather @p2 [hbm4b:s19+s20], $0x800, $0x38;
	[tilespmem:$0x18100] =	vst v63  }
0xe0: {  	s15 =	sshll.u32 @!p2 s15, $0xB;
	s17 =	sadd.s32 @p2 $0x13100, s17;
	s19 =	sadd.s32 @p2 $0x6AD180, s13  }
0xe1: {  	[tilespmem:s17], [sflag:$0x3] =	stream.linear.gather @p2 [hbm4b:s19+s20], $0x800, $0x38;
	[tilespmem:$0x18100] =	vst v63  }
0xe2: {  	s17 =	sadd.s32 @!p2 $0x5100, s15;
	s19 =	simm.s32 @!p2 $0x0  }
0xe3: {  	[tilespmem:s17], [sflag:$0x4] =	stream.linear.gather @!p2 [hbm4b:s13+s19], $0x800, $0x38;
	[tilespmem:$0x18100] =	vst v63  }
0xe4: {  	s20 =	sadd.s32 @!p2 $0x7100, s15;
	s17 =	sadd.s32 @!p2 $0xF4280, s13  }
0xe5: {  	[tilespmem:s20], [sflag:$0x4] =	stream.linear.gather @!p2 [hbm4b:s17+s19], $0x800, $0x38;
	[tilespmem:$0x18100] =	vst v63  }
0xe6: {  	s17 =	sadd.s32 @!p2 $0x1E8500, s13;
	s20 =	sadd.s32 @!p2 $0x9100, s15  }
0xe7: {  	[tilespmem:s20], [sflag:$0x4] =	stream.linear.gather @!p2 [hbm4b:s17+s19], $0x800, $0x38;
	[tilespmem:$0x18100] =	vst v63  }
0xe8: {  	s17 =	sadd.s32 @!p2 $0x2DC780, s13;
	s20 =	sadd.s32 @!p2 $0xB100, s15  }
0xe9: {  	[tilespmem:s20], [sflag:$0x4] =	stream.linear.gather @!p2 [hbm4b:s17+s19], $0x800, $0x38;
	[tilespmem:$0x18100] =	vst v63  }
0xea: {  	s17 =	sadd.s32 @!p2 $0x3D0A00, s13;
	s20 =	sadd.s32 @!p2 $0xD100, s15  }
0xeb: {  	[tilespmem:s20], [sflag:$0x4] =	stream.linear.gather @!p2 [hbm4b:s17+s19], $0x800, $0x38;
	[tilespmem:$0x18100] =	vst v63  }
0xec: {  	s17 =	sadd.s32 @!p2 $0x4C4C80, s13;
	s20 =	sadd.s32 @!p2 $0xF100, s15  }
0xed: {  	[tilespmem:s20], [sflag:$0x4] =	stream.linear.gather @!p2 [hbm4b:s17+s19], $0x800, $0x38;
	[tilespmem:$0x18100] =	vst v63  }
0xee: {  	s17 =	sadd.s32 @!p2 $0x5B8F00, s13;
	s20 =	sadd.s32 @!p2 $0x11100, s15  }
0xef: {  	[tilespmem:s20], [sflag:$0x4] =	stream.linear.gather @!p2 [hbm4b:s17+s19], $0x800, $0x38;
	[tilespmem:$0x18100] =	vst v63  }
0xf0: {  	s13 =	sadd.s32 @!p2 $0x6AD180, s13;
	s15 =	sadd.s32 @!p2 $0x13100, s15  }
0xf1: {  	[tilespmem:s15], [sflag:$0x4] =	stream.linear.gather @!p2 [hbm4b:s13+s19], $0x800, $0x38;
	[tilespmem:$0x18100] =	vst v63  }
.LBB2_8:
0xf2: {  	s13 =	sand.u32 $0x3, s14  }
0xf3: {  	p2 =	sgt.s32 s13, $0x1  }
0xf4: {  	p3 =	seq.s32 @p2 s13, $0x2  }
0xf5: {  	p4 =	seq.s32 @!p2 s13, $0x0;
	p3 =	por !p3, !p2  }
0xf6: {  	s17 =	simm.s32 $0x1;
	p4 =	por !p4, p2;
	s15 =	simm.s32 @!p3 $0x3  }
.Ltmp9:
0xf7: {  	s17 =	simm.s32 @p4 $0x2;
	s15 =	simm.s32 @p3 $0x4;
	(pc) =	sbr.rel @p1 .LBB2_18-.Ltmp9, $4  }
0xf8: {  	s17 =	smov.u32 @p2 s15  }
0xf9: {  	_ =	swait.ge [sflag:s17], $0x4000  }
0xfa: {  	[sflag:s17] =	ssyncset.done $0x0  }
0xfb: {  	[sflag:s17] =	ssyncadd.s32 $0xFFFFC000  }
0xfc: {  	p3 =	seq.s32 s6, $0x1  }
.Ltmp10:
0xfd: {  	_ = 	snop;
	(pc) =	sbr.rel @p3 .LBB2_10-.Ltmp10, $3  }
0xfe: {  	_ =	sdelay $0x1  }
0xff: {  	s15 =	sadd.s32 s2, s14;
	s19 =	simm.s32 $0x4000;
	s17 =	simm.s32 $0x4800  }
0x100: {  	p2 =	por $0x0, $0x0;
	v18 =	vmov s15;
	s15 =	simm.s32 $0x0;
	v19 =	vld [tilespmem:s19+$0x0];
	s19 =	sadd.s32 $0xFFFFFFFF, s6  }
0x101: {  	_ =	sdelay $0x3  }
0x102: {  	v20 =	vor.u32 s15, v3;
	v21 =	vshrl.u32 v19, $0x8  }
0x103: {  	vm1 =	vlt.s32 v20, v17;
	vm2 =	veq.s32 v21, v18  }
0x104: {  	vm1 =	vmand vm1, vm2  }
0x105: {  	v20 =	vsel vm1, $0x1, v2  }
0x106: {  	(xrf0) =	vadd.scan.msk.s32 $0xffff, v20;
	_ =	sdelay $0x2  }
0x107: {  	v20 =	vmov s15  }
0x108: {  	v20 =	vadd.s32 $0xFFFFFFFF, v20  }
0x109: {  	v20 =	vbroadcast v20, $0x0  }
0x10a: {  	v63, _, _ =	vpop (xrf0)  }
0x10b: {  	v20 =	vadd.s32 v63, v20;
	(v2sf) =	vpush v63, $0xF  }
0x10c: {  	vm2 =	vlt.s32 v20, $0x3F  }
0x10d: {  	v20 =	vnsel vm2, $0x3F, v20  }
0x10e: {  	v22 =	vld [tilespmem:s17+$0x0]  }
0x10f: {  	p3 =	seq.s32 s19, $0x1  }
.Ltmp11:
0x110: {  	_ = 	snop;
	(pc) =	sbr.rel @p3 .LBB2_23-.Ltmp11, $4  }
0x111: {  	_ = 	snop  }
0x112: {  	[tilespmem:v20+s22+$0x0] =	vst.idx.msk vm1, v19  }
0x113: {  	s23 =	simm.s32 $0x4010;
	s26 =	sadd.s32 $0xFFFFFFFF, s19;
	p2 =	por $0x1, $0x1;
	[tilespmem:v20+s25+$0x0] =	vst.idx.msk vm1, v22  }
0x114: {  	s21 =	simm.s32 $0x0;
	s20 =	simm.s32 $0x0;
	s19 =	simm.s32 $0x4800;
	v19 =	vld [tilespmem:s23+$0x0]  }
.LBB2_24:
0x115: {  	p3 =	seq.s32 s26, $0x1;
	_ =	sdelay $0x2  }
0x116: {  	s21 =	sadd.s32 $0x10, s21  }
0x117: {  	v20 =	vor.u32 s21, v3;
	v21 =	vshrl.u32 v19, $0x8  }
0x118: {  	vm1 =	vlt.s32 v20, v17;
	vm2 =	veq.s32 v21, v18;
	s8 =	spop (v2sf)  }
0x119: {  	vm1 =	vmand vm1, vm2;
	s20 =	sadd.s32 s20, s8  }
0x11a: {  	v20 =	vsel vm1, $0x1, v2;
	v21 =	vmov s20  }
0x11b: {  	v21 =	vadd.s32 $0xFFFFFFFF, v21;
	(xrf0) =	vadd.scan.msk.s32 $0xffff, v20  }
0x11c: {  	v20 =	vbroadcast v21, $0x0;
	_ =	sdelay $0x4  }
0x11d: {  	v21, _, _ =	vpop (xrf0)  }
0x11e: {  	v20 =	vadd.s32 v21, v20;
	(v2sf) =	vpush v21, $0xF  }
0x11f: {  	vm2 =	vlt.s32 v20, $0x3F  }
0x120: {  	s19 =	sadd.s32 $0x10, s19;
	v20 =	vnsel vm2, $0x3F, v20  }
0x121: {  	v21 =	vld [tilespmem:s19+$0x0];
	_ =	sdelay $0x1  }
.Ltmp12:
0x122: {  	(pc) =	sbr.rel @!p3 .LBB2_24-.Ltmp12, $4  }
0x123: {  	_ = 	snop  }
0x124: {  	[tilespmem:v20+s22+$0x0] =	vst.idx.msk vm1, v19  }
0x125: {  	s23 =	sadd.s32 $0x10, s23;
	[tilespmem:v20+s25+$0x0] =	vst.idx.msk vm1, v21  }
0x126: {  	s26 =	sadd.s32 $0xFFFFFFFF, s26;
	v19 =	vld [tilespmem:s23+$0x0]  }
.LBB2_25:
0x127: {  	_ =	sdelay $0x1  }
0x128: {  	s8 =	sadd.s32 @p2 $0x10, s21;
	s21 =	simm.s32 $0x0  }
0x129: {  	s21 =	smov.u32 @p2 s8  }
0x12a: {  	v20 =	vor.u32 s21, v3;
	v21 =	vshrl.u32 v19, $0x8  }
0x12b: {  	vm1 =	vlt.s32 v20, v17;
	vm2 =	veq.s32 v21, v18  }
0x12c: {  	vm1 =	vmand vm1, vm2  }
0x12d: {  	v18 =	vsel vm1, $0x1, v2  }
0x12e: {  	(xrf0) =	vadd.scan.msk.s32 $0xffff, v18;
	_ =	sdelay $0x5  }
0x12f: {  	v18, _, _ =	vpop (xrf0)  }
0x130: {  	(v2sf) =	vpush v18, $0xF  }
0x131: {  	s8 =	spop @p2 (v2sf)  }
0x132: {  	s8 =	sadd.s32 @p2 s20, s8  }
0x133: {  	s15 =	smov.u32 @p2 s8  }
0x134: {  	v62 =	vmov s15  }
0x135: {  	v20 =	vadd.s32 $0xFFFFFFFF, v62  }
0x136: {  	v20 =	vbroadcast v20, $0x0;
	_ =	sdelay $0x1  }
0x137: {  	v18 =	vadd.s32 v18, v20  }
0x138: {  	s8 =	sadd.s32 @p2 $0x10, s19;
	vm2 =	vlt.s32 v18, $0x3F  }
0x139: {  	s17 =	smov.u32 @p2 s8;
	v18 =	vnsel vm2, $0x3F, v18  }
0x13a: {  	v63 =	vld [tilespmem:s17+$0x0];
	_ =	sdelay $0x3  }
0x13b: {  	[tilespmem:v18+s22+$0x0] =	vst.idx.msk vm1, v19;
	s26 =	spop (v2sf)  }
0x13c: {  	[tilespmem:v18+s25+$0x0] =	vst.idx.msk vm1, v63;
	s15 =	sadd.s32 s15, s26  }
0x13d: {  	p2 =	slt.s32 s15, $0x1  }
.Ltmp13:
0x13e: {  	_ = 	snop;
	(pc) =	sbr.rel @p2 .LBB2_18-.Ltmp13, $1  }
0x13f: {  	_ =	sdelay $0x3  }
.Ltmp14:
0x140: {  	(pc) =	sbr.rel .LBB2_13-.Ltmp14, $3  }
0x141: {  	_ =	sdelay $0x1  }
0x142: {  	s13 =	sshll.u32 s13, $0x8  }
0x143: {  	v18 =	vmov s13;
	s13 =	simm.s32 $0x0  }
.LBB2_16:
0x144: {  	s30 =	sxor.u32 $0x1, s30  }
.LBB2_17:
0x145: {  	s13 =	sadd.s32 $0x1, s13  }
0x146: {  	p3 =	sne.s32 s15, s13  }
.Ltmp15:
0x147: {  	_ = 	snop;
	(pc) =	sbr.rel @!p3 .LBB2_18-.Ltmp15, $3  }
0x148: {  	_ =	sdelay $0x1  }
0x149: {  	p2 =	seq.s32 s31, $0x10  }
0x14a: {  	s29 =	simm.s32 @p2 $0x1;
	s31 =	simm.s32 @p2 $0x0;
	v16 =	vpsel p2, v4, v16  }
.LBB2_13:
0x14b: {  	s8 =	sand.u32 $0x7FFFFFF0, s13  }
0x14c: {  	v19 =	vld [tilespmem:s8+$0x5000];
	_ =	sdelay $0x2  }
0x14d: {  	s17 =	sand.u32 $0xF, s13  }
0x14e: {  	v20 =	vmov s17  }
0x14f: {  	v19 =	vperm.xlane v19, v20;
	_ =	sdelay $0x1  }
0x150: {  	v21 =	vand.u32 $0x80, v19  }
0x151: {  	v21 =	vor.u32 v18, v21  }
0x152: {  	v19 =	vand.u32 $0x7F, v19;
	v21 =	vshll.u32 v21, $0x3  }
0x153: {  	v19 =	vor.u32 v19, v21  }
0x154: {  	v21 =	vor.u32 v12, v19;
	_ =	sdelay $0x1  }
0x155: {  	s26 =	sshll.u32 s30, $0x4  }
0x156: {  	s17 =	sadd.s32 s31, s26  }
0x157: {  	s17 =	sshll.u32 s17, $0x7  }
0x158: {  	v22 =	vor.u32 s17, v3;
	v21 =	vld.idx.msk [tilespmem:v21+s12+$0x0], $0xffff  }
0x159: {  	v23 =	vor.u32 v13, v19;
	_ =	sdelay $0x3  }
0x15a: {  	v24 =	vld [tilespmem:s8+$0x5080];
	[tilespmem:v22+s5+$0x0] =	vst.idx.msk $0xffff, v21  }
0x15b: {  	v59 =	vor.u32 s17, v7;
	v21 =	vld.idx.msk [tilespmem:v23+s12+$0x0], $0xffff  }
0x15c: {  	v60 =	vor.u32 v14, v19;
	_ =	sdelay $0x3  }
0x15d: {  	[tilespmem:v59+s5+$0x0] =	vst.idx.msk $0xffff, v21  }
0x15e: {  	v61 =	vor.u32 s17, v9;
	v21 =	vld.idx.msk [tilespmem:v60+s12+$0x0], $0xffff  }
0x15f: {  	v19 =	vor.u32 v15, v19;
	_ =	sdelay $0x3  }
0x160: {  	v63 =	vmov s31;
	s31 =	sadd.s32 $0x1, s31;
	[tilespmem:v61+s5+$0x0] =	vst.idx.msk $0xffff, v21  }
0x161: {  	p2 =	sne.s32 s31, $0x10;
	v62 =	vor.u32 s17, v11;
	v19 =	vld.idx.msk [tilespmem:v19+s12+$0x0], $0xffff  }
.Ltmp16:
0x162: {  	_ = 	snop;
	(pc) =	sbr.rel @p2 .LBB2_17-.Ltmp16, $4  }
0x163: {  	_ = 	snop  }
0x164: {  	v20 =	vperm.xlane v24, v20  }
0x165: {  	vm1 =	veq.s32 v63, v3  }
0x166: {  	v16 =	vsel vm1, v20, v16;
	[tilespmem:v62+s5+$0x0] =	vst.idx.msk $0xffff, v19  }
0x167: {  	_ =	sdelay $0x1  }
0x168: {  	p2 =	seq.s32 s29, $0x0  }
.Ltmp17:
0x169: {  	p3 =	seq.s32 s30, $0x0;
	(pc) =	sbr.rel @p2 .LBB2_16-.Ltmp17, $4  }
0x16a: {  	[hbm4b:s9+s7] =	stream.indirect_vreg.scatter @p3 [tilespmem:s5], [sflag:$0x5], $0x80, v16, vm0, $0xb8;
	[tilespmem:$0x18100] =	vst v63  }
0x16b: {  	s17 =	simm.s32 @p3 $0x6  }
0x16c: {  	s17 =	simm.s32 @!p3 $0x5  }
0x16d: {  	[hbm4b:s9+s7] =	stream.indirect_vreg.scatter @!p3 [tilespmem:s16], [sflag:$0x6], $0x80, v16, vm0, $0xb8;
	[tilespmem:$0x18100] =	vst v63  }
.Ltmp18:
0x16e: {  	(pc) =	sbr.rel .LBB2_16-.Ltmp18, $4  }
0x16f: {  	_ = 	snop  }
0x170: {  	_ =	swait.ge [sflag:s17], $0x800  }
0x171: {  	[sflag:s17] =	ssyncset.done $0x0  }
0x172: {  	[sflag:s17] =	ssyncadd.s32 $0xFFFFF800  }
.LBB2_10:
.Ltmp19:
0x173: {  	(pc) =	sbr.rel .LBB2_25-.Ltmp19, $2  }
0x174: {  	_ =	sdelay $0x2  }
0x175: {  	s21 =	simm.s32 $0x0;
	s20 =	simm.s32 $0x0;
	s19 =	simm.s32 $0x4800  }
.LBB2_23:
.Ltmp20:
0x176: {  	(pc) =	sbr.rel .LBB2_25-.Ltmp20, $2  }
0x177: {  	_ =	sdelay $0x2  }
0x178: {  	s21 =	simm.s32 $0x0;
	s20 =	simm.s32 $0x0;
	s19 =	simm.s32 $0x4800  }
.LBB2_19:
0x179: {  	p1 =	slt.s32 @!p0 s6, $0x1  }
0x17a: {  	p1 =	por p0, p1  }
.Ltmp21:
0x17b: {  	_ = 	snop;
	(pc) =	sbr.rel @p1 .LBB2_26-.Ltmp21, $1  }
0x17c: {  	_ =	sdelay $0x3  }
0x17d: {  	p2 =	seq.s32 s6, $0x1  }
.Ltmp22:
0x17e: {  	_ = 	snop;
	(pc) =	sbr.rel @p2 .LBB2_21-.Ltmp22, $3  }
0x17f: {  	_ =	sdelay $0x1  }
0x180: {  	s15 =	simm.s32 $0x4000;
	s14 =	simm.s32 $0x4800  }
0x181: {  	s13 =	simm.s32 $0x0;
	s6 =	sadd.s32 $0xFFFFFFFF, s6;
	p1 =	por $0x0, $0x0;
	v18 =	vld [tilespmem:s15+$0x0]  }
0x182: {  	_ =	sdelay $0x3  }
0x183: {  	v19 =	vor.u32 s13, v3;
	v20 =	vand.u32 $0xFFFFFF00, v18  }
0x184: {  	vm1 =	vlt.s32 v19, v17;
	vm2 =	veq.s32 v20, $0xF4200  }
0x185: {  	vm1 =	vmand vm1, vm2  }
0x186: {  	v19 =	vsel vm1, $0x1, v2  }
0x187: {  	(xrf0) =	vadd.scan.msk.s32 $0xffff, v19;
	_ =	sdelay $0x2  }
0x188: {  	v19 =	vmov s13  }
0x189: {  	v19 =	vadd.s32 $0xFFFFFFFF, v19  }
0x18a: {  	v19 =	vbroadcast v19, $0x0  }
0x18b: {  	v20, _, _ =	vpop (xrf0)  }
0x18c: {  	v19 =	vadd.s32 v20, v19;
	(v2sf) =	vpush v20, $0xF  }
0x18d: {  	vm2 =	vlt.s32 v19, $0x3F  }
0x18e: {  	v19 =	vnsel vm2, $0x3F, v19  }
0x18f: {  	v21 =	vld [tilespmem:s14+$0x0]  }
0x190: {  	p2 =	seq.s32 s6, $0x1  }
.Ltmp23:
0x191: {  	_ = 	snop;
	(pc) =	sbr.rel @p2 .LBB2_33-.Ltmp23, $4  }
0x192: {  	_ = 	snop  }
0x193: {  	[tilespmem:v19+s22+$0x0] =	vst.idx.msk vm1, v18  }
0x194: {  	s19 =	simm.s32 $0x4010;
	s20 =	sadd.s32 $0xFFFFFFFF, s6;
	p1 =	por $0x1, $0x1;
	[tilespmem:v19+s25+$0x0] =	vst.idx.msk vm1, v21  }
0x195: {  	s17 =	simm.s32 $0x0;
	s15 =	simm.s32 $0x0;
	s6 =	simm.s32 $0x4800;
	v18 =	vld [tilespmem:s19+$0x0]  }
.LBB2_34:
0x196: {  	p2 =	seq.s32 s20, $0x1;
	_ =	sdelay $0x2  }
0x197: {  	s17 =	sadd.s32 $0x10, s17  }
0x198: {  	v19 =	vor.u32 s17, v3;
	v20 =	vand.u32 $0xFFFFFF00, v18  }
0x199: {  	vm1 =	vlt.s32 v19, v17;
	vm2 =	veq.s32 v20, $0xF4200;
	s8 =	spop (v2sf)  }
0x19a: {  	vm1 =	vmand vm1, vm2;
	s15 =	sadd.s32 s15, s8  }
0x19b: {  	v19 =	vsel vm1, $0x1, v2;
	v20 =	vmov s15  }
0x19c: {  	v20 =	vadd.s32 $0xFFFFFFFF, v20;
	(xrf0) =	vadd.scan.msk.s32 $0xffff, v19  }
0x19d: {  	v19 =	vbroadcast v20, $0x0;
	_ =	sdelay $0x4  }
0x19e: {  	v20, _, _ =	vpop (xrf0)  }
0x19f: {  	v19 =	vadd.s32 v20, v19;
	(v2sf) =	vpush v20, $0xF  }
0x1a0: {  	vm2 =	vlt.s32 v19, $0x3F  }
0x1a1: {  	s6 =	sadd.s32 $0x10, s6;
	v19 =	vnsel vm2, $0x3F, v19  }
0x1a2: {  	v20 =	vld [tilespmem:s6+$0x0];
	_ =	sdelay $0x1  }
.Ltmp24:
0x1a3: {  	(pc) =	sbr.rel @!p2 .LBB2_34-.Ltmp24, $4  }
0x1a4: {  	_ = 	snop  }
0x1a5: {  	[tilespmem:v19+s22+$0x0] =	vst.idx.msk vm1, v18  }
0x1a6: {  	s19 =	sadd.s32 $0x10, s19;
	[tilespmem:v19+s25+$0x0] =	vst.idx.msk vm1, v20  }
0x1a7: {  	s20 =	sadd.s32 $0xFFFFFFFF, s20;
	v18 =	vld [tilespmem:s19+$0x0]  }
.LBB2_35:
0x1a8: {  	_ =	sdelay $0x1  }
0x1a9: {  	s8 =	sadd.s32 @p1 $0x10, s17;
	s17 =	simm.s32 $0x0  }
0x1aa: {  	s17 =	smov.u32 @p1 s8  }
0x1ab: {  	v19 =	vor.u32 s17, v3;
	v20 =	vand.u32 $0xFFFFFF00, v18  }
0x1ac: {  	vm1 =	vlt.s32 v19, v17;
	vm2 =	veq.s32 v20, $0xF4200  }
0x1ad: {  	vm1 =	vmand vm1, vm2  }
0x1ae: {  	v17 =	vsel vm1, $0x1, v2  }
0x1af: {  	(xrf0) =	vadd.scan.msk.s32 $0xffff, v17;
	_ =	sdelay $0x5  }
0x1b0: {  	v17, _, _ =	vpop (xrf0)  }
0x1b1: {  	(v2sf) =	vpush v17, $0xF  }
0x1b2: {  	s8 =	spop @p1 (v2sf)  }
0x1b3: {  	s8 =	sadd.s32 @p1 s15, s8  }
0x1b4: {  	s13 =	smov.u32 @p1 s8  }
0x1b5: {  	v19 =	vmov s13  }
0x1b6: {  	v19 =	vadd.s32 $0xFFFFFFFF, v19  }
0x1b7: {  	v19 =	vbroadcast v19, $0x0;
	_ =	sdelay $0x1  }
0x1b8: {  	v17 =	vadd.s32 v17, v19  }
0x1b9: {  	s6 =	sadd.s32 @p1 $0x10, s6;
	vm2 =	vlt.s32 v17, $0x3F  }
0x1ba: {  	s14 =	smov.u32 @p1 s6;
	v17 =	vnsel vm2, $0x3F, v17  }
0x1bb: {  	v19 =	vld [tilespmem:s14+$0x0];
	_ =	sdelay $0x3  }
0x1bc: {  	[tilespmem:v17+s22+$0x0] =	vst.idx.msk vm1, v18;
	s26 =	spop (v2sf)  }
0x1bd: {  	[tilespmem:v17+s25+$0x0] =	vst.idx.msk vm1, v19;
	s6 =	sadd.s32 s13, s26  }
0x1be: {  	p1 =	slt.s32 s6, $0x1  }
.Ltmp25:
0x1bf: {  	_ = 	snop;
	(pc) =	sbr.rel @p1 .LBB2_40-.Ltmp25, $1  }
0x1c0: {  	_ =	sdelay $0x3  }
.Ltmp26:
0x1c1: {  	(pc) =	sbr.rel .LBB2_29-.Ltmp26, $2  }
0x1c2: {  	_ =	sdelay $0x2  }
0x1c3: {  	s13 =	simm.s32 $0x0  }
.LBB2_36:
0x1c4: {  	p1 =	slt.s32 s29, $0x1  }
.Ltmp27:
0x1c5: {  	_ = 	snop;
	(pc) =	sbr.rel @p1 .LBB2_38-.Ltmp27, $3  }
0x1c6: {  	_ =	sdelay $0x1  }
0x1c7: {  	[hbm4b:s9+s7] =	stream.indirect_vreg.scatter [tilespmem:s5], [sflag:$0x5], $0x80, v16, vm0, $0xb8;
	[tilespmem:$0x18100] =	vst v63  }
0x1c8: {  	s14 =	simm.s32 $0x6  }
.LBB2_37:
0x1c9: {  	_ =	swait.ge [sflag:s14], $0x800  }
0x1ca: {  	[sflag:s14] =	ssyncset.done $0x0  }
0x1cb: {  	[sflag:s14] =	ssyncadd.s32 $0xFFFFF800  }
.LBB2_38:
0x1cc: {  	s30 =	sxor.u32 $0x1, s30  }
.LBB2_39:
0x1cd: {  	s13 =	sadd.s32 $0x1, s13  }
0x1ce: {  	p2 =	sne.s32 s6, s13  }
.Ltmp28:
0x1cf: {  	_ = 	snop;
	(pc) =	sbr.rel @!p2 .LBB2_40-.Ltmp28, $3  }
0x1d0: {  	_ =	sdelay $0x1  }
0x1d1: {  	p1 =	seq.s32 s31, $0x10  }
0x1d2: {  	s29 =	simm.s32 @p1 $0x1;
	s31 =	simm.s32 @p1 $0x0;
	v16 =	vpsel p1, v4, v16  }
.LBB2_29:
0x1d3: {  	s8 =	sand.u32 $0x7FFFFFF0, s13  }
0x1d4: {  	v17 =	vld [tilespmem:s8+$0x5000];
	_ =	sdelay $0x2  }
0x1d5: {  	s14 =	sand.u32 $0xF, s13  }
0x1d6: {  	v18 =	vmov s14  }
0x1d7: {  	v17 =	vperm.xlane v17, v18;
	_ =	sdelay $0x1  }
0x1d8: {  	v17 =	vand.u32 $0x7F, v17  }
0x1d9: {  	v19 =	vor.u32 v5, v17;
	_ =	sdelay $0x1  }
0x1da: {  	s26 =	sshll.u32 s30, $0x4  }
0x1db: {  	s14 =	sadd.s32 s31, s26  }
0x1dc: {  	s14 =	sshll.u32 s14, $0x7  }
0x1dd: {  	v20 =	vor.u32 s14, v3;
	v19 =	vld.idx.msk [tilespmem:v19+s11+$0x0], $0xffff  }
0x1de: {  	v21 =	vor.u32 v6, v17;
	_ =	sdelay $0x3  }
0x1df: {  	v22 =	vld [tilespmem:s8+$0x5080];
	[tilespmem:v20+s5+$0x0] =	vst.idx.msk $0xffff, v19  }
0x1e0: {  	v60 =	vor.u32 s14, v7;
	v19 =	vld.idx.msk [tilespmem:v21+s11+$0x0], $0xffff  }
0x1e1: {  	v61 =	vor.u32 v8, v17;
	_ =	sdelay $0x3  }
0x1e2: {  	[tilespmem:v60+s5+$0x0] =	vst.idx.msk $0xffff, v19  }
0x1e3: {  	v62 =	vor.u32 s14, v9;
	v19 =	vld.idx.msk [tilespmem:v61+s11+$0x0], $0xffff  }
0x1e4: {  	v17 =	vor.u32 v10, v17;
	_ =	sdelay $0x3  }
0x1e5: {  	v63 =	vmov s31;
	s31 =	sadd.s32 $0x1, s31;
	[tilespmem:v62+s5+$0x0] =	vst.idx.msk $0xffff, v19  }
0x1e6: {  	p1 =	sne.s32 s31, $0x10;
	v19 =	vor.u32 s14, v11;
	v17 =	vld.idx.msk [tilespmem:v17+s11+$0x0], $0xffff  }
.Ltmp29:
0x1e7: {  	_ = 	snop;
	(pc) =	sbr.rel @p1 .LBB2_39-.Ltmp29, $4  }
0x1e8: {  	_ = 	snop  }
0x1e9: {  	v18 =	vperm.xlane v22, v18  }
0x1ea: {  	vm1 =	veq.s32 v63, v3  }
0x1eb: {  	v16 =	vsel vm1, v18, v16;
	[tilespmem:v19+s5+$0x0] =	vst.idx.msk $0xffff, v17  }
0x1ec: {  	p1 =	seq.s32 s30, $0x0  }
.Ltmp30:
0x1ed: {  	_ = 	snop;
	(pc) =	sbr.rel @p1 .LBB2_36-.Ltmp30, $1  }
0x1ee: {  	_ =	sdelay $0x3  }
0x1ef: {  	p1 =	sgt.s32 s29, $0x0  }
.Ltmp31:
0x1f0: {  	_ = 	snop;
	(pc) =	sbr.rel @p1 .LBB2_37-.Ltmp31, $4  }
.Ltmp32:
0x1f1: {  	_ = 	snop;
	(pc) =	sbr.rel @!p1 .LBB2_38-.Ltmp32, $4  }
0x1f2: {  	_ = 	snop  }
0x1f3: {  	[hbm4b:s9+s7] =	stream.indirect_vreg.scatter [tilespmem:s16], [sflag:$0x6], $0x80, v16, vm0, $0xb8;
	[tilespmem:$0x18100] =	vst v63  }
0x1f4: {  	s14 =	simm.s32 $0x5  }
0x1f5: {  	_ = 	snop  }
.LBB2_26:
0x1f6: {  	s30 =	smov.u32 @p0 s30;
	s29 =	smov.u32 @p0 s29;
	v16 =	vpsel p0, v16, v16  }
.LBB2_40:
0x1f7: {  	p1 =	seq.s32 s30, $0x0  }
.Ltmp33:
0x1f8: {  	_ = 	snop;
	(pc) =	sbr.rel @p1 .LBB2_42-.Ltmp33, $1  }
0x1f9: {  	_ =	sdelay $0x3  }
0x1fa: {  	_ =	sdelay $0x3  }
0x1fb: {  	[hbm4b:s9+s7] =	stream.indirect_vreg.scatter [tilespmem:s16], [sflag:$0x6], $0x80, v16, vm0, $0xb8;
	[tilespmem:$0x18100] =	vst v63  }
0x1fc: {  	p1 =	sgt.s32 s29, $0x0  }
.Ltmp34:
0x1fd: {  	_ = 	snop;
	(pc) =	sbr.rel @p1 .LBB2_43-.Ltmp34, $4  }
.Ltmp35:
0x1fe: {  	s6 =	simm.s32 $0x6;
	(pc) =	sbr.rel @!p1 .LBB2_44-.Ltmp35, $4  }
0x1ff: {  	_ =	swait.ge [sflag:s6], $0x800  }
0x200: {  	[sflag:s6] =	ssyncset.done $0x0  }
0x201: {  	[sflag:s6] =	ssyncadd.s32 $0xFFFFF800;
	s6 =	simm.s32 $0x5  }
0x202: {  	_ = 	snop  }
.LBB2_21:
.Ltmp36:
0x203: {  	(pc) =	sbr.rel .LBB2_35-.Ltmp36, $2  }
0x204: {  	_ =	sdelay $0x2  }
0x205: {  	s17 =	simm.s32 $0x0;
	s15 =	simm.s32 $0x0;
	s6 =	simm.s32 $0x4800  }
.LBB2_33:
.Ltmp37:
0x206: {  	(pc) =	sbr.rel .LBB2_35-.Ltmp37, $2  }
0x207: {  	_ =	sdelay $0x2  }
0x208: {  	s17 =	simm.s32 $0x0;
	s15 =	simm.s32 $0x0;
	s6 =	simm.s32 $0x4800  }
.LBB2_45:
0x209: {  	_ =	sfence.sel $0x180000  }
0x20a: {  	[bflag:$0x0] =	sbarrier.arrive $0xFFFF  }
0x20b: {  	_ =	strace $0x90000047  }
0x20c: {  	s0 =	stileid.u32;
	[bflag:$0x2] =	sbarrier.arrive $0xFFFF  }
0x20d: {  	p0 =	sne.s32 s0, $0x0;
	s0 =	rddreg [dreg:$0x4]  }
0x20e: {  	s0 =	sadd.s32 @!p0 $0x100000, s0  }
0x20f: {  	[sflag:s0] =	ssyncadd.tile.s32 @!p0 $0x1;
	_ =	shalt  }
.Lfunc_end2:
_tile_overlayer_lowered:
.L_overlay_start_2:
0x210: {  	(tag) =	ssettag $0x2  }
0x211: {  	s0 =	rddreg [dreg:$0x0];
	s2 =	stileid.u32  }
0x212: {  	s1 =	rddreg [dreg:$0x1];
	p0 =	sne.s32 s2, $0x0  }
0x213: {  	s3 =	rddreg [dreg:$0x2];
	[bflag:$0x3] =	sbarrier.arrive $0xFFFF;
	s2 =	simm.s32 @!p0 $0x1C07  }
0x214: {  	[timem:s3], [sflag:s2] =	dma.local @!p0 [hbm:s0], s1  }
0x215: {  	s0 =	simm.s32 @!p0 $0x7  }
0x216: {  	_ =	swait.ge @!p0 [sflag:s0], s1  }
0x217: {  	s1 =	ssub.s32 @!p0 $0x0, s1;
	[sflag:s0] =	ssyncset.done @!p0 $0x0  }
0x218: {  	[sflag:s0] =	ssyncadd.s32 @!p0 s1  }
0x219: {  	[bflag:$0x3] =	sbarrier.arrive $0xFFFF  }
0x21a: {  	_ =	shalt  }

</sc_bundles>
